<compile_context>
chip_gen: v7x
topology: tpu7x:2x2x1
jax: 0.10.2.dev20260603
libtpu: 0.0.44.dev20260713+nightly
codegen_flags: <defaults>
</compile_context>

<pallas_src>
import functools

import jax
import jax.numpy as jnp
from jax import lax
from jax.experimental import pallas as pl
from jax.experimental.pallas import tpu as pltpu
from jax.experimental.pallas import tpu_sc as plsc

_info = plsc.get_sparse_core_info()
_NC, _NS = _info.num_cores, _info.num_subcores
_NW = _NC * _NS
_L = 16
_PK = 4


def _gather_t(table4, src_t, d):
    v4, dp = table4.shape
    h, b = src_t.shape
    blk = b // _NW
    half = blk // 2
    ng = half // _L
    mesh = plsc.VectorSubcoreMesh(core_axis_name="c", subcore_axis_name="s")

    @functools.partial(
        pl.kernel,
        out_type=jax.ShapeDtypeStruct((h, d, b), jnp.float32),
        mesh=mesh,
        scratch_types=[
            pltpu.VMEM((h, blk), jnp.int32),
            pltpu.VMEM((half,), jnp.int32),
            pltpu.VMEM((half,), jnp.int32),
            pltpu.VMEM((half, dp), jnp.float32),
            pltpu.VMEM((half, dp), jnp.float32),
            pltpu.VMEM((d, blk), jnp.float32),
            pltpu.SemaphoreType.DMA,
            pltpu.SemaphoreType.DMA,
            pltpu.SemaphoreType.DMA,
        ],
        compiler_params=pltpu.CompilerParams(
            use_tc_tiling_on_sc=True, needs_layout_passes=False
        ),
    )
    def k(table_hbm, src_hbm, out_hbm, idx_v, q0, q1, rows0, rows1, rt,
          sg0, sg1, sw):
        wid = lax.axis_index("s") * _NC + lax.axis_index("c")
        b0 = wid * blk
        pltpu.sync_copy(src_hbm.at[:, pl.ds(b0, blk)], idx_v)

        rows, q, sg = [rows0, rows1], [q0, q1], [sg0, sg1]
        lane = lax.iota(jnp.int32, _L)

        def prep(hh, c):
            @plsc.parallel_loop(0, ng, unroll=4)
            def pbody(g, c=c):
                iv = idx_v[hh, pl.ds(c * half + g * _L, _L)]
                q[c][pl.ds(g * _L, _L)] = lax.shift_right_logical(iv, 2)

        def g_start(c):
            pltpu.async_copy(table_hbm.at[q[c]], rows[c], sg[c])

        def g_wait(c):
            pltpu.make_async_copy(table_hbm.at[pl.ds(0, half)], rows[c], sg[c]).wait()

        def w_wait():
            pltpu.make_async_copy(rt, out_hbm.at[0, :, pl.ds(b0, blk)], sw).wait()

        def tpose(hh, c):
            @plsc.parallel_loop(0, ng, unroll=2)
            def tbody(g, c=c):
                iv = idx_v[hh, pl.ds(c * half + g * _L, _L)]
                colbase = (iv & 3) * d
                rvec = g * _L + lane
                for e in range(d):
                    vec = plsc.load_gather(rows[c], [rvec, colbase + e])
                    rt[e, pl.ds(c * half + g * _L, _L)] = vec

        prep(0, 0)
        prep(0, 1)
        g_start(0)
        g_start(1)

        def body(hh, _):
            g_wait(0)

            @pl.when(hh >= 1)
            def _():
                w_wait()

            tpose(hh, 0)
            g_wait(1)

            @pl.when(hh + 1 < h)
            def _():
                prep(hh + 1, 0)
                g_start(0)

            tpose(hh, 1)

            @pl.when(hh + 1 < h)
            def _():
                prep(hh + 1, 1)
                g_start(1)

            pltpu.async_copy(rt, out_hbm.at[hh, :, pl.ds(b0, blk)], sw)
            return _

        lax.fori_loop(0, h, body, None)
        w_wait()

    return k(table4, src_t)


def kernel(src, W):
    b, h = src.shape
    v, d = W.shape
    assert v % _PK == 0 and b % (2 * _NW) == 0
    w4 = W.reshape(v // _PK, _PK * d)
    out_t = _gather_t(w4, src.T, d)
    return out_t.transpose(2, 0, 1)

# --- scband reference (transcript-rebuilt; emitter-appended) ---
"""Pipeline reference for scband-word-embedding-21663815041085 (READ-ONLY COPY).

The authoritative reference and input builder live on the scoring server;
editing this copy changes nothing except your own understanding.
"""

import jax, jax.numpy as jnp
import numpy as np

INPUT_DIM = 1000000
EMB_SIZE = 32
BATCH = 16384
HIST = 50


def setup_inputs(seed: int = 0) -> dict:
    key = jax.random.key(seed)
    k1, k2 = jax.random.split(key)
    src = jax.random.randint(k1, (BATCH, HIST), 0, INPUT_DIM, dtype=jnp.int32)
    # Faithful to torch init: row 0 is zeros (padding), rest uniform(-0.5/emb, 0.5/emb)
    w_rest = jax.random.uniform(
        k2, (INPUT_DIM - 1, EMB_SIZE),
        minval=-0.5 / EMB_SIZE, maxval=0.5 / EMB_SIZE, dtype=jnp.float32,
    )
    W = jnp.concatenate([jnp.zeros((1, EMB_SIZE), dtype=jnp.float32), w_rest], axis=0)
    return {"src": src, "W": W}


def reference(src, W):
    # n_layers == 0, so forward is a pure embedding lookup
    emb = jnp.take(W, src, axis=0)
    return emb

if __name__ == "__main__":
    import jax
    _d = setup_inputs()
    print(jax.jit(kernel)(*tuple(_d.values())))

</pallas_src>

<mosaic_0001>
#map = affine_map<(d0, d1) -> (0, 0)>
#map1 = affine_map<(d0, d1) -> (0, 0, 0)>
module attributes {stable_mosaic.version = 14 : i64} {
  func.func @k(%arg0: i32, %arg1: i32, %arg2: memref<250000x128xf32, #tpu.memory_space<hbm>>, %arg3: memref<50x16384xi32, #tpu.memory_space<hbm>>, %arg4: memref<50x32x16384xf32, #tpu.memory_space<hbm>>, %arg5: memref<50x512xi32, #tpu.memory_space<vmem>>, %arg6: memref<256xi32, #tpu.memory_space<vmem>>, %arg7: memref<256xi32, #tpu.memory_space<vmem>>, %arg8: memref<256x128xf32, #tpu.memory_space<vmem>>, %arg9: memref<256x128xf32, #tpu.memory_space<vmem>>, %arg10: memref<32x512xf32, #tpu.memory_space<vmem>>, %arg11: memref<!tpu.dma_semaphore, #tpu.memory_space<semaphore_mem>>, %arg12: memref<!tpu.dma_semaphore, #tpu.memory_space<semaphore_mem>>, %arg13: memref<!tpu.dma_semaphore, #tpu.memory_space<semaphore_mem>>) attributes {dimension_semantics = [#tpu.dimension_semantics<core_parallel>, #tpu.dimension_semantics<subcore_parallel>], iteration_bounds = array<i64: 2, 16>, scalar_prefetch = 0 : i64, scratch_operands = 9 : i64, tpu.core_type = #tpu.core_type<sc_vector_subcore>, window_params = [{transform_indices = #map}, {transform_indices = #map}, {transform_indices = #map1}]} {
    %mul3A = arith.constant 2 : i32
    %mul3A_0 = arith.muli %arg1, %mul3A : i32
    %add3A = arith.addi %mul3A_0, %arg0 : i32
    %mul3A_1 = arith.constant 512 : i32
    %mul3A_2 = arith.muli %add3A, %mul3A_1 : i32
    "tpu.region"() ({
      %run_scoped3A = tpu.sem_alloc : memref<!tpu.dma_semaphore, #tpu.memory_space<semaphore_mem>>
      %dma_start3A_23 = arith.constant 0 : i32
      %dma_start3A_24 = tpu.memref_slice %arg3[%dma_start3A_23, %mul3A_2] : memref<50x16384xi32, #tpu.memory_space<hbm>> -> memref<50x512xi32, #tpu.memory_space<hbm>>
      %dma_start3A_25 = arith.constant 0 : i32
      %dma_start3A_26 = tpu.memref_slice %arg3[%dma_start3A_25, %mul3A_2] : memref<50x16384xi32, #tpu.memory_space<hbm>> -> memref<50x512xi32, #tpu.memory_space<hbm>>
      tpu.enqueue_dma source(%dma_start3A_26 : memref<50x512xi32, #tpu.memory_space<hbm>>) target(%arg5 : memref<50x512xi32, #tpu.memory_space<vmem>>) target_semaphore(%run_scoped3A : memref<!tpu.dma_semaphore, #tpu.memory_space<semaphore_mem>>)
      %dma_wait3A_27 = arith.constant 0 : i32
      %dma_wait3A_28 = tpu.memref_slice %arg3[%dma_wait3A_27, %mul3A_2] : memref<50x16384xi32, #tpu.memory_space<hbm>> -> memref<50x512xi32, #tpu.memory_space<hbm>>
      %dma_wait3A_29 = arith.constant 0 : i32
      %dma_wait3A_30 = tpu.memref_slice %arg3[%dma_wait3A_29, %mul3A_2] : memref<50x16384xi32, #tpu.memory_space<hbm>> -> memref<50x512xi32, #tpu.memory_space<hbm>>
      tpu.wait_dma2 semaphore(%run_scoped3A : memref<!tpu.dma_semaphore, #tpu.memory_space<semaphore_mem>>) src(%dma_wait3A_30 : memref<50x512xi32, #tpu.memory_space<hbm>>) dst(%arg5 : memref<50x512xi32, #tpu.memory_space<vmem>>)
      tpu.yield
    }) : () -> ()
    %iota3A = tpu.iota {dimensions = array<i32: 0>} : vector<16xi32>
    %parallel_loop3A = arith.constant 0 : i32
    %parallel_loop3A_3 = arith.constant 16 : i32
    %parallel_loop3A_4 = arith.constant 1 : i32
    scf.for %parallel_loop3A_23 = %parallel_loop3A to %parallel_loop3A_3 step %parallel_loop3A_4  : i32 {
      %parallel_loop3A_24 = arith.constant 16 : i32
      %parallel_loop3A_25 = arith.muli %parallel_loop3A_23, %parallel_loop3A_24 : i32
      %parallel_loop3A_26 = arith.constant 0 : i32
      %parallel_loop3A_27 = arith.addi %parallel_loop3A_26, %parallel_loop3A_25 : i32
      %parallel_loop3A_28 = arith.constant 0 : i32
      %parallel_loop3A_29 = arith.index_cast %parallel_loop3A_28 : i32 to index
      %parallel_loop3A_30 = arith.index_cast %parallel_loop3A_27 : i32 to index
      %parallel_loop3A_31 = tpu.vector_load %arg5[%parallel_loop3A_29, %parallel_loop3A_30] {strides = array<i32>} : memref<50x512xi32, #tpu.memory_space<vmem>>, vector<16xi32>,
      %parallel_loop3A_32 = arith.constant 2 : i32
      %parallel_loop3A_33 = vector.broadcast %parallel_loop3A_32 : i32 to vector<16xi32>
      %parallel_loop3A_34 = arith.shrui %parallel_loop3A_31, %parallel_loop3A_33 : vector<16xi32>
      %parallel_loop3A_35 = arith.constant 16 : i32
      %parallel_loop3A_36 = arith.muli %parallel_loop3A_23, %parallel_loop3A_35 : i32
      %parallel_loop3A_37 = arith.index_cast %parallel_loop3A_36 : i32 to index
      %parallel_loop3A_38 = tpu.vector_load %arg6[%parallel_loop3A_37] {strides = array<i32>} : memref<256xi32, #tpu.memory_space<vmem>>, vector<16xi32>,
      tpu.vector_store %arg6[%parallel_loop3A_37], %parallel_loop3A_34 {strides = array<i32>} : memref<256xi32, #tpu.memory_space<vmem>>, vector<16xi32>,
    } {sc.loop_unroll_factor = 4 : i64, sc.parallel_access}
    %parallel_loop3A_5 = arith.constant 0 : i32
    %parallel_loop3A_6 = arith.constant 16 : i32
    %parallel_loop3A_7 = arith.constant 1 : i32
    scf.for %parallel_loop3A_23 = %parallel_loop3A_5 to %parallel_loop3A_6 step %parallel_loop3A_7  : i32 {
      %parallel_loop3A_24 = arith.constant 16 : i32
      %parallel_loop3A_25 = arith.muli %parallel_loop3A_23, %parallel_loop3A_24 : i32
      %parallel_loop3A_26 = arith.constant 256 : i32
      %parallel_loop3A_27 = arith.addi %parallel_loop3A_26, %parallel_loop3A_25 : i32
      %parallel_loop3A_28 = arith.constant 0 : i32
      %parallel_loop3A_29 = arith.index_cast %parallel_loop3A_28 : i32 to index
      %parallel_loop3A_30 = arith.index_cast %parallel_loop3A_27 : i32 to index
      %parallel_loop3A_31 = tpu.vector_load %arg5[%parallel_loop3A_29, %parallel_loop3A_30] {strides = array<i32>} : memref<50x512xi32, #tpu.memory_space<vmem>>, vector<16xi32>,
      %parallel_loop3A_32 = arith.constant 2 : i32
      %parallel_loop3A_33 = vector.broadcast %parallel_loop3A_32 : i32 to vector<16xi32>
      %parallel_loop3A_34 = arith.shrui %parallel_loop3A_31, %parallel_loop3A_33 : vector<16xi32>
      %parallel_loop3A_35 = arith.constant 16 : i32
      %parallel_loop3A_36 = arith.muli %parallel_loop3A_23, %parallel_loop3A_35 : i32
      %parallel_loop3A_37 = arith.index_cast %parallel_loop3A_36 : i32 to index
      %parallel_loop3A_38 = tpu.vector_load %arg7[%parallel_loop3A_37] {strides = array<i32>} : memref<256xi32, #tpu.memory_space<vmem>>, vector<16xi32>,
      tpu.vector_store %arg7[%parallel_loop3A_37], %parallel_loop3A_34 {strides = array<i32>} : memref<256xi32, #tpu.memory_space<vmem>>, vector<16xi32>,
    } {sc.loop_unroll_factor = 4 : i64, sc.parallel_access}
    %dma_start3A = arith.constant 0 : i32
    %dma_start3A_8 = arith.constant 0 : i32
    %dma_start3A_9 = tpu.memref_slice %arg2[%dma_start3A, %dma_start3A_8] : memref<250000x128xf32, #tpu.memory_space<hbm>> -> memref<250000x128xf32, #tpu.memory_space<hbm>>
    tpu.enqueue_indirect_dma source(%dma_start3A_9 : memref<250000x128xf32, #tpu.memory_space<hbm>>) target(%arg8 : memref<256x128xf32, #tpu.memory_space<vmem>>) offsets(%arg6 : memref<256xi32, #tpu.memory_space<vmem>>) semaphore(%arg11 : memref<!tpu.dma_semaphore, #tpu.memory_space<semaphore_mem>>)
    %dma_start3A_10 = arith.constant 0 : i32
    %dma_start3A_11 = arith.constant 0 : i32
    %dma_start3A_12 = tpu.memref_slice %arg2[%dma_start3A_10, %dma_start3A_11] : memref<250000x128xf32, #tpu.memory_space<hbm>> -> memref<250000x128xf32, #tpu.memory_space<hbm>>
    tpu.enqueue_indirect_dma source(%dma_start3A_12 : memref<250000x128xf32, #tpu.memory_space<hbm>>) target(%arg9 : memref<256x128xf32, #tpu.memory_space<vmem>>) offsets(%arg7 : memref<256xi32, #tpu.memory_space<vmem>>) semaphore(%arg12 : memref<!tpu.dma_semaphore, #tpu.memory_space<semaphore_mem>>)
    %scan3A = arith.constant 0 : i32
    %scan3A_13 = arith.constant 50 : i32
    %scan3A_14 = arith.addi %scan3A, %scan3A_13 : i32
    %scan3A_15 = arith.constant 1 : i32
    scf.for %scan3A_23 = %scan3A to %scan3A_14 step %scan3A_15  : i32 {
      %dma_wait3A_24 = arith.constant 0 : i32
      %dma_wait3A_25 = arith.constant 0 : i32
      %dma_wait3A_26 = tpu.memref_slice %arg2[%dma_wait3A_24, %dma_wait3A_25] : memref<250000x128xf32, #tpu.memory_space<hbm>> -> memref<256x128xf32, #tpu.memory_space<hbm>>
      %dma_wait3A_27 = arith.constant 0 : i32
      %dma_wait3A_28 = arith.constant 0 : i32
      %dma_wait3A_29 = tpu.memref_slice %arg2[%dma_wait3A_27, %dma_wait3A_28] : memref<250000x128xf32, #tpu.memory_space<hbm>> -> memref<256x128xf32, #tpu.memory_space<hbm>>
      tpu.wait_dma2 semaphore(%arg11 : memref<!tpu.dma_semaphore, #tpu.memory_space<semaphore_mem>>) src(%dma_wait3A_29 : memref<256x128xf32, #tpu.memory_space<hbm>>) dst(%arg8 : memref<256x128xf32, #tpu.memory_space<vmem>>)
      %ge3A = arith.constant 1 : i32
      %ge3A_30 = arith.cmpi sge, %scan3A_23, %ge3A : i32
      %convert_element_type3A = arith.extui %ge3A_30 : i1 to i32
      %cond3A = arith.constant 0 : i32
      %cond3A_31 = arith.cmpi ne, %convert_element_type3A, %cond3A : i32
      scf.if %cond3A_31 {
        %dma_wait3A_63 = arith.constant 0 : i32
        %dma_wait3A_64 = arith.constant 0 : i32
        %dma_wait3A_65 = tpu.memref_slice %arg4[%dma_wait3A_63, %dma_wait3A_64, %mul3A_2] : memref<50x32x16384xf32, #tpu.memory_space<hbm>> -> memref<1x32x512xf32, #tpu.memory_space<hbm>>
        %dma_wait3A_66 = tpu.memref_squeeze %dma_wait3A_65 : memref<1x32x512xf32, #tpu.memory_space<hbm>> -> memref<32x512xf32, #tpu.memory_space<hbm>>
        %dma_wait3A_67 = arith.constant 0 : i32
        %dma_wait3A_68 = tpu.memref_slice %arg4[%dma_wait3A_63, %dma_wait3A_67, %mul3A_2] : memref<50x32x16384xf32, #tpu.memory_space<hbm>> -> memref<1x32x512xf32, #tpu.memory_space<hbm>>
        %dma_wait3A_69 = tpu.memref_squeeze %dma_wait3A_68 : memref<1x32x512xf32, #tpu.memory_space<hbm>> -> memref<32x512xf32, #tpu.memory_space<hbm>>
        tpu.wait_dma2 semaphore(%arg13 : memref<!tpu.dma_semaphore, #tpu.memory_space<semaphore_mem>>) src(%arg10 : memref<32x512xf32, #tpu.memory_space<vmem>>) dst(%dma_wait3A_69 : memref<32x512xf32, #tpu.memory_space<hbm>>)
      } else {
      }
      %parallel_loop3A_32 = arith.constant 0 : i32
      %parallel_loop3A_33 = arith.constant 16 : i32
      %parallel_loop3A_34 = arith.constant 1 : i32
      scf.for %parallel_loop3A_63 = %parallel_loop3A_32 to %parallel_loop3A_33 step %parallel_loop3A_34  : i32 {
        %parallel_loop3A_64 = arith.constant 16 : i32
        %parallel_loop3A_65 = arith.muli %parallel_loop3A_63, %parallel_loop3A_64 : i32
        %parallel_loop3A_66 = arith.constant 0 : i32
        %parallel_loop3A_67 = arith.addi %parallel_loop3A_66, %parallel_loop3A_65 : i32
        %parallel_loop3A_68 = arith.index_cast %scan3A_23 : i32 to index
        %parallel_loop3A_69 = arith.index_cast %parallel_loop3A_67 : i32 to index
        %parallel_loop3A_70 = tpu.vector_load %arg5[%parallel_loop3A_68, %parallel_loop3A_69] {strides = array<i32>} : memref<50x512xi32, #tpu.memory_space<vmem>>, vector<16xi32>,
        %parallel_loop3A_71 = arith.constant 3 : i32
        %parallel_loop3A_72 = vector.broadcast %parallel_loop3A_71 : i32 to vector<16xi32>
        %parallel_loop3A_73 = arith.andi %parallel_loop3A_70, %parallel_loop3A_72 : vector<16xi32>
        %parallel_loop3A_74 = arith.constant 32 : i32
        %parallel_loop3A_75 = vector.broadcast %parallel_loop3A_74 : i32 to vector<16xi32>
        %parallel_loop3A_76 = arith.muli %parallel_loop3A_73, %parallel_loop3A_75 : vector<16xi32>
        %parallel_loop3A_77 = arith.constant 16 : i32
        %parallel_loop3A_78 = arith.muli %parallel_loop3A_63, %parallel_loop3A_77 : i32
        %parallel_loop3A_79 = vector.broadcast %parallel_loop3A_78 : i32 to vector<16xi32>
        %parallel_loop3A_80 = arith.addi %parallel_loop3A_79, %iota3A : vector<16xi32>
        %parallel_loop3A_81 = arith.constant 0 : i32
        %parallel_loop3A_82 = vector.broadcast %parallel_loop3A_81 : i32 to vector<16xi32>
        %parallel_loop3A_83 = arith.addi %parallel_loop3A_76, %parallel_loop3A_82 : vector<16xi32>
        %parallel_loop3A_84 = tpu.vector_load_idx %arg8[%parallel_loop3A_80, %parallel_loop3A_83] : memref<256x128xf32, #tpu.memory_space<vmem>>[vector<16xi32>, vector<16xi32>], vector<16xf32>,
        %parallel_loop3A_85 = arith.constant 16 : i32
        %parallel_loop3A_86 = arith.muli %parallel_loop3A_63, %parallel_loop3A_85 : i32
        %parallel_loop3A_87 = arith.constant 0 : i32
        %parallel_loop3A_88 = arith.addi %parallel_loop3A_87, %parallel_loop3A_86 : i32
        %parallel_loop3A_89 = arith.constant 0 : i32
        %parallel_loop3A_90 = arith.index_cast %parallel_loop3A_89 : i32 to index
        %parallel_loop3A_91 = arith.index_cast %parallel_loop3A_88 : i32 to index
        %parallel_loop3A_92 = tpu.vector_load %arg10[%parallel_loop3A_90, %parallel_loop3A_91] {strides = array<i32>} : memref<32x512xf32, #tpu.memory_space<vmem>>, vector<16xf32>,
        tpu.vector_store %arg10[%parallel_loop3A_90, %parallel_loop3A_91], %parallel_loop3A_84 {strides = array<i32>} : memref<32x512xf32, #tpu.memory_space<vmem>>, vector<16xf32>,
        %parallel_loop3A_93 = arith.constant 1 : i32
        %parallel_loop3A_94 = vector.broadcast %parallel_loop3A_93 : i32 to vector<16xi32>
        %parallel_loop3A_95 = arith.addi %parallel_loop3A_76, %parallel_loop3A_94 : vector<16xi32>
        %parallel_loop3A_96 = tpu.vector_load_idx %arg8[%parallel_loop3A_80, %parallel_loop3A_95] : memref<256x128xf32, #tpu.memory_space<vmem>>[vector<16xi32>, vector<16xi32>], vector<16xf32>,
        %parallel_loop3A_97 = arith.constant 16 : i32
        %parallel_loop3A_98 = arith.muli %parallel_loop3A_63, %parallel_loop3A_97 : i32
        %parallel_loop3A_99 = arith.constant 0 : i32
        %parallel_loop3A_100 = arith.addi %parallel_loop3A_99, %parallel_loop3A_98 : i32
        %parallel_loop3A_101 = arith.constant 1 : i32
        %parallel_loop3A_102 = arith.index_cast %parallel_loop3A_101 : i32 to index
        %parallel_loop3A_103 = arith.index_cast %parallel_loop3A_100 : i32 to index
        %parallel_loop3A_104 = tpu.vector_load %arg10[%parallel_loop3A_102, %parallel_loop3A_103] {strides = array<i32>} : memref<32x512xf32, #tpu.memory_space<vmem>>, vector<16xf32>,
        tpu.vector_store %arg10[%parallel_loop3A_102, %parallel_loop3A_103], %parallel_loop3A_96 {strides = array<i32>} : memref<32x512xf32, #tpu.memory_space<vmem>>, vector<16xf32>,
        %parallel_loop3A_105 = arith.constant 2 : i32
        %parallel_loop3A_106 = vector.broadcast %parallel_loop3A_105 : i32 to vector<16xi32>
        %parallel_loop3A_107 = arith.addi %parallel_loop3A_76, %parallel_loop3A_106 : vector<16xi32>
        %parallel_loop3A_108 = tpu.vector_load_idx %arg8[%parallel_loop3A_80, %parallel_loop3A_107] : memref<256x128xf32, #tpu.memory_space<vmem>>[vector<16xi32>, vector<16xi32>], vector<16xf32>,
        %parallel_loop3A_109 = arith.constant 16 : i32
        %parallel_loop3A_110 = arith.muli %parallel_loop3A_63, %parallel_loop3A_109 : i32
        %parallel_loop3A_111 = arith.constant 0 : i32
        %parallel_loop3A_112 = arith.addi %parallel_loop3A_111, %parallel_loop3A_110 : i32
        %parallel_loop3A_113 = arith.constant 2 : i32
        %parallel_loop3A_114 = arith.index_cast %parallel_loop3A_113 : i32 to index
        %parallel_loop3A_115 = arith.index_cast %parallel_loop3A_112 : i32 to index
        %parallel_loop3A_116 = tpu.vector_load %arg10[%parallel_loop3A_114, %parallel_loop3A_115] {strides = array<i32>} : memref<32x512xf32, #tpu.memory_space<vmem>>, vector<16xf32>,
        tpu.vector_store %arg10[%parallel_loop3A_114, %parallel_loop3A_115], %parallel_loop3A_108 {strides = array<i32>} : memref<32x512xf32, #tpu.memory_space<vmem>>, vector<16xf32>,
        %parallel_loop3A_117 = arith.constant 3 : i32
        %parallel_loop3A_118 = vector.broadcast %parallel_loop3A_117 : i32 to vector<16xi32>
        %parallel_loop3A_119 = arith.addi %parallel_loop3A_76, %parallel_loop3A_118 : vector<16xi32>
        %parallel_loop3A_120 = tpu.vector_load_idx %arg8[%parallel_loop3A_80, %parallel_loop3A_119] : memref<256x128xf32, #tpu.memory_space<vmem>>[vector<16xi32>, vector<16xi32>], vector<16xf32>,
        %parallel_loop3A_121 = arith.constant 16 : i32
        %parallel_loop3A_122 = arith.muli %parallel_loop3A_63, %parallel_loop3A_121 : i32
        %parallel_loop3A_123 = arith.constant 0 : i32
        %parallel_loop3A_124 = arith.addi %parallel_loop3A_123, %parallel_loop3A_122 : i32
        %parallel_loop3A_125 = arith.constant 3 : i32
        %parallel_loop3A_126 = arith.index_cast %parallel_loop3A_125 : i32 to index
        %parallel_loop3A_127 = arith.index_cast %parallel_loop3A_124 : i32 to index
        %parallel_loop3A_128 = tpu.vector_load %arg10[%parallel_loop3A_126, %parallel_loop3A_127] {strides = array<i32>} : memref<32x512xf32, #tpu.memory_space<vmem>>, vector<16xf32>,
        tpu.vector_store %arg10[%parallel_loop3A_126, %parallel_loop3A_127], %parallel_loop3A_120 {strides = array<i32>} : memref<32x512xf32, #tpu.memory_space<vmem>>, vector<16xf32>,
        %parallel_loop3A_129 = arith.constant 4 : i32
        %parallel_loop3A_130 = vector.broadcast %parallel_loop3A_129 : i32 to vector<16xi32>
        %parallel_loop3A_131 = arith.addi %parallel_loop3A_76, %parallel_loop3A_130 : vector<16xi32>
        %parallel_loop3A_132 = tpu.vector_load_idx %arg8[%parallel_loop3A_80, %parallel_loop3A_131] : memref<256x128xf32, #tpu.memory_space<vmem>>[vector<16xi32>, vector<16xi32>], vector<16xf32>,
        %parallel_loop3A_133 = arith.constant 16 : i32
        %parallel_loop3A_134 = arith.muli %parallel_loop3A_63, %parallel_loop3A_133 : i32
        %parallel_loop3A_135 = arith.constant 0 : i32
        %parallel_loop3A_136 = arith.addi %parallel_loop3A_135, %parallel_loop3A_134 : i32
        %parallel_loop3A_137 = arith.constant 4 : i32
        %parallel_loop3A_138 = arith.index_cast %parallel_loop3A_137 : i32 to index
        %parallel_loop3A_139 = arith.index_cast %parallel_loop3A_136 : i32 to index
        %parallel_loop3A_140 = tpu.vector_load %arg10[%parallel_loop3A_138, %parallel_loop3A_139] {strides = array<i32>} : memref<32x512xf32, #tpu.memory_space<vmem>>, vector<16xf32>,
        tpu.vector_store %arg10[%parallel_loop3A_138, %parallel_loop3A_139], %parallel_loop3A_132 {strides = array<i32>} : memref<32x512xf32, #tpu.memory_space<vmem>>, vector<16xf32>,
        %parallel_loop3A_141 = arith.constant 5 : i32
        %parallel_loop3A_142 = vector.broadcast %parallel_loop3A_141 : i32 to vector<16xi32>
        %parallel_loop3A_143 = arith.addi %parallel_loop3A_76, %parallel_loop3A_142 : vector<16xi32>
        %parallel_loop3A_144 = tpu.vector_load_idx %arg8[%parallel_loop3A_80, %parallel_loop3A_143] : memref<256x128xf32, #tpu.memory_space<vmem>>[vector<16xi32>, vector<16xi32>], vector<16xf32>,
        %parallel_loop3A_145 = arith.constant 16 : i32
        %parallel_loop3A_146 = arith.muli %parallel_loop3A_63, %parallel_loop3A_145 : i32
        %parallel_loop3A_147 = arith.constant 0 : i32
        %parallel_loop3A_148 = arith.addi %parallel_loop3A_147, %parallel_loop3A_146 : i32
        %parallel_loop3A_149 = arith.constant 5 : i32
        %parallel_loop3A_150 = arith.index_cast %parallel_loop3A_149 : i32 to index
        %parallel_loop3A_151 = arith.index_cast %parallel_loop3A_148 : i32 to index
        %parallel_loop3A_152 = tpu.vector_load %arg10[%parallel_loop3A_150, %parallel_loop3A_151] {strides = array<i32>} : memref<32x512xf32, #tpu.memory_space<vmem>>, vector<16xf32>,
        tpu.vector_store %arg10[%parallel_loop3A_150, %parallel_loop3A_151], %parallel_loop3A_144 {strides = array<i32>} : memref<32x512xf32, #tpu.memory_space<vmem>>, vector<16xf32>,
        %parallel_loop3A_153 = arith.constant 6 : i32
        %parallel_loop3A_154 = vector.broadcast %parallel_loop3A_153 : i32 to vector<16xi32>
        %parallel_loop3A_155 = arith.addi %parallel_loop3A_76, %parallel_loop3A_154 : vector<16xi32>
        %parallel_loop3A_156 = tpu.vector_load_idx %arg8[%parallel_loop3A_80, %parallel_loop3A_155] : memref<256x128xf32, #tpu.memory_space<vmem>>[vector<16xi32>, vector<16xi32>], vector<16xf32>,
        %parallel_loop3A_157 = arith.constant 16 : i32
        %parallel_loop3A_158 = arith.muli %parallel_loop3A_63, %parallel_loop3A_157 : i32
        %parallel_loop3A_159 = arith.constant 0 : i32
        %parallel_loop3A_160 = arith.addi %parallel_loop3A_159, %parallel_loop3A_158 : i32
        %parallel_loop3A_161 = arith.constant 6 : i32
        %parallel_loop3A_162 = arith.index_cast %parallel_loop3A_161 : i32 to index
        %parallel_loop3A_163 = arith.index_cast %parallel_loop3A_160 : i32 to index
        %parallel_loop3A_164 = tpu.vector_load %arg10[%parallel_loop3A_162, %parallel_loop3A_163] {strides = array<i32>} : memref<32x512xf32, #tpu.memory_space<vmem>>, vector<16xf32>,
        tpu.vector_store %arg10[%parallel_loop3A_162, %parallel_loop3A_163], %parallel_loop3A_156 {strides = array<i32>} : memref<32x512xf32, #tpu.memory_space<vmem>>, vector<16xf32>,
        %parallel_loop3A_165 = arith.constant 7 : i32
        %parallel_loop3A_166 = vector.broadcast %parallel_loop3A_165 : i32 to vector<16xi32>
        %parallel_loop3A_167 = arith.addi %parallel_loop3A_76, %parallel_loop3A_166 : vector<16xi32>
        %parallel_loop3A_168 = tpu.vector_load_idx %arg8[%parallel_loop3A_80, %parallel_loop3A_167] : memref<256x128xf32, #tpu.memory_space<vmem>>[vector<16xi32>, vector<16xi32>], vector<16xf32>,
        %parallel_loop3A_169 = arith.constant 16 : i32
        %parallel_loop3A_170 = arith.muli %parallel_loop3A_63, %parallel_loop3A_169 : i32
        %parallel_loop3A_171 = arith.constant 0 : i32
        %parallel_loop3A_172 = arith.addi %parallel_loop3A_171, %parallel_loop3A_170 : i32
        %parallel_loop3A_173 = arith.constant 7 : i32
        %parallel_loop3A_174 = arith.index_cast %parallel_loop3A_173 : i32 to index
        %parallel_loop3A_175 = arith.index_cast %parallel_loop3A_172 : i32 to index
        %parallel_loop3A_176 = tpu.vector_load %arg10[%parallel_loop3A_174, %parallel_loop3A_175] {strides = array<i32>} : memref<32x512xf32, #tpu.memory_space<vmem>>, vector<16xf32>,
        tpu.vector_store %arg10[%parallel_loop3A_174, %parallel_loop3A_175], %parallel_loop3A_168 {strides = array<i32>} : memref<32x512xf32, #tpu.memory_space<vmem>>, vector<16xf32>,
        %parallel_loop3A_177 = arith.constant 8 : i32
        %parallel_loop3A_178 = vector.broadcast %parallel_loop3A_177 : i32 to vector<16xi32>
        %parallel_loop3A_179 = arith.addi %parallel_loop3A_76, %parallel_loop3A_178 : vector<16xi32>
        %parallel_loop3A_180 = tpu.vector_load_idx %arg8[%parallel_loop3A_80, %parallel_loop3A_179] : memref<256x128xf32, #tpu.memory_space<vmem>>[vector<16xi32>, vector<16xi32>], vector<16xf32>,
        %parallel_loop3A_181 = arith.constant 16 : i32
        %parallel_loop3A_182 = arith.muli %parallel_loop3A_63, %parallel_loop3A_181 : i32
        %parallel_loop3A_183 = arith.constant 0 : i32
        %parallel_loop3A_184 = arith.addi %parallel_loop3A_183, %parallel_loop3A_182 : i32
        %parallel_loop3A_185 = arith.constant 8 : i32
        %parallel_loop3A_186 = arith.index_cast %parallel_loop3A_185 : i32 to index
        %parallel_loop3A_187 = arith.index_cast %parallel_loop3A_184 : i32 to index
        %parallel_loop3A_188 = tpu.vector_load %arg10[%parallel_loop3A_186, %parallel_loop3A_187] {strides = array<i32>} : memref<32x512xf32, #tpu.memory_space<vmem>>, vector<16xf32>,
        tpu.vector_store %arg10[%parallel_loop3A_186, %parallel_loop3A_187], %parallel_loop3A_180 {strides = array<i32>} : memref<32x512xf32, #tpu.memory_space<vmem>>, vector<16xf32>,
        %parallel_loop3A_189 = arith.constant 9 : i32
        %parallel_loop3A_190 = vector.broadcast %parallel_loop3A_189 : i32 to vector<16xi32>
        %parallel_loop3A_191 = arith.addi %parallel_loop3A_76, %parallel_loop3A_190 : vector<16xi32>
        %parallel_loop3A_192 = tpu.vector_load_idx %arg8[%parallel_loop3A_80, %parallel_loop3A_191] : memref<256x128xf32, #tpu.memory_space<vmem>>[vector<16xi32>, vector<16xi32>], vector<16xf32>,
        %parallel_loop3A_193 = arith.constant 16 : i32
        %parallel_loop3A_194 = arith.muli %parallel_loop3A_63, %parallel_loop3A_193 : i32
        %parallel_loop3A_195 = arith.constant 0 : i32
        %parallel_loop3A_196 = arith.addi %parallel_loop3A_195, %parallel_loop3A_194 : i32
        %parallel_loop3A_197 = arith.constant 9 : i32
        %parallel_loop3A_198 = arith.index_cast %parallel_loop3A_197 : i32 to index
        %parallel_loop3A_199 = arith.index_cast %parallel_loop3A_196 : i32 to index
        %parallel_loop3A_200 = tpu.vector_load %arg10[%parallel_loop3A_198, %parallel_loop3A_199] {strides = array<i32>} : memref<32x512xf32, #tpu.memory_space<vmem>>, vector<16xf32>,
        tpu.vector_store %arg10[%parallel_loop3A_198, %parallel_loop3A_199], %parallel_loop3A_192 {strides = array<i32>} : memref<32x512xf32, #tpu.memory_space<vmem>>, vector<16xf32>,
        %parallel_loop3A_201 = arith.constant 10 : i32
        %parallel_loop3A_202 = vector.broadcast %parallel_loop3A_201 : i32 to vector<16xi32>
        %parallel_loop3A_203 = arith.addi %parallel_loop3A_76, %parallel_loop3A_202 : vector<16xi32>
        %parallel_loop3A_204 = tpu.vector_load_idx %arg8[%parallel_loop3A_80, %parallel_loop3A_203] : memref<256x128xf32, #tpu.memory_space<vmem>>[vector<16xi32>, vector<16xi32>], vector<16xf32>,
        %parallel_loop3A_205 = arith.constant 16 : i32
        %parallel_loop3A_206 = arith.muli %parallel_loop3A_63, %parallel_loop3A_205 : i32
        %parallel_loop3A_207 = arith.constant 0 : i32
        %parallel_loop3A_208 = arith.addi %parallel_loop3A_207, %parallel_loop3A_206 : i32
        %parallel_loop3A_209 = arith.constant 10 : i32
        %parallel_loop3A_210 = arith.index_cast %parallel_loop3A_209 : i32 to index
        %parallel_loop3A_211 = arith.index_cast %parallel_loop3A_208 : i32 to index
        %parallel_loop3A_212 = tpu.vector_load %arg10[%parallel_loop3A_210, %parallel_loop3A_211] {strides = array<i32>} : memref<32x512xf32, #tpu.memory_space<vmem>>, vector<16xf32>,
        tpu.vector_store %arg10[%parallel_loop3A_210, %parallel_loop3A_211], %parallel_loop3A_204 {strides = array<i32>} : memref<32x512xf32, #tpu.memory_space<vmem>>, vector<16xf32>,
        %parallel_loop3A_213 = arith.constant 11 : i32
        %parallel_loop3A_214 = vector.broadcast %parallel_loop3A_213 : i32 to vector<16xi32>
        %parallel_loop3A_215 = arith.addi %parallel_loop3A_76, %parallel_loop3A_214 : vector<16xi32>
        %parallel_loop3A_216 = tpu.vector_load_idx %arg8[%parallel_loop3A_80, %parallel_loop3A_215] : memref<256x128xf32, #tpu.memory_space<vmem>>[vector<16xi32>, vector<16xi32>], vector<16xf32>,
        %parallel_loop3A_217 = arith.constant 16 : i32
        %parallel_loop3A_218 = arith.muli %parallel_loop3A_63, %parallel_loop3A_217 : i32
        %parallel_loop3A_219 = arith.constant 0 : i32
        %parallel_loop3A_220 = arith.addi %parallel_loop3A_219, %parallel_loop3A_218 : i32
        %parallel_loop3A_221 = arith.constant 11 : i32
        %parallel_loop3A_222 = arith.index_cast %parallel_loop3A_221 : i32 to index
        %parallel_loop3A_223 = arith.index_cast %parallel_loop3A_220 : i32 to index
        %parallel_loop3A_224 = tpu.vector_load %arg10[%parallel_loop3A_222, %parallel_loop3A_223] {strides = array<i32>} : memref<32x512xf32, #tpu.memory_space<vmem>>, vector<16xf32>,
        tpu.vector_store %arg10[%parallel_loop3A_222, %parallel_loop3A_223], %parallel_loop3A_216 {strides = array<i32>} : memref<32x512xf32, #tpu.memory_space<vmem>>, vector<16xf32>,
        %parallel_loop3A_225 = arith.constant 12 : i32
        %parallel_loop3A_226 = vector.broadcast %parallel_loop3A_225 : i32 to vector<16xi32>
        %parallel_loop3A_227 = arith.addi %parallel_loop3A_76, %parallel_loop3A_226 : vector<16xi32>
        %parallel_loop3A_228 = tpu.vector_load_idx %arg8[%parallel_loop3A_80, %parallel_loop3A_227] : memref<256x128xf32, #tpu.memory_space<vmem>>[vector<16xi32>, vector<16xi32>], vector<16xf32>,
        %parallel_loop3A_229 = arith.constant 16 : i32
        %parallel_loop3A_230 = arith.muli %parallel_loop3A_63, %parallel_loop3A_229 : i32
        %parallel_loop3A_231 = arith.constant 0 : i32
        %parallel_loop3A_232 = arith.addi %parallel_loop3A_231, %parallel_loop3A_230 : i32
        %parallel_loop3A_233 = arith.constant 12 : i32
        %parallel_loop3A_234 = arith.index_cast %parallel_loop3A_233 : i32 to index
        %parallel_loop3A_235 = arith.index_cast %parallel_loop3A_232 : i32 to index
        %parallel_loop3A_236 = tpu.vector_load %arg10[%parallel_loop3A_234, %parallel_loop3A_235] {strides = array<i32>} : memref<32x512xf32, #tpu.memory_space<vmem>>, vector<16xf32>,
        tpu.vector_store %arg10[%parallel_loop3A_234, %parallel_loop3A_235], %parallel_loop3A_228 {strides = array<i32>} : memref<32x512xf32, #tpu.memory_space<vmem>>, vector<16xf32>,
        %parallel_loop3A_237 = arith.constant 13 : i32
        %parallel_loop3A_238 = vector.broadcast %parallel_loop3A_237 : i32 to vector<16xi32>
        %parallel_loop3A_239 = arith.addi %parallel_loop3A_76, %parallel_loop3A_238 : vector<16xi32>
        %parallel_loop3A_240 = tpu.vector_load_idx %arg8[%parallel_loop3A_80, %parallel_loop3A_239] : memref<256x128xf32, #tpu.memory_space<vmem>>[vector<16xi32>, vector<16xi32>], vector<16xf32>,
        %parallel_loop3A_241 = arith.constant 16 : i32
        %parallel_loop3A_242 = arith.muli %parallel_loop3A_63, %parallel_loop3A_241 : i32
        %parallel_loop3A_243 = arith.constant 0 : i32
        %parallel_loop3A_244 = arith.addi %parallel_loop3A_243, %parallel_loop3A_242 : i32
        %parallel_loop3A_245 = arith.constant 13 : i32
        %parallel_loop3A_246 = arith.index_cast %parallel_loop3A_245 : i32 to index
        %parallel_loop3A_247 = arith.index_cast %parallel_loop3A_244 : i32 to index
        %parallel_loop3A_248 = tpu.vector_load %arg10[%parallel_loop3A_246, %parallel_loop3A_247] {strides = array<i32>} : memref<32x512xf32, #tpu.memory_space<vmem>>, vector<16xf32>,
        tpu.vector_store %arg10[%parallel_loop3A_246, %parallel_loop3A_247], %parallel_loop3A_240 {strides = array<i32>} : memref<32x512xf32, #tpu.memory_space<vmem>>, vector<16xf32>,
        %parallel_loop3A_249 = arith.constant 14 : i32
        %parallel_loop3A_250 = vector.broadcast %parallel_loop3A_249 : i32 to vector<16xi32>
        %parallel_loop3A_251 = arith.addi %parallel_loop3A_76, %parallel_loop3A_250 : vector<16xi32>
        %parallel_loop3A_252 = tpu.vector_load_idx %arg8[%parallel_loop3A_80, %parallel_loop3A_251] : memref<256x128xf32, #tpu.memory_space<vmem>>[vector<16xi32>, vector<16xi32>], vector<16xf32>,
        %parallel_loop3A_253 = arith.constant 16 : i32
        %parallel_loop3A_254 = arith.muli %parallel_loop3A_63, %parallel_loop3A_253 : i32
        %parallel_loop3A_255 = arith.constant 0 : i32
        %parallel_loop3A_256 = arith.addi %parallel_loop3A_255, %parallel_loop3A_254 : i32
        %parallel_loop3A_257 = arith.constant 14 : i32
        %parallel_loop3A_258 = arith.index_cast %parallel_loop3A_257 : i32 to index
        %parallel_loop3A_259 = arith.index_cast %parallel_loop3A_256 : i32 to index
        %parallel_loop3A_260 = tpu.vector_load %arg10[%parallel_loop3A_258, %parallel_loop3A_259] {strides = array<i32>} : memref<32x512xf32, #tpu.memory_space<vmem>>, vector<16xf32>,
        tpu.vector_store %arg10[%parallel_loop3A_258, %parallel_loop3A_259], %parallel_loop3A_252 {strides = array<i32>} : memref<32x512xf32, #tpu.memory_space<vmem>>, vector<16xf32>,
        %parallel_loop3A_261 = arith.constant 15 : i32
        %parallel_loop3A_262 = vector.broadcast %parallel_loop3A_261 : i32 to vector<16xi32>
        %parallel_loop3A_263 = arith.addi %parallel_loop3A_76, %parallel_loop3A_262 : vector<16xi32>
        %parallel_loop3A_264 = tpu.vector_load_idx %arg8[%parallel_loop3A_80, %parallel_loop3A_263] : memref<256x128xf32, #tpu.memory_space<vmem>>[vector<16xi32>, vector<16xi32>], vector<16xf32>,
        %parallel_loop3A_265 = arith.constant 16 : i32
        %parallel_loop3A_266 = arith.muli %parallel_loop3A_63, %parallel_loop3A_265 : i32
        %parallel_loop3A_267 = arith.constant 0 : i32
        %parallel_loop3A_268 = arith.addi %parallel_loop3A_267, %parallel_loop3A_266 : i32
        %parallel_loop3A_269 = arith.constant 15 : i32
        %parallel_loop3A_270 = arith.index_cast %parallel_loop3A_269 : i32 to index
        %parallel_loop3A_271 = arith.index_cast %parallel_loop3A_268 : i32 to index
        %parallel_loop3A_272 = tpu.vector_load %arg10[%parallel_loop3A_270, %parallel_loop3A_271] {strides = array<i32>} : memref<32x512xf32, #tpu.memory_space<vmem>>, vector<16xf32>,
        tpu.vector_store %arg10[%parallel_loop3A_270, %parallel_loop3A_271], %parallel_loop3A_264 {strides = array<i32>} : memref<32x512xf32, #tpu.memory_space<vmem>>, vector<16xf32>,
        %parallel_loop3A_273 = arith.constant 16 : i32
        %parallel_loop3A_274 = vector.broadcast %parallel_loop3A_273 : i32 to vector<16xi32>
        %parallel_loop3A_275 = arith.addi %parallel_loop3A_76, %parallel_loop3A_274 : vector<16xi32>
        %parallel_loop3A_276 = tpu.vector_load_idx %arg8[%parallel_loop3A_80, %parallel_loop3A_275] : memref<256x128xf32, #tpu.memory_space<vmem>>[vector<16xi32>, vector<16xi32>], vector<16xf32>,
        %parallel_loop3A_277 = arith.constant 16 : i32
        %parallel_loop3A_278 = arith.muli %parallel_loop3A_63, %parallel_loop3A_277 : i32
        %parallel_loop3A_279 = arith.constant 0 : i32
        %parallel_loop3A_280 = arith.addi %parallel_loop3A_279, %parallel_loop3A_278 : i32
        %parallel_loop3A_281 = arith.constant 16 : i32
        %parallel_loop3A_282 = arith.index_cast %parallel_loop3A_281 : i32 to index
        %parallel_loop3A_283 = arith.index_cast %parallel_loop3A_280 : i32 to index
        %parallel_loop3A_284 = tpu.vector_load %arg10[%parallel_loop3A_282, %parallel_loop3A_283] {strides = array<i32>} : memref<32x512xf32, #tpu.memory_space<vmem>>, vector<16xf32>,
        tpu.vector_store %arg10[%parallel_loop3A_282, %parallel_loop3A_283], %parallel_loop3A_276 {strides = array<i32>} : memref<32x512xf32, #tpu.memory_space<vmem>>, vector<16xf32>,
        %parallel_loop3A_285 = arith.constant 17 : i32
        %parallel_loop3A_286 = vector.broadcast %parallel_loop3A_285 : i32 to vector<16xi32>
        %parallel_loop3A_287 = arith.addi %parallel_loop3A_76, %parallel_loop3A_286 : vector<16xi32>
        %parallel_loop3A_288 = tpu.vector_load_idx %arg8[%parallel_loop3A_80, %parallel_loop3A_287] : memref<256x128xf32, #tpu.memory_space<vmem>>[vector<16xi32>, vector<16xi32>], vector<16xf32>,
        %parallel_loop3A_289 = arith.constant 16 : i32
        %parallel_loop3A_290 = arith.muli %parallel_loop3A_63, %parallel_loop3A_289 : i32
        %parallel_loop3A_291 = arith.constant 0 : i32
        %parallel_loop3A_292 = arith.addi %parallel_loop3A_291, %parallel_loop3A_290 : i32
        %parallel_loop3A_293 = arith.constant 17 : i32
        %parallel_loop3A_294 = arith.index_cast %parallel_loop3A_293 : i32 to index
        %parallel_loop3A_295 = arith.index_cast %parallel_loop3A_292 : i32 to index
        %parallel_loop3A_296 = tpu.vector_load %arg10[%parallel_loop3A_294, %parallel_loop3A_295] {strides = array<i32>} : memref<32x512xf32, #tpu.memory_space<vmem>>, vector<16xf32>,
        tpu.vector_store %arg10[%parallel_loop3A_294, %parallel_loop3A_295], %parallel_loop3A_288 {strides = array<i32>} : memref<32x512xf32, #tpu.memory_space<vmem>>, vector<16xf32>,
        %parallel_loop3A_297 = arith.constant 18 : i32
        %parallel_loop3A_298 = vector.broadcast %parallel_loop3A_297 : i32 to vector<16xi32>
        %parallel_loop3A_299 = arith.addi %parallel_loop3A_76, %parallel_loop3A_298 : vector<16xi32>
        %parallel_loop3A_300 = tpu.vector_load_idx %arg8[%parallel_loop3A_80, %parallel_loop3A_299] : memref<256x128xf32, #tpu.memory_space<vmem>>[vector<16xi32>, vector<16xi32>], vector<16xf32>,
        %parallel_loop3A_301 = arith.constant 16 : i32
        %parallel_loop3A_302 = arith.muli %parallel_loop3A_63, %parallel_loop3A_301 : i32
        %parallel_loop3A_303 = arith.constant 0 : i32
        %parallel_loop3A_304 = arith.addi %parallel_loop3A_303, %parallel_loop3A_302 : i32
        %parallel_loop3A_305 = arith.constant 18 : i32
        %parallel_loop3A_306 = arith.index_cast %parallel_loop3A_305 : i32 to index
        %parallel_loop3A_307 = arith.index_cast %parallel_loop3A_304 : i32 to index
        %parallel_loop3A_308 = tpu.vector_load %arg10[%parallel_loop3A_306, %parallel_loop3A_307] {strides = array<i32>} : memref<32x512xf32, #tpu.memory_space<vmem>>, vector<16xf32>,
        tpu.vector_store %arg10[%parallel_loop3A_306, %parallel_loop3A_307], %parallel_loop3A_300 {strides = array<i32>} : memref<32x512xf32, #tpu.memory_space<vmem>>, vector<16xf32>,
        %parallel_loop3A_309 = arith.constant 19 : i32
        %parallel_loop3A_310 = vector.broadcast %parallel_loop3A_309 : i32 to vector<16xi32>
        %parallel_loop3A_311 = arith.addi %parallel_loop3A_76, %parallel_loop3A_310 : vector<16xi32>
        %parallel_loop3A_312 = tpu.vector_load_idx %arg8[%parallel_loop3A_80, %parallel_loop3A_311] : memref<256x128xf32, #tpu.memory_space<vmem>>[vector<16xi32>, vector<16xi32>], vector<16xf32>,
        %parallel_loop3A_313 = arith.constant 16 : i32
        %parallel_loop3A_314 = arith.muli %parallel_loop3A_63, %parallel_loop3A_313 : i32
        %parallel_loop3A_315 = arith.constant 0 : i32
        %parallel_loop3A_316 = arith.addi %parallel_loop3A_315, %parallel_loop3A_314 : i32
        %parallel_loop3A_317 = arith.constant 19 : i32
        %parallel_loop3A_318 = arith.index_cast %parallel_loop3A_317 : i32 to index
        %parallel_loop3A_319 = arith.index_cast %parallel_loop3A_316 : i32 to index
        %parallel_loop3A_320 = tpu.vector_load %arg10[%parallel_loop3A_318, %parallel_loop3A_319] {strides = array<i32>} : memref<32x512xf32, #tpu.memory_space<vmem>>, vector<16xf32>,
        tpu.vector_store %arg10[%parallel_loop3A_318, %parallel_loop3A_319], %parallel_loop3A_312 {strides = array<i32>} : memref<32x512xf32, #tpu.memory_space<vmem>>, vector<16xf32>,
        %parallel_loop3A_321 = arith.constant 20 : i32
        %parallel_loop3A_322 = vector.broadcast %parallel_loop3A_321 : i32 to vector<16xi32>
        %parallel_loop3A_323 = arith.addi %parallel_loop3A_76, %parallel_loop3A_322 : vector<16xi32>
        %parallel_loop3A_324 = tpu.vector_load_idx %arg8[%parallel_loop3A_80, %parallel_loop3A_323] : memref<256x128xf32, #tpu.memory_space<vmem>>[vector<16xi32>, vector<16xi32>], vector<16xf32>,
        %parallel_loop3A_325 = arith.constant 16 : i32
        %parallel_loop3A_326 = arith.muli %parallel_loop3A_63, %parallel_loop3A_325 : i32
        %parallel_loop3A_327 = arith.constant 0 : i32
        %parallel_loop3A_328 = arith.addi %parallel_loop3A_327, %parallel_loop3A_326 : i32
        %parallel_loop3A_329 = arith.constant 20 : i32
        %parallel_loop3A_330 = arith.index_cast %parallel_loop3A_329 : i32 to index
        %parallel_loop3A_331 = arith.index_cast %parallel_loop3A_328 : i32 to index
        %parallel_loop3A_332 = tpu.vector_load %arg10[%parallel_loop3A_330, %parallel_loop3A_331] {strides = array<i32>} : memref<32x512xf32, #tpu.memory_space<vmem>>, vector<16xf32>,
        tpu.vector_store %arg10[%parallel_loop3A_330, %parallel_loop3A_331], %parallel_loop3A_324 {strides = array<i32>} : memref<32x512xf32, #tpu.memory_space<vmem>>, vector<16xf32>,
        %parallel_loop3A_333 = arith.constant 21 : i32
        %parallel_loop3A_334 = vector.broadcast %parallel_loop3A_333 : i32 to vector<16xi32>
        %parallel_loop3A_335 = arith.addi %parallel_loop3A_76, %parallel_loop3A_334 : vector<16xi32>
        %parallel_loop3A_336 = tpu.vector_load_idx %arg8[%parallel_loop3A_80, %parallel_loop3A_335] : memref<256x128xf32, #tpu.memory_space<vmem>>[vector<16xi32>, vector<16xi32>], vector<16xf32>,
        %parallel_loop3A_337 = arith.constant 16 : i32
        %parallel_loop3A_338 = arith.muli %parallel_loop3A_63, %parallel_loop3A_337 : i32
        %parallel_loop3A_339 = arith.constant 0 : i32
        %parallel_loop3A_340 = arith.addi %parallel_loop3A_339, %parallel_loop3A_338 : i32
        %parallel_loop3A_341 = arith.constant 21 : i32
        %parallel_loop3A_342 = arith.index_cast %parallel_loop3A_341 : i32 to index
        %parallel_loop3A_343 = arith.index_cast %parallel_loop3A_340 : i32 to index
        %parallel_loop3A_344 = tpu.vector_load %arg10[%parallel_loop3A_342, %parallel_loop3A_343] {strides = array<i32>} : memref<32x512xf32, #tpu.memory_space<vmem>>, vector<16xf32>,
        tpu.vector_store %arg10[%parallel_loop3A_342, %parallel_loop3A_343], %parallel_loop3A_336 {strides = array<i32>} : memref<32x512xf32, #tpu.memory_space<vmem>>, vector<16xf32>,
        %parallel_loop3A_345 = arith.constant 22 : i32
        %parallel_loop3A_346 = vector.broadcast %parallel_loop3A_345 : i32 to vector<16xi32>
        %parallel_loop3A_347 = arith.addi %parallel_loop3A_76, %parallel_loop3A_346 : vector<16xi32>
        %parallel_loop3A_348 = tpu.vector_load_idx %arg8[%parallel_loop3A_80, %parallel_loop3A_347] : memref<256x128xf32, #tpu.memory_space<vmem>>[vector<16xi32>, vector<16xi32>], vector<16xf32>,
        %parallel_loop3A_349 = arith.constant 16 : i32
        %parallel_loop3A_350 = arith.muli %parallel_loop3A_63, %parallel_loop3A_349 : i32
        %parallel_loop3A_351 = arith.constant 0 : i32
        %parallel_loop3A_352 = arith.addi %parallel_loop3A_351, %parallel_loop3A_350 : i32
        %parallel_loop3A_353 = arith.constant 22 : i32
        %parallel_loop3A_354 = arith.index_cast %parallel_loop3A_353 : i32 to index
        %parallel_loop3A_355 = arith.index_cast %parallel_loop3A_352 : i32 to index
        %parallel_loop3A_356 = tpu.vector_load %arg10[%parallel_loop3A_354, %parallel_loop3A_355] {strides = array<i32>} : memref<32x512xf32, #tpu.memory_space<vmem>>, vector<16xf32>,
        tpu.vector_store %arg10[%parallel_loop3A_354, %parallel_loop3A_355], %parallel_loop3A_348 {strides = array<i32>} : memref<32x512xf32, #tpu.memory_space<vmem>>, vector<16xf32>,
        %parallel_loop3A_357 = arith.constant 23 : i32
        %parallel_loop3A_358 = vector.broadcast %parallel_loop3A_357 : i32 to vector<16xi32>
        %parallel_loop3A_359 = arith.addi %parallel_loop3A_76, %parallel_loop3A_358 : vector<16xi32>
        %parallel_loop3A_360 = tpu.vector_load_idx %arg8[%parallel_loop3A_80, %parallel_loop3A_359] : memref<256x128xf32, #tpu.memory_space<vmem>>[vector<16xi32>, vector<16xi32>], vector<16xf32>,
        %parallel_loop3A_361 = arith.constant 16 : i32
        %parallel_loop3A_362 = arith.muli %parallel_loop3A_63, %parallel_loop3A_361 : i32
        %parallel_loop3A_363 = arith.constant 0 : i32
        %parallel_loop3A_364 = arith.addi %parallel_loop3A_363, %parallel_loop3A_362 : i32
        %parallel_loop3A_365 = arith.constant 23 : i32
        %parallel_loop3A_366 = arith.index_cast %parallel_loop3A_365 : i32 to index
        %parallel_loop3A_367 = arith.index_cast %parallel_loop3A_364 : i32 to index
        %parallel_loop3A_368 = tpu.vector_load %arg10[%parallel_loop3A_366, %parallel_loop3A_367] {strides = array<i32>} : memref<32x512xf32, #tpu.memory_space<vmem>>, vector<16xf32>,
        tpu.vector_store %arg10[%parallel_loop3A_366, %parallel_loop3A_367], %parallel_loop3A_360 {strides = array<i32>} : memref<32x512xf32, #tpu.memory_space<vmem>>, vector<16xf32>,
        %parallel_loop3A_369 = arith.constant 24 : i32
        %parallel_loop3A_370 = vector.broadcast %parallel_loop3A_369 : i32 to vector<16xi32>
        %parallel_loop3A_371 = arith.addi %parallel_loop3A_76, %parallel_loop3A_370 : vector<16xi32>
        %parallel_loop3A_372 = tpu.vector_load_idx %arg8[%parallel_loop3A_80, %parallel_loop3A_371] : memref<256x128xf32, #tpu.memory_space<vmem>>[vector<16xi32>, vector<16xi32>], vector<16xf32>,
        %parallel_loop3A_373 = arith.constant 16 : i32
        %parallel_loop3A_374 = arith.muli %parallel_loop3A_63, %parallel_loop3A_373 : i32
        %parallel_loop3A_375 = arith.constant 0 : i32
        %parallel_loop3A_376 = arith.addi %parallel_loop3A_375, %parallel_loop3A_374 : i32
        %parallel_loop3A_377 = arith.constant 24 : i32
        %parallel_loop3A_378 = arith.index_cast %parallel_loop3A_377 : i32 to index
        %parallel_loop3A_379 = arith.index_cast %parallel_loop3A_376 : i32 to index
        %parallel_loop3A_380 = tpu.vector_load %arg10[%parallel_loop3A_378, %parallel_loop3A_379] {strides = array<i32>} : memref<32x512xf32, #tpu.memory_space<vmem>>, vector<16xf32>,
        tpu.vector_store %arg10[%parallel_loop3A_378, %parallel_loop3A_379], %parallel_loop3A_372 {strides = array<i32>} : memref<32x512xf32, #tpu.memory_space<vmem>>, vector<16xf32>,
        %parallel_loop3A_381 = arith.constant 25 : i32
        %parallel_loop3A_382 = vector.broadcast %parallel_loop3A_381 : i32 to vector<16xi32>
        %parallel_loop3A_383 = arith.addi %parallel_loop3A_76, %parallel_loop3A_382 : vector<16xi32>
        %parallel_loop3A_384 = tpu.vector_load_idx %arg8[%parallel_loop3A_80, %parallel_loop3A_383] : memref<256x128xf32, #tpu.memory_space<vmem>>[vector<16xi32>, vector<16xi32>], vector<16xf32>,
        %parallel_loop3A_385 = arith.constant 16 : i32
        %parallel_loop3A_386 = arith.muli %parallel_loop3A_63, %parallel_loop3A_385 : i32
        %parallel_loop3A_387 = arith.constant 0 : i32
        %parallel_loop3A_388 = arith.addi %parallel_loop3A_387, %parallel_loop3A_386 : i32
        %parallel_loop3A_389 = arith.constant 25 : i32
        %parallel_loop3A_390 = arith.index_cast %parallel_loop3A_389 : i32 to index
        %parallel_loop3A_391 = arith.index_cast %parallel_loop3A_388 : i32 to index
        %parallel_loop3A_392 = tpu.vector_load %arg10[%parallel_loop3A_390, %parallel_loop3A_391] {strides = array<i32>} : memref<32x512xf32, #tpu.memory_space<vmem>>, vector<16xf32>,
        tpu.vector_store %arg10[%parallel_loop3A_390, %parallel_loop3A_391], %parallel_loop3A_384 {strides = array<i32>} : memref<32x512xf32, #tpu.memory_space<vmem>>, vector<16xf32>,
        %parallel_loop3A_393 = arith.constant 26 : i32
        %parallel_loop3A_394 = vector.broadcast %parallel_loop3A_393 : i32 to vector<16xi32>
        %parallel_loop3A_395 = arith.addi %parallel_loop3A_76, %parallel_loop3A_394 : vector<16xi32>
        %parallel_loop3A_396 = tpu.vector_load_idx %arg8[%parallel_loop3A_80, %parallel_loop3A_395] : memref<256x128xf32, #tpu.memory_space<vmem>>[vector<16xi32>, vector<16xi32>], vector<16xf32>,
        %parallel_loop3A_397 = arith.constant 16 : i32
        %parallel_loop3A_398 = arith.muli %parallel_loop3A_63, %parallel_loop3A_397 : i32
        %parallel_loop3A_399 = arith.constant 0 : i32
        %parallel_loop3A_400 = arith.addi %parallel_loop3A_399, %parallel_loop3A_398 : i32
        %parallel_loop3A_401 = arith.constant 26 : i32
        %parallel_loop3A_402 = arith.index_cast %parallel_loop3A_401 : i32 to index
        %parallel_loop3A_403 = arith.index_cast %parallel_loop3A_400 : i32 to index
        %parallel_loop3A_404 = tpu.vector_load %arg10[%parallel_loop3A_402, %parallel_loop3A_403] {strides = array<i32>} : memref<32x512xf32, #tpu.memory_space<vmem>>, vector<16xf32>,
        tpu.vector_store %arg10[%parallel_loop3A_402, %parallel_loop3A_403], %parallel_loop3A_396 {strides = array<i32>} : memref<32x512xf32, #tpu.memory_space<vmem>>, vector<16xf32>,
        %parallel_loop3A_405 = arith.constant 27 : i32
        %parallel_loop3A_406 = vector.broadcast %parallel_loop3A_405 : i32 to vector<16xi32>
        %parallel_loop3A_407 = arith.addi %parallel_loop3A_76, %parallel_loop3A_406 : vector<16xi32>
        %parallel_loop3A_408 = tpu.vector_load_idx %arg8[%parallel_loop3A_80, %parallel_loop3A_407] : memref<256x128xf32, #tpu.memory_space<vmem>>[vector<16xi32>, vector<16xi32>], vector<16xf32>,
        %parallel_loop3A_409 = arith.constant 16 : i32
        %parallel_loop3A_410 = arith.muli %parallel_loop3A_63, %parallel_loop3A_409 : i32
        %parallel_loop3A_411 = arith.constant 0 : i32
        %parallel_loop3A_412 = arith.addi %parallel_loop3A_411, %parallel_loop3A_410 : i32
        %parallel_loop3A_413 = arith.constant 27 : i32
        %parallel_loop3A_414 = arith.index_cast %parallel_loop3A_413 : i32 to index
        %parallel_loop3A_415 = arith.index_cast %parallel_loop3A_412 : i32 to index
        %parallel_loop3A_416 = tpu.vector_load %arg10[%parallel_loop3A_414, %parallel_loop3A_415] {strides = array<i32>} : memref<32x512xf32, #tpu.memory_space<vmem>>, vector<16xf32>,
        tpu.vector_store %arg10[%parallel_loop3A_414, %parallel_loop3A_415], %parallel_loop3A_408 {strides = array<i32>} : memref<32x512xf32, #tpu.memory_space<vmem>>, vector<16xf32>,
        %parallel_loop3A_417 = arith.constant 28 : i32
        %parallel_loop3A_418 = vector.broadcast %parallel_loop3A_417 : i32 to vector<16xi32>
        %parallel_loop3A_419 = arith.addi %parallel_loop3A_76, %parallel_loop3A_418 : vector<16xi32>
        %parallel_loop3A_420 = tpu.vector_load_idx %arg8[%parallel_loop3A_80, %parallel_loop3A_419] : memref<256x128xf32, #tpu.memory_space<vmem>>[vector<16xi32>, vector<16xi32>], vector<16xf32>,
        %parallel_loop3A_421 = arith.constant 16 : i32
        %parallel_loop3A_422 = arith.muli %parallel_loop3A_63, %parallel_loop3A_421 : i32
        %parallel_loop3A_423 = arith.constant 0 : i32
        %parallel_loop3A_424 = arith.addi %parallel_loop3A_423, %parallel_loop3A_422 : i32
        %parallel_loop3A_425 = arith.constant 28 : i32
        %parallel_loop3A_426 = arith.index_cast %parallel_loop3A_425 : i32 to index
        %parallel_loop3A_427 = arith.index_cast %parallel_loop3A_424 : i32 to index
        %parallel_loop3A_428 = tpu.vector_load %arg10[%parallel_loop3A_426, %parallel_loop3A_427] {strides = array<i32>} : memref<32x512xf32, #tpu.memory_space<vmem>>, vector<16xf32>,
        tpu.vector_store %arg10[%parallel_loop3A_426, %parallel_loop3A_427], %parallel_loop3A_420 {strides = array<i32>} : memref<32x512xf32, #tpu.memory_space<vmem>>, vector<16xf32>,
        %parallel_loop3A_429 = arith.constant 29 : i32
        %parallel_loop3A_430 = vector.broadcast %parallel_loop3A_429 : i32 to vector<16xi32>
        %parallel_loop3A_431 = arith.addi %parallel_loop3A_76, %parallel_loop3A_430 : vector<16xi32>
        %parallel_loop3A_432 = tpu.vector_load_idx %arg8[%parallel_loop3A_80, %parallel_loop3A_431] : memref<256x128xf32, #tpu.memory_space<vmem>>[vector<16xi32>, vector<16xi32>], vector<16xf32>,
        %parallel_loop3A_433 = arith.constant 16 : i32
        %parallel_loop3A_434 = arith.muli %parallel_loop3A_63, %parallel_loop3A_433 : i32
        %parallel_loop3A_435 = arith.constant 0 : i32
        %parallel_loop3A_436 = arith.addi %parallel_loop3A_435, %parallel_loop3A_434 : i32
        %parallel_loop3A_437 = arith.constant 29 : i32
        %parallel_loop3A_438 = arith.index_cast %parallel_loop3A_437 : i32 to index
        %parallel_loop3A_439 = arith.index_cast %parallel_loop3A_436 : i32 to index
        %parallel_loop3A_440 = tpu.vector_load %arg10[%parallel_loop3A_438, %parallel_loop3A_439] {strides = array<i32>} : memref<32x512xf32, #tpu.memory_space<vmem>>, vector<16xf32>,
        tpu.vector_store %arg10[%parallel_loop3A_438, %parallel_loop3A_439], %parallel_loop3A_432 {strides = array<i32>} : memref<32x512xf32, #tpu.memory_space<vmem>>, vector<16xf32>,
        %parallel_loop3A_441 = arith.constant 30 : i32
        %parallel_loop3A_442 = vector.broadcast %parallel_loop3A_441 : i32 to vector<16xi32>
        %parallel_loop3A_443 = arith.addi %parallel_loop3A_76, %parallel_loop3A_442 : vector<16xi32>
        %parallel_loop3A_444 = tpu.vector_load_idx %arg8[%parallel_loop3A_80, %parallel_loop3A_443] : memref<256x128xf32, #tpu.memory_space<vmem>>[vector<16xi32>, vector<16xi32>], vector<16xf32>,
        %parallel_loop3A_445 = arith.constant 16 : i32
        %parallel_loop3A_446 = arith.muli %parallel_loop3A_63, %parallel_loop3A_445 : i32
        %parallel_loop3A_447 = arith.constant 0 : i32
        %parallel_loop3A_448 = arith.addi %parallel_loop3A_447, %parallel_loop3A_446 : i32
        %parallel_loop3A_449 = arith.constant 30 : i32
        %parallel_loop3A_450 = arith.index_cast %parallel_loop3A_449 : i32 to index
        %parallel_loop3A_451 = arith.index_cast %parallel_loop3A_448 : i32 to index
        %parallel_loop3A_452 = tpu.vector_load %arg10[%parallel_loop3A_450, %parallel_loop3A_451] {strides = array<i32>} : memref<32x512xf32, #tpu.memory_space<vmem>>, vector<16xf32>,
        tpu.vector_store %arg10[%parallel_loop3A_450, %parallel_loop3A_451], %parallel_loop3A_444 {strides = array<i32>} : memref<32x512xf32, #tpu.memory_space<vmem>>, vector<16xf32>,
        %parallel_loop3A_453 = arith.constant 31 : i32
        %parallel_loop3A_454 = vector.broadcast %parallel_loop3A_453 : i32 to vector<16xi32>
        %parallel_loop3A_455 = arith.addi %parallel_loop3A_76, %parallel_loop3A_454 : vector<16xi32>
        %parallel_loop3A_456 = tpu.vector_load_idx %arg8[%parallel_loop3A_80, %parallel_loop3A_455] : memref<256x128xf32, #tpu.memory_space<vmem>>[vector<16xi32>, vector<16xi32>], vector<16xf32>,
        %parallel_loop3A_457 = arith.constant 16 : i32
        %parallel_loop3A_458 = arith.muli %parallel_loop3A_63, %parallel_loop3A_457 : i32
        %parallel_loop3A_459 = arith.constant 0 : i32
        %parallel_loop3A_460 = arith.addi %parallel_loop3A_459, %parallel_loop3A_458 : i32
        %parallel_loop3A_461 = arith.constant 31 : i32
        %parallel_loop3A_462 = arith.index_cast %parallel_loop3A_461 : i32 to index
        %parallel_loop3A_463 = arith.index_cast %parallel_loop3A_460 : i32 to index
        %parallel_loop3A_464 = tpu.vector_load %arg10[%parallel_loop3A_462, %parallel_loop3A_463] {strides = array<i32>} : memref<32x512xf32, #tpu.memory_space<vmem>>, vector<16xf32>,
        tpu.vector_store %arg10[%parallel_loop3A_462, %parallel_loop3A_463], %parallel_loop3A_456 {strides = array<i32>} : memref<32x512xf32, #tpu.memory_space<vmem>>, vector<16xf32>,
      } {sc.loop_unroll_factor = 2 : i64, sc.parallel_access}
      %dma_wait3A_35 = arith.constant 0 : i32
      %dma_wait3A_36 = arith.constant 0 : i32
      %dma_wait3A_37 = tpu.memref_slice %arg2[%dma_wait3A_35, %dma_wait3A_36] : memref<250000x128xf32, #tpu.memory_space<hbm>> -> memref<256x128xf32, #tpu.memory_space<hbm>>
      %dma_wait3A_38 = arith.constant 0 : i32
      %dma_wait3A_39 = arith.constant 0 : i32
      %dma_wait3A_40 = tpu.memref_slice %arg2[%dma_wait3A_38, %dma_wait3A_39] : memref<250000x128xf32, #tpu.memory_space<hbm>> -> memref<256x128xf32, #tpu.memory_space<hbm>>
      tpu.wait_dma2 semaphore(%arg12 : memref<!tpu.dma_semaphore, #tpu.memory_space<semaphore_mem>>) src(%dma_wait3A_40 : memref<256x128xf32, #tpu.memory_space<hbm>>) dst(%arg9 : memref<256x128xf32, #tpu.memory_space<vmem>>)
      %add3A_41 = arith.constant 1 : i32
      %add3A_42 = arith.addi %scan3A_23, %add3A_41 : i32
      %lt3A = arith.constant 50 : i32
      %lt3A_43 = arith.cmpi slt, %add3A_42, %lt3A : i32
      %convert_element_type3A_44 = arith.extui %lt3A_43 : i1 to i32
      %cond3A_45 = arith.constant 0 : i32
      %cond3A_46 = arith.cmpi ne, %convert_element_type3A_44, %cond3A_45 : i32
      scf.if %cond3A_46 {
        %add3A_63 = arith.constant 1 : i32
        %add3A_64 = arith.addi %scan3A_23, %add3A_63 : i32
        %parallel_loop3A_65 = arith.constant 0 : i32
        %parallel_loop3A_66 = arith.constant 16 : i32
        %parallel_loop3A_67 = arith.constant 1 : i32
        scf.for %parallel_loop3A_71 = %parallel_loop3A_65 to %parallel_loop3A_66 step %parallel_loop3A_67  : i32 {
          %parallel_loop3A_72 = arith.constant 16 : i32
          %parallel_loop3A_73 = arith.muli %parallel_loop3A_71, %parallel_loop3A_72 : i32
          %parallel_loop3A_74 = arith.constant 0 : i32
          %parallel_loop3A_75 = arith.addi %parallel_loop3A_74, %parallel_loop3A_73 : i32
          %parallel_loop3A_76 = arith.index_cast %add3A_64 : i32 to index
          %parallel_loop3A_77 = arith.index_cast %parallel_loop3A_75 : i32 to index
          %parallel_loop3A_78 = tpu.vector_load %arg5[%parallel_loop3A_76, %parallel_loop3A_77] {strides = array<i32>} : memref<50x512xi32, #tpu.memory_space<vmem>>, vector<16xi32>,
          %parallel_loop3A_79 = arith.constant 2 : i32
          %parallel_loop3A_80 = vector.broadcast %parallel_loop3A_79 : i32 to vector<16xi32>
          %parallel_loop3A_81 = arith.shrui %parallel_loop3A_78, %parallel_loop3A_80 : vector<16xi32>
          %parallel_loop3A_82 = arith.constant 16 : i32
          %parallel_loop3A_83 = arith.muli %parallel_loop3A_71, %parallel_loop3A_82 : i32
          %parallel_loop3A_84 = arith.index_cast %parallel_loop3A_83 : i32 to index
          %parallel_loop3A_85 = tpu.vector_load %arg6[%parallel_loop3A_84] {strides = array<i32>} : memref<256xi32, #tpu.memory_space<vmem>>, vector<16xi32>,
          tpu.vector_store %arg6[%parallel_loop3A_84], %parallel_loop3A_81 {strides = array<i32>} : memref<256xi32, #tpu.memory_space<vmem>>, vector<16xi32>,
        } {sc.loop_unroll_factor = 4 : i64, sc.parallel_access}
        %dma_start3A_68 = arith.constant 0 : i32
        %dma_start3A_69 = arith.constant 0 : i32
        %dma_start3A_70 = tpu.memref_slice %arg2[%dma_start3A_68, %dma_start3A_69] : memref<250000x128xf32, #tpu.memory_space<hbm>> -> memref<250000x128xf32, #tpu.memory_space<hbm>>
        tpu.enqueue_indirect_dma source(%dma_start3A_70 : memref<250000x128xf32, #tpu.memory_space<hbm>>) target(%arg8 : memref<256x128xf32, #tpu.memory_space<vmem>>) offsets(%arg6 : memref<256xi32, #tpu.memory_space<vmem>>) semaphore(%arg11 : memref<!tpu.dma_semaphore, #tpu.memory_space<semaphore_mem>>)
      } else {
      }
      %parallel_loop3A_47 = arith.constant 0 : i32
      %parallel_loop3A_48 = arith.constant 16 : i32
      %parallel_loop3A_49 = arith.constant 1 : i32
      scf.for %parallel_loop3A_63 = %parallel_loop3A_47 to %parallel_loop3A_48 step %parallel_loop3A_49  : i32 {
        %parallel_loop3A_64 = arith.constant 16 : i32
        %parallel_loop3A_65 = arith.muli %parallel_loop3A_63, %parallel_loop3A_64 : i32
        %parallel_loop3A_66 = arith.constant 256 : i32
        %parallel_loop3A_67 = arith.addi %parallel_loop3A_66, %parallel_loop3A_65 : i32
        %parallel_loop3A_68 = arith.index_cast %scan3A_23 : i32 to index
        %parallel_loop3A_69 = arith.index_cast %parallel_loop3A_67 : i32 to index
        %parallel_loop3A_70 = tpu.vector_load %arg5[%parallel_loop3A_68, %parallel_loop3A_69] {strides = array<i32>} : memref<50x512xi32, #tpu.memory_space<vmem>>, vector<16xi32>,
        %parallel_loop3A_71 = arith.constant 3 : i32
        %parallel_loop3A_72 = vector.broadcast %parallel_loop3A_71 : i32 to vector<16xi32>
        %parallel_loop3A_73 = arith.andi %parallel_loop3A_70, %parallel_loop3A_72 : vector<16xi32>
        %parallel_loop3A_74 = arith.constant 32 : i32
        %parallel_loop3A_75 = vector.broadcast %parallel_loop3A_74 : i32 to vector<16xi32>
        %parallel_loop3A_76 = arith.muli %parallel_loop3A_73, %parallel_loop3A_75 : vector<16xi32>
        %parallel_loop3A_77 = arith.constant 16 : i32
        %parallel_loop3A_78 = arith.muli %parallel_loop3A_63, %parallel_loop3A_77 : i32
        %parallel_loop3A_79 = vector.broadcast %parallel_loop3A_78 : i32 to vector<16xi32>
        %parallel_loop3A_80 = arith.addi %parallel_loop3A_79, %iota3A : vector<16xi32>
        %parallel_loop3A_81 = arith.constant 0 : i32
        %parallel_loop3A_82 = vector.broadcast %parallel_loop3A_81 : i32 to vector<16xi32>
        %parallel_loop3A_83 = arith.addi %parallel_loop3A_76, %parallel_loop3A_82 : vector<16xi32>
        %parallel_loop3A_84 = tpu.vector_load_idx %arg9[%parallel_loop3A_80, %parallel_loop3A_83] : memref<256x128xf32, #tpu.memory_space<vmem>>[vector<16xi32>, vector<16xi32>], vector<16xf32>,
        %parallel_loop3A_85 = arith.constant 16 : i32
        %parallel_loop3A_86 = arith.muli %parallel_loop3A_63, %parallel_loop3A_85 : i32
        %parallel_loop3A_87 = arith.constant 256 : i32
        %parallel_loop3A_88 = arith.addi %parallel_loop3A_87, %parallel_loop3A_86 : i32
        %parallel_loop3A_89 = arith.constant 0 : i32
        %parallel_loop3A_90 = arith.index_cast %parallel_loop3A_89 : i32 to index
        %parallel_loop3A_91 = arith.index_cast %parallel_loop3A_88 : i32 to index
        %parallel_loop3A_92 = tpu.vector_load %arg10[%parallel_loop3A_90, %parallel_loop3A_91] {strides = array<i32>} : memref<32x512xf32, #tpu.memory_space<vmem>>, vector<16xf32>,
        tpu.vector_store %arg10[%parallel_loop3A_90, %parallel_loop3A_91], %parallel_loop3A_84 {strides = array<i32>} : memref<32x512xf32, #tpu.memory_space<vmem>>, vector<16xf32>,
        %parallel_loop3A_93 = arith.constant 1 : i32
        %parallel_loop3A_94 = vector.broadcast %parallel_loop3A_93 : i32 to vector<16xi32>
        %parallel_loop3A_95 = arith.addi %parallel_loop3A_76, %parallel_loop3A_94 : vector<16xi32>
        %parallel_loop3A_96 = tpu.vector_load_idx %arg9[%parallel_loop3A_80, %parallel_loop3A_95] : memref<256x128xf32, #tpu.memory_space<vmem>>[vector<16xi32>, vector<16xi32>], vector<16xf32>,
        %parallel_loop3A_97 = arith.constant 16 : i32
        %parallel_loop3A_98 = arith.muli %parallel_loop3A_63, %parallel_loop3A_97 : i32
        %parallel_loop3A_99 = arith.constant 256 : i32
        %parallel_loop3A_100 = arith.addi %parallel_loop3A_99, %parallel_loop3A_98 : i32
        %parallel_loop3A_101 = arith.constant 1 : i32
        %parallel_loop3A_102 = arith.index_cast %parallel_loop3A_101 : i32 to index
        %parallel_loop3A_103 = arith.index_cast %parallel_loop3A_100 : i32 to index
        %parallel_loop3A_104 = tpu.vector_load %arg10[%parallel_loop3A_102, %parallel_loop3A_103] {strides = array<i32>} : memref<32x512xf32, #tpu.memory_space<vmem>>, vector<16xf32>,
        tpu.vector_store %arg10[%parallel_loop3A_102, %parallel_loop3A_103], %parallel_loop3A_96 {strides = array<i32>} : memref<32x512xf32, #tpu.memory_space<vmem>>, vector<16xf32>,
        %parallel_loop3A_105 = arith.constant 2 : i32
        %parallel_loop3A_106 = vector.broadcast %parallel_loop3A_105 : i32 to vector<16xi32>
        %parallel_loop3A_107 = arith.addi %parallel_loop3A_76, %parallel_loop3A_106 : vector<16xi32>
        %parallel_loop3A_108 = tpu.vector_load_idx %arg9[%parallel_loop3A_80, %parallel_loop3A_107] : memref<256x128xf32, #tpu.memory_space<vmem>>[vector<16xi32>, vector<16xi32>], vector<16xf32>,
        %parallel_loop3A_109 = arith.constant 16 : i32
        %parallel_loop3A_110 = arith.muli %parallel_loop3A_63, %parallel_loop3A_109 : i32
        %parallel_loop3A_111 = arith.constant 256 : i32
        %parallel_loop3A_112 = arith.addi %parallel_loop3A_111, %parallel_loop3A_110 : i32
        %parallel_loop3A_113 = arith.constant 2 : i32
        %parallel_loop3A_114 = arith.index_cast %parallel_loop3A_113 : i32 to index
        %parallel_loop3A_115 = arith.index_cast %parallel_loop3A_112 : i32 to index
        %parallel_loop3A_116 = tpu.vector_load %arg10[%parallel_loop3A_114, %parallel_loop3A_115] {strides = array<i32>} : memref<32x512xf32, #tpu.memory_space<vmem>>, vector<16xf32>,
        tpu.vector_store %arg10[%parallel_loop3A_114, %parallel_loop3A_115], %parallel_loop3A_108 {strides = array<i32>} : memref<32x512xf32, #tpu.memory_space<vmem>>, vector<16xf32>,
        %parallel_loop3A_117 = arith.constant 3 : i32
        %parallel_loop3A_118 = vector.broadcast %parallel_loop3A_117 : i32 to vector<16xi32>
        %parallel_loop3A_119 = arith.addi %parallel_loop3A_76, %parallel_loop3A_118 : vector<16xi32>
        %parallel_loop3A_120 = tpu.vector_load_idx %arg9[%parallel_loop3A_80, %parallel_loop3A_119] : memref<256x128xf32, #tpu.memory_space<vmem>>[vector<16xi32>, vector<16xi32>], vector<16xf32>,
        %parallel_loop3A_121 = arith.constant 16 : i32
        %parallel_loop3A_122 = arith.muli %parallel_loop3A_63, %parallel_loop3A_121 : i32
        %parallel_loop3A_123 = arith.constant 256 : i32
        %parallel_loop3A_124 = arith.addi %parallel_loop3A_123, %parallel_loop3A_122 : i32
        %parallel_loop3A_125 = arith.constant 3 : i32
        %parallel_loop3A_126 = arith.index_cast %parallel_loop3A_125 : i32 to index
        %parallel_loop3A_127 = arith.index_cast %parallel_loop3A_124 : i32 to index
        %parallel_loop3A_128 = tpu.vector_load %arg10[%parallel_loop3A_126, %parallel_loop3A_127] {strides = array<i32>} : memref<32x512xf32, #tpu.memory_space<vmem>>, vector<16xf32>,
        tpu.vector_store %arg10[%parallel_loop3A_126, %parallel_loop3A_127], %parallel_loop3A_120 {strides = array<i32>} : memref<32x512xf32, #tpu.memory_space<vmem>>, vector<16xf32>,
        %parallel_loop3A_129 = arith.constant 4 : i32
        %parallel_loop3A_130 = vector.broadcast %parallel_loop3A_129 : i32 to vector<16xi32>
        %parallel_loop3A_131 = arith.addi %parallel_loop3A_76, %parallel_loop3A_130 : vector<16xi32>
        %parallel_loop3A_132 = tpu.vector_load_idx %arg9[%parallel_loop3A_80, %parallel_loop3A_131] : memref<256x128xf32, #tpu.memory_space<vmem>>[vector<16xi32>, vector<16xi32>], vector<16xf32>,
        %parallel_loop3A_133 = arith.constant 16 : i32
        %parallel_loop3A_134 = arith.muli %parallel_loop3A_63, %parallel_loop3A_133 : i32
        %parallel_loop3A_135 = arith.constant 256 : i32
        %parallel_loop3A_136 = arith.addi %parallel_loop3A_135, %parallel_loop3A_134 : i32
        %parallel_loop3A_137 = arith.constant 4 : i32
        %parallel_loop3A_138 = arith.index_cast %parallel_loop3A_137 : i32 to index
        %parallel_loop3A_139 = arith.index_cast %parallel_loop3A_136 : i32 to index
        %parallel_loop3A_140 = tpu.vector_load %arg10[%parallel_loop3A_138, %parallel_loop3A_139] {strides = array<i32>} : memref<32x512xf32, #tpu.memory_space<vmem>>, vector<16xf32>,
        tpu.vector_store %arg10[%parallel_loop3A_138, %parallel_loop3A_139], %parallel_loop3A_132 {strides = array<i32>} : memref<32x512xf32, #tpu.memory_space<vmem>>, vector<16xf32>,
        %parallel_loop3A_141 = arith.constant 5 : i32
        %parallel_loop3A_142 = vector.broadcast %parallel_loop3A_141 : i32 to vector<16xi32>
        %parallel_loop3A_143 = arith.addi %parallel_loop3A_76, %parallel_loop3A_142 : vector<16xi32>
        %parallel_loop3A_144 = tpu.vector_load_idx %arg9[%parallel_loop3A_80, %parallel_loop3A_143] : memref<256x128xf32, #tpu.memory_space<vmem>>[vector<16xi32>, vector<16xi32>], vector<16xf32>,
        %parallel_loop3A_145 = arith.constant 16 : i32
        %parallel_loop3A_146 = arith.muli %parallel_loop3A_63, %parallel_loop3A_145 : i32
        %parallel_loop3A_147 = arith.constant 256 : i32
        %parallel_loop3A_148 = arith.addi %parallel_loop3A_147, %parallel_loop3A_146 : i32
        %parallel_loop3A_149 = arith.constant 5 : i32
        %parallel_loop3A_150 = arith.index_cast %parallel_loop3A_149 : i32 to index
        %parallel_loop3A_151 = arith.index_cast %parallel_loop3A_148 : i32 to index
        %parallel_loop3A_152 = tpu.vector_load %arg10[%parallel_loop3A_150, %parallel_loop3A_151] {strides = array<i32>} : memref<32x512xf32, #tpu.memory_space<vmem>>, vector<16xf32>,
        tpu.vector_store %arg10[%parallel_loop3A_150, %parallel_loop3A_151], %parallel_loop3A_144 {strides = array<i32>} : memref<32x512xf32, #tpu.memory_space<vmem>>, vector<16xf32>,
        %parallel_loop3A_153 = arith.constant 6 : i32
        %parallel_loop3A_154 = vector.broadcast %parallel_loop3A_153 : i32 to vector<16xi32>
        %parallel_loop3A_155 = arith.addi %parallel_loop3A_76, %parallel_loop3A_154 : vector<16xi32>
        %parallel_loop3A_156 = tpu.vector_load_idx %arg9[%parallel_loop3A_80, %parallel_loop3A_155] : memref<256x128xf32, #tpu.memory_space<vmem>>[vector<16xi32>, vector<16xi32>], vector<16xf32>,
        %parallel_loop3A_157 = arith.constant 16 : i32
        %parallel_loop3A_158 = arith.muli %parallel_loop3A_63, %parallel_loop3A_157 : i32
        %parallel_loop3A_159 = arith.constant 256 : i32
        %parallel_loop3A_160 = arith.addi %parallel_loop3A_159, %parallel_loop3A_158 : i32
        %parallel_loop3A_161 = arith.constant 6 : i32
        %parallel_loop3A_162 = arith.index_cast %parallel_loop3A_161 : i32 to index
        %parallel_loop3A_163 = arith.index_cast %parallel_loop3A_160 : i32 to index
        %parallel_loop3A_164 = tpu.vector_load %arg10[%parallel_loop3A_162, %parallel_loop3A_163] {strides = array<i32>} : memref<32x512xf32, #tpu.memory_space<vmem>>, vector<16xf32>,
        tpu.vector_store %arg10[%parallel_loop3A_162, %parallel_loop3A_163], %parallel_loop3A_156 {strides = array<i32>} : memref<32x512xf32, #tpu.memory_space<vmem>>, vector<16xf32>,
        %parallel_loop3A_165 = arith.constant 7 : i32
        %parallel_loop3A_166 = vector.broadcast %parallel_loop3A_165 : i32 to vector<16xi32>
        %parallel_loop3A_167 = arith.addi %parallel_loop3A_76, %parallel_loop3A_166 : vector<16xi32>
        %parallel_loop3A_168 = tpu.vector_load_idx %arg9[%parallel_loop3A_80, %parallel_loop3A_167] : memref<256x128xf32, #tpu.memory_space<vmem>>[vector<16xi32>, vector<16xi32>], vector<16xf32>,
        %parallel_loop3A_169 = arith.constant 16 : i32
        %parallel_loop3A_170 = arith.muli %parallel_loop3A_63, %parallel_loop3A_169 : i32
        %parallel_loop3A_171 = arith.constant 256 : i32
        %parallel_loop3A_172 = arith.addi %parallel_loop3A_171, %parallel_loop3A_170 : i32
        %parallel_loop3A_173 = arith.constant 7 : i32
        %parallel_loop3A_174 = arith.index_cast %parallel_loop3A_173 : i32 to index
        %parallel_loop3A_175 = arith.index_cast %parallel_loop3A_172 : i32 to index
        %parallel_loop3A_176 = tpu.vector_load %arg10[%parallel_loop3A_174, %parallel_loop3A_175] {strides = array<i32>} : memref<32x512xf32, #tpu.memory_space<vmem>>, vector<16xf32>,
        tpu.vector_store %arg10[%parallel_loop3A_174, %parallel_loop3A_175], %parallel_loop3A_168 {strides = array<i32>} : memref<32x512xf32, #tpu.memory_space<vmem>>, vector<16xf32>,
        %parallel_loop3A_177 = arith.constant 8 : i32
        %parallel_loop3A_178 = vector.broadcast %parallel_loop3A_177 : i32 to vector<16xi32>
        %parallel_loop3A_179 = arith.addi %parallel_loop3A_76, %parallel_loop3A_178 : vector<16xi32>
        %parallel_loop3A_180 = tpu.vector_load_idx %arg9[%parallel_loop3A_80, %parallel_loop3A_179] : memref<256x128xf32, #tpu.memory_space<vmem>>[vector<16xi32>, vector<16xi32>], vector<16xf32>,
        %parallel_loop3A_181 = arith.constant 16 : i32
        %parallel_loop3A_182 = arith.muli %parallel_loop3A_63, %parallel_loop3A_181 : i32
        %parallel_loop3A_183 = arith.constant 256 : i32
        %parallel_loop3A_184 = arith.addi %parallel_loop3A_183, %parallel_loop3A_182 : i32
        %parallel_loop3A_185 = arith.constant 8 : i32
        %parallel_loop3A_186 = arith.index_cast %parallel_loop3A_185 : i32 to index
        %parallel_loop3A_187 = arith.index_cast %parallel_loop3A_184 : i32 to index
        %parallel_loop3A_188 = tpu.vector_load %arg10[%parallel_loop3A_186, %parallel_loop3A_187] {strides = array<i32>} : memref<32x512xf32, #tpu.memory_space<vmem>>, vector<16xf32>,
        tpu.vector_store %arg10[%parallel_loop3A_186, %parallel_loop3A_187], %parallel_loop3A_180 {strides = array<i32>} : memref<32x512xf32, #tpu.memory_space<vmem>>, vector<16xf32>,
        %parallel_loop3A_189 = arith.constant 9 : i32
        %parallel_loop3A_190 = vector.broadcast %parallel_loop3A_189 : i32 to vector<16xi32>
        %parallel_loop3A_191 = arith.addi %parallel_loop3A_76, %parallel_loop3A_190 : vector<16xi32>
        %parallel_loop3A_192 = tpu.vector_load_idx %arg9[%parallel_loop3A_80, %parallel_loop3A_191] : memref<256x128xf32, #tpu.memory_space<vmem>>[vector<16xi32>, vector<16xi32>], vector<16xf32>,
        %parallel_loop3A_193 = arith.constant 16 : i32
        %parallel_loop3A_194 = arith.muli %parallel_loop3A_63, %parallel_loop3A_193 : i32
        %parallel_loop3A_195 = arith.constant 256 : i32
        %parallel_loop3A_196 = arith.addi %parallel_loop3A_195, %parallel_loop3A_194 : i32
        %parallel_loop3A_197 = arith.constant 9 : i32
        %parallel_loop3A_198 = arith.index_cast %parallel_loop3A_197 : i32 to index
        %parallel_loop3A_199 = arith.index_cast %parallel_loop3A_196 : i32 to index
        %parallel_loop3A_200 = tpu.vector_load %arg10[%parallel_loop3A_198, %parallel_loop3A_199] {strides = array<i32>} : memref<32x512xf32, #tpu.memory_space<vmem>>, vector<16xf32>,
        tpu.vector_store %arg10[%parallel_loop3A_198, %parallel_loop3A_199], %parallel_loop3A_192 {strides = array<i32>} : memref<32x512xf32, #tpu.memory_space<vmem>>, vector<16xf32>,
        %parallel_loop3A_201 = arith.constant 10 : i32
        %parallel_loop3A_202 = vector.broadcast %parallel_loop3A_201 : i32 to vector<16xi32>
        %parallel_loop3A_203 = arith.addi %parallel_loop3A_76, %parallel_loop3A_202 : vector<16xi32>
        %parallel_loop3A_204 = tpu.vector_load_idx %arg9[%parallel_loop3A_80, %parallel_loop3A_203] : memref<256x128xf32, #tpu.memory_space<vmem>>[vector<16xi32>, vector<16xi32>], vector<16xf32>,
        %parallel_loop3A_205 = arith.constant 16 : i32
        %parallel_loop3A_206 = arith.muli %parallel_loop3A_63, %parallel_loop3A_205 : i32
        %parallel_loop3A_207 = arith.constant 256 : i32
        %parallel_loop3A_208 = arith.addi %parallel_loop3A_207, %parallel_loop3A_206 : i32
        %parallel_loop3A_209 = arith.constant 10 : i32
        %parallel_loop3A_210 = arith.index_cast %parallel_loop3A_209 : i32 to index
        %parallel_loop3A_211 = arith.index_cast %parallel_loop3A_208 : i32 to index
        %parallel_loop3A_212 = tpu.vector_load %arg10[%parallel_loop3A_210, %parallel_loop3A_211] {strides = array<i32>} : memref<32x512xf32, #tpu.memory_space<vmem>>, vector<16xf32>,
        tpu.vector_store %arg10[%parallel_loop3A_210, %parallel_loop3A_211], %parallel_loop3A_204 {strides = array<i32>} : memref<32x512xf32, #tpu.memory_space<vmem>>, vector<16xf32>,
        %parallel_loop3A_213 = arith.constant 11 : i32
        %parallel_loop3A_214 = vector.broadcast %parallel_loop3A_213 : i32 to vector<16xi32>
        %parallel_loop3A_215 = arith.addi %parallel_loop3A_76, %parallel_loop3A_214 : vector<16xi32>
        %parallel_loop3A_216 = tpu.vector_load_idx %arg9[%parallel_loop3A_80, %parallel_loop3A_215] : memref<256x128xf32, #tpu.memory_space<vmem>>[vector<16xi32>, vector<16xi32>], vector<16xf32>,
        %parallel_loop3A_217 = arith.constant 16 : i32
        %parallel_loop3A_218 = arith.muli %parallel_loop3A_63, %parallel_loop3A_217 : i32
        %parallel_loop3A_219 = arith.constant 256 : i32
        %parallel_loop3A_220 = arith.addi %parallel_loop3A_219, %parallel_loop3A_218 : i32
        %parallel_loop3A_221 = arith.constant 11 : i32
        %parallel_loop3A_222 = arith.index_cast %parallel_loop3A_221 : i32 to index
        %parallel_loop3A_223 = arith.index_cast %parallel_loop3A_220 : i32 to index
        %parallel_loop3A_224 = tpu.vector_load %arg10[%parallel_loop3A_222, %parallel_loop3A_223] {strides = array<i32>} : memref<32x512xf32, #tpu.memory_space<vmem>>, vector<16xf32>,
        tpu.vector_store %arg10[%parallel_loop3A_222, %parallel_loop3A_223], %parallel_loop3A_216 {strides = array<i32>} : memref<32x512xf32, #tpu.memory_space<vmem>>, vector<16xf32>,
        %parallel_loop3A_225 = arith.constant 12 : i32
        %parallel_loop3A_226 = vector.broadcast %parallel_loop3A_225 : i32 to vector<16xi32>
        %parallel_loop3A_227 = arith.addi %parallel_loop3A_76, %parallel_loop3A_226 : vector<16xi32>
        %parallel_loop3A_228 = tpu.vector_load_idx %arg9[%parallel_loop3A_80, %parallel_loop3A_227] : memref<256x128xf32, #tpu.memory_space<vmem>>[vector<16xi32>, vector<16xi32>], vector<16xf32>,
        %parallel_loop3A_229 = arith.constant 16 : i32
        %parallel_loop3A_230 = arith.muli %parallel_loop3A_63, %parallel_loop3A_229 : i32
        %parallel_loop3A_231 = arith.constant 256 : i32
        %parallel_loop3A_232 = arith.addi %parallel_loop3A_231, %parallel_loop3A_230 : i32
        %parallel_loop3A_233 = arith.constant 12 : i32
        %parallel_loop3A_234 = arith.index_cast %parallel_loop3A_233 : i32 to index
        %parallel_loop3A_235 = arith.index_cast %parallel_loop3A_232 : i32 to index
        %parallel_loop3A_236 = tpu.vector_load %arg10[%parallel_loop3A_234, %parallel_loop3A_235] {strides = array<i32>} : memref<32x512xf32, #tpu.memory_space<vmem>>, vector<16xf32>,
        tpu.vector_store %arg10[%parallel_loop3A_234, %parallel_loop3A_235], %parallel_loop3A_228 {strides = array<i32>} : memref<32x512xf32, #tpu.memory_space<vmem>>, vector<16xf32>,
        %parallel_loop3A_237 = arith.constant 13 : i32
        %parallel_loop3A_238 = vector.broadcast %parallel_loop3A_237 : i32 to vector<16xi32>
        %parallel_loop3A_239 = arith.addi %parallel_loop3A_76, %parallel_loop3A_238 : vector<16xi32>
        %parallel_loop3A_240 = tpu.vector_load_idx %arg9[%parallel_loop3A_80, %parallel_loop3A_239] : memref<256x128xf32, #tpu.memory_space<vmem>>[vector<16xi32>, vector<16xi32>], vector<16xf32>,
        %parallel_loop3A_241 = arith.constant 16 : i32
        %parallel_loop3A_242 = arith.muli %parallel_loop3A_63, %parallel_loop3A_241 : i32
        %parallel_loop3A_243 = arith.constant 256 : i32
        %parallel_loop3A_244 = arith.addi %parallel_loop3A_243, %parallel_loop3A_242 : i32
        %parallel_loop3A_245 = arith.constant 13 : i32
        %parallel_loop3A_246 = arith.index_cast %parallel_loop3A_245 : i32 to index
        %parallel_loop3A_247 = arith.index_cast %parallel_loop3A_244 : i32 to index
        %parallel_loop3A_248 = tpu.vector_load %arg10[%parallel_loop3A_246, %parallel_loop3A_247] {strides = array<i32>} : memref<32x512xf32, #tpu.memory_space<vmem>>, vector<16xf32>,
        tpu.vector_store %arg10[%parallel_loop3A_246, %parallel_loop3A_247], %parallel_loop3A_240 {strides = array<i32>} : memref<32x512xf32, #tpu.memory_space<vmem>>, vector<16xf32>,
        %parallel_loop3A_249 = arith.constant 14 : i32
        %parallel_loop3A_250 = vector.broadcast %parallel_loop3A_249 : i32 to vector<16xi32>
        %parallel_loop3A_251 = arith.addi %parallel_loop3A_76, %parallel_loop3A_250 : vector<16xi32>
        %parallel_loop3A_252 = tpu.vector_load_idx %arg9[%parallel_loop3A_80, %parallel_loop3A_251] : memref<256x128xf32, #tpu.memory_space<vmem>>[vector<16xi32>, vector<16xi32>], vector<16xf32>,
        %parallel_loop3A_253 = arith.constant 16 : i32
        %parallel_loop3A_254 = arith.muli %parallel_loop3A_63, %parallel_loop3A_253 : i32
        %parallel_loop3A_255 = arith.constant 256 : i32
        %parallel_loop3A_256 = arith.addi %parallel_loop3A_255, %parallel_loop3A_254 : i32
        %parallel_loop3A_257 = arith.constant 14 : i32
        %parallel_loop3A_258 = arith.index_cast %parallel_loop3A_257 : i32 to index
        %parallel_loop3A_259 = arith.index_cast %parallel_loop3A_256 : i32 to index
        %parallel_loop3A_260 = tpu.vector_load %arg10[%parallel_loop3A_258, %parallel_loop3A_259] {strides = array<i32>} : memref<32x512xf32, #tpu.memory_space<vmem>>, vector<16xf32>,
        tpu.vector_store %arg10[%parallel_loop3A_258, %parallel_loop3A_259], %parallel_loop3A_252 {strides = array<i32>} : memref<32x512xf32, #tpu.memory_space<vmem>>, vector<16xf32>,
        %parallel_loop3A_261 = arith.constant 15 : i32
        %parallel_loop3A_262 = vector.broadcast %parallel_loop3A_261 : i32 to vector<16xi32>
        %parallel_loop3A_263 = arith.addi %parallel_loop3A_76, %parallel_loop3A_262 : vector<16xi32>
        %parallel_loop3A_264 = tpu.vector_load_idx %arg9[%parallel_loop3A_80, %parallel_loop3A_263] : memref<256x128xf32, #tpu.memory_space<vmem>>[vector<16xi32>, vector<16xi32>], vector<16xf32>,
        %parallel_loop3A_265 = arith.constant 16 : i32
        %parallel_loop3A_266 = arith.muli %parallel_loop3A_63, %parallel_loop3A_265 : i32
        %parallel_loop3A_267 = arith.constant 256 : i32
        %parallel_loop3A_268 = arith.addi %parallel_loop3A_267, %parallel_loop3A_266 : i32
        %parallel_loop3A_269 = arith.constant 15 : i32
        %parallel_loop3A_270 = arith.index_cast %parallel_loop3A_269 : i32 to index
        %parallel_loop3A_271 = arith.index_cast %parallel_loop3A_268 : i32 to index
        %parallel_loop3A_272 = tpu.vector_load %arg10[%parallel_loop3A_270, %parallel_loop3A_271] {strides = array<i32>} : memref<32x512xf32, #tpu.memory_space<vmem>>, vector<16xf32>,
        tpu.vector_store %arg10[%parallel_loop3A_270, %parallel_loop3A_271], %parallel_loop3A_264 {strides = array<i32>} : memref<32x512xf32, #tpu.memory_space<vmem>>, vector<16xf32>,
        %parallel_loop3A_273 = arith.constant 16 : i32
        %parallel_loop3A_274 = vector.broadcast %parallel_loop3A_273 : i32 to vector<16xi32>
        %parallel_loop3A_275 = arith.addi %parallel_loop3A_76, %parallel_loop3A_274 : vector<16xi32>
        %parallel_loop3A_276 = tpu.vector_load_idx %arg9[%parallel_loop3A_80, %parallel_loop3A_275] : memref<256x128xf32, #tpu.memory_space<vmem>>[vector<16xi32>, vector<16xi32>], vector<16xf32>,
        %parallel_loop3A_277 = arith.constant 16 : i32
        %parallel_loop3A_278 = arith.muli %parallel_loop3A_63, %parallel_loop3A_277 : i32
        %parallel_loop3A_279 = arith.constant 256 : i32
        %parallel_loop3A_280 = arith.addi %parallel_loop3A_279, %parallel_loop3A_278 : i32
        %parallel_loop3A_281 = arith.constant 16 : i32
        %parallel_loop3A_282 = arith.index_cast %parallel_loop3A_281 : i32 to index
        %parallel_loop3A_283 = arith.index_cast %parallel_loop3A_280 : i32 to index
        %parallel_loop3A_284 = tpu.vector_load %arg10[%parallel_loop3A_282, %parallel_loop3A_283] {strides = array<i32>} : memref<32x512xf32, #tpu.memory_space<vmem>>, vector<16xf32>,
        tpu.vector_store %arg10[%parallel_loop3A_282, %parallel_loop3A_283], %parallel_loop3A_276 {strides = array<i32>} : memref<32x512xf32, #tpu.memory_space<vmem>>, vector<16xf32>,
        %parallel_loop3A_285 = arith.constant 17 : i32
        %parallel_loop3A_286 = vector.broadcast %parallel_loop3A_285 : i32 to vector<16xi32>
        %parallel_loop3A_287 = arith.addi %parallel_loop3A_76, %parallel_loop3A_286 : vector<16xi32>
        %parallel_loop3A_288 = tpu.vector_load_idx %arg9[%parallel_loop3A_80, %parallel_loop3A_287] : memref<256x128xf32, #tpu.memory_space<vmem>>[vector<16xi32>, vector<16xi32>], vector<16xf32>,
        %parallel_loop3A_289 = arith.constant 16 : i32
        %parallel_loop3A_290 = arith.muli %parallel_loop3A_63, %parallel_loop3A_289 : i32
        %parallel_loop3A_291 = arith.constant 256 : i32
        %parallel_loop3A_292 = arith.addi %parallel_loop3A_291, %parallel_loop3A_290 : i32
        %parallel_loop3A_293 = arith.constant 17 : i32
        %parallel_loop3A_294 = arith.index_cast %parallel_loop3A_293 : i32 to index
        %parallel_loop3A_295 = arith.index_cast %parallel_loop3A_292 : i32 to index
        %parallel_loop3A_296 = tpu.vector_load %arg10[%parallel_loop3A_294, %parallel_loop3A_295] {strides = array<i32>} : memref<32x512xf32, #tpu.memory_space<vmem>>, vector<16xf32>,
        tpu.vector_store %arg10[%parallel_loop3A_294, %parallel_loop3A_295], %parallel_loop3A_288 {strides = array<i32>} : memref<32x512xf32, #tpu.memory_space<vmem>>, vector<16xf32>,
        %parallel_loop3A_297 = arith.constant 18 : i32
        %parallel_loop3A_298 = vector.broadcast %parallel_loop3A_297 : i32 to vector<16xi32>
        %parallel_loop3A_299 = arith.addi %parallel_loop3A_76, %parallel_loop3A_298 : vector<16xi32>
        %parallel_loop3A_300 = tpu.vector_load_idx %arg9[%parallel_loop3A_80, %parallel_loop3A_299] : memref<256x128xf32, #tpu.memory_space<vmem>>[vector<16xi32>, vector<16xi32>], vector<16xf32>,
        %parallel_loop3A_301 = arith.constant 16 : i32
        %parallel_loop3A_302 = arith.muli %parallel_loop3A_63, %parallel_loop3A_301 : i32
        %parallel_loop3A_303 = arith.constant 256 : i32
        %parallel_loop3A_304 = arith.addi %parallel_loop3A_303, %parallel_loop3A_302 : i32
        %parallel_loop3A_305 = arith.constant 18 : i32
        %parallel_loop3A_306 = arith.index_cast %parallel_loop3A_305 : i32 to index
        %parallel_loop3A_307 = arith.index_cast %parallel_loop3A_304 : i32 to index
        %parallel_loop3A_308 = tpu.vector_load %arg10[%parallel_loop3A_306, %parallel_loop3A_307] {strides = array<i32>} : memref<32x512xf32, #tpu.memory_space<vmem>>, vector<16xf32>,
        tpu.vector_store %arg10[%parallel_loop3A_306, %parallel_loop3A_307], %parallel_loop3A_300 {strides = array<i32>} : memref<32x512xf32, #tpu.memory_space<vmem>>, vector<16xf32>,
        %parallel_loop3A_309 = arith.constant 19 : i32
        %parallel_loop3A_310 = vector.broadcast %parallel_loop3A_309 : i32 to vector<16xi32>
        %parallel_loop3A_311 = arith.addi %parallel_loop3A_76, %parallel_loop3A_310 : vector<16xi32>
        %parallel_loop3A_312 = tpu.vector_load_idx %arg9[%parallel_loop3A_80, %parallel_loop3A_311] : memref<256x128xf32, #tpu.memory_space<vmem>>[vector<16xi32>, vector<16xi32>], vector<16xf32>,
        %parallel_loop3A_313 = arith.constant 16 : i32
        %parallel_loop3A_314 = arith.muli %parallel_loop3A_63, %parallel_loop3A_313 : i32
        %parallel_loop3A_315 = arith.constant 256 : i32
        %parallel_loop3A_316 = arith.addi %parallel_loop3A_315, %parallel_loop3A_314 : i32
        %parallel_loop3A_317 = arith.constant 19 : i32
        %parallel_loop3A_318 = arith.index_cast %parallel_loop3A_317 : i32 to index
        %parallel_loop3A_319 = arith.index_cast %parallel_loop3A_316 : i32 to index
        %parallel_loop3A_320 = tpu.vector_load %arg10[%parallel_loop3A_318, %parallel_loop3A_319] {strides = array<i32>} : memref<32x512xf32, #tpu.memory_space<vmem>>, vector<16xf32>,
        tpu.vector_store %arg10[%parallel_loop3A_318, %parallel_loop3A_319], %parallel_loop3A_312 {strides = array<i32>} : memref<32x512xf32, #tpu.memory_space<vmem>>, vector<16xf32>,
        %parallel_loop3A_321 = arith.constant 20 : i32
        %parallel_loop3A_322 = vector.broadcast %parallel_loop3A_321 : i32 to vector<16xi32>
        %parallel_loop3A_323 = arith.addi %parallel_loop3A_76, %parallel_loop3A_322 : vector<16xi32>
        %parallel_loop3A_324 = tpu.vector_load_idx %arg9[%parallel_loop3A_80, %parallel_loop3A_323] : memref<256x128xf32, #tpu.memory_space<vmem>>[vector<16xi32>, vector<16xi32>], vector<16xf32>,
        %parallel_loop3A_325 = arith.constant 16 : i32
        %parallel_loop3A_326 = arith.muli %parallel_loop3A_63, %parallel_loop3A_325 : i32
        %parallel_loop3A_327 = arith.constant 256 : i32
        %parallel_loop3A_328 = arith.addi %parallel_loop3A_327, %parallel_loop3A_326 : i32
        %parallel_loop3A_329 = arith.constant 20 : i32
        %parallel_loop3A_330 = arith.index_cast %parallel_loop3A_329 : i32 to index
        %parallel_loop3A_331 = arith.index_cast %parallel_loop3A_328 : i32 to index
        %parallel_loop3A_332 = tpu.vector_load %arg10[%parallel_loop3A_330, %parallel_loop3A_331] {strides = array<i32>} : memref<32x512xf32, #tpu.memory_space<vmem>>, vector<16xf32>,
        tpu.vector_store %arg10[%parallel_loop3A_330, %parallel_loop3A_331], %parallel_loop3A_324 {strides = array<i32>} : memref<32x512xf32, #tpu.memory_space<vmem>>, vector<16xf32>,
        %parallel_loop3A_333 = arith.constant 21 : i32
        %parallel_loop3A_334 = vector.broadcast %parallel_loop3A_333 : i32 to vector<16xi32>
        %parallel_loop3A_335 = arith.addi %parallel_loop3A_76, %parallel_loop3A_334 : vector<16xi32>
        %parallel_loop3A_336 = tpu.vector_load_idx %arg9[%parallel_loop3A_80, %parallel_loop3A_335] : memref<256x128xf32, #tpu.memory_space<vmem>>[vector<16xi32>, vector<16xi32>], vector<16xf32>,
        %parallel_loop3A_337 = arith.constant 16 : i32
        %parallel_loop3A_338 = arith.muli %parallel_loop3A_63, %parallel_loop3A_337 : i32
        %parallel_loop3A_339 = arith.constant 256 : i32
        %parallel_loop3A_340 = arith.addi %parallel_loop3A_339, %parallel_loop3A_338 : i32
        %parallel_loop3A_341 = arith.constant 21 : i32
        %parallel_loop3A_342 = arith.index_cast %parallel_loop3A_341 : i32 to index
        %parallel_loop3A_343 = arith.index_cast %parallel_loop3A_340 : i32 to index
        %parallel_loop3A_344 = tpu.vector_load %arg10[%parallel_loop3A_342, %parallel_loop3A_343] {strides = array<i32>} : memref<32x512xf32, #tpu.memory_space<vmem>>, vector<16xf32>,
        tpu.vector_store %arg10[%parallel_loop3A_342, %parallel_loop3A_343], %parallel_loop3A_336 {strides = array<i32>} : memref<32x512xf32, #tpu.memory_space<vmem>>, vector<16xf32>,
        %parallel_loop3A_345 = arith.constant 22 : i32
        %parallel_loop3A_346 = vector.broadcast %parallel_loop3A_345 : i32 to vector<16xi32>
        %parallel_loop3A_347 = arith.addi %parallel_loop3A_76, %parallel_loop3A_346 : vector<16xi32>
        %parallel_loop3A_348 = tpu.vector_load_idx %arg9[%parallel_loop3A_80, %parallel_loop3A_347] : memref<256x128xf32, #tpu.memory_space<vmem>>[vector<16xi32>, vector<16xi32>], vector<16xf32>,
        %parallel_loop3A_349 = arith.constant 16 : i32
        %parallel_loop3A_350 = arith.muli %parallel_loop3A_63, %parallel_loop3A_349 : i32
        %parallel_loop3A_351 = arith.constant 256 : i32
        %parallel_loop3A_352 = arith.addi %parallel_loop3A_351, %parallel_loop3A_350 : i32
        %parallel_loop3A_353 = arith.constant 22 : i32
        %parallel_loop3A_354 = arith.index_cast %parallel_loop3A_353 : i32 to index
        %parallel_loop3A_355 = arith.index_cast %parallel_loop3A_352 : i32 to index
        %parallel_loop3A_356 = tpu.vector_load %arg10[%parallel_loop3A_354, %parallel_loop3A_355] {strides = array<i32>} : memref<32x512xf32, #tpu.memory_space<vmem>>, vector<16xf32>,
        tpu.vector_store %arg10[%parallel_loop3A_354, %parallel_loop3A_355], %parallel_loop3A_348 {strides = array<i32>} : memref<32x512xf32, #tpu.memory_space<vmem>>, vector<16xf32>,
        %parallel_loop3A_357 = arith.constant 23 : i32
        %parallel_loop3A_358 = vector.broadcast %parallel_loop3A_357 : i32 to vector<16xi32>
        %parallel_loop3A_359 = arith.addi %parallel_loop3A_76, %parallel_loop3A_358 : vector<16xi32>
        %parallel_loop3A_360 = tpu.vector_load_idx %arg9[%parallel_loop3A_80, %parallel_loop3A_359] : memref<256x128xf32, #tpu.memory_space<vmem>>[vector<16xi32>, vector<16xi32>], vector<16xf32>,
        %parallel_loop3A_361 = arith.constant 16 : i32
        %parallel_loop3A_362 = arith.muli %parallel_loop3A_63, %parallel_loop3A_361 : i32
        %parallel_loop3A_363 = arith.constant 256 : i32
        %parallel_loop3A_364 = arith.addi %parallel_loop3A_363, %parallel_loop3A_362 : i32
        %parallel_loop3A_365 = arith.constant 23 : i32
        %parallel_loop3A_366 = arith.index_cast %parallel_loop3A_365 : i32 to index
        %parallel_loop3A_367 = arith.index_cast %parallel_loop3A_364 : i32 to index
        %parallel_loop3A_368 = tpu.vector_load %arg10[%parallel_loop3A_366, %parallel_loop3A_367] {strides = array<i32>} : memref<32x512xf32, #tpu.memory_space<vmem>>, vector<16xf32>,
        tpu.vector_store %arg10[%parallel_loop3A_366, %parallel_loop3A_367], %parallel_loop3A_360 {strides = array<i32>} : memref<32x512xf32, #tpu.memory_space<vmem>>, vector<16xf32>,
        %parallel_loop3A_369 = arith.constant 24 : i32
        %parallel_loop3A_370 = vector.broadcast %parallel_loop3A_369 : i32 to vector<16xi32>
        %parallel_loop3A_371 = arith.addi %parallel_loop3A_76, %parallel_loop3A_370 : vector<16xi32>
        %parallel_loop3A_372 = tpu.vector_load_idx %arg9[%parallel_loop3A_80, %parallel_loop3A_371] : memref<256x128xf32, #tpu.memory_space<vmem>>[vector<16xi32>, vector<16xi32>], vector<16xf32>,
        %parallel_loop3A_373 = arith.constant 16 : i32
        %parallel_loop3A_374 = arith.muli %parallel_loop3A_63, %parallel_loop3A_373 : i32
        %parallel_loop3A_375 = arith.constant 256 : i32
        %parallel_loop3A_376 = arith.addi %parallel_loop3A_375, %parallel_loop3A_374 : i32
        %parallel_loop3A_377 = arith.constant 24 : i32
        %parallel_loop3A_378 = arith.index_cast %parallel_loop3A_377 : i32 to index
        %parallel_loop3A_379 = arith.index_cast %parallel_loop3A_376 : i32 to index
        %parallel_loop3A_380 = tpu.vector_load %arg10[%parallel_loop3A_378, %parallel_loop3A_379] {strides = array<i32>} : memref<32x512xf32, #tpu.memory_space<vmem>>, vector<16xf32>,
        tpu.vector_store %arg10[%parallel_loop3A_378, %parallel_loop3A_379], %parallel_loop3A_372 {strides = array<i32>} : memref<32x512xf32, #tpu.memory_space<vmem>>, vector<16xf32>,
        %parallel_loop3A_381 = arith.constant 25 : i32
        %parallel_loop3A_382 = vector.broadcast %parallel_loop3A_381 : i32 to vector<16xi32>
        %parallel_loop3A_383 = arith.addi %parallel_loop3A_76, %parallel_loop3A_382 : vector<16xi32>
        %parallel_loop3A_384 = tpu.vector_load_idx %arg9[%parallel_loop3A_80, %parallel_loop3A_383] : memref<256x128xf32, #tpu.memory_space<vmem>>[vector<16xi32>, vector<16xi32>], vector<16xf32>,
        %parallel_loop3A_385 = arith.constant 16 : i32
        %parallel_loop3A_386 = arith.muli %parallel_loop3A_63, %parallel_loop3A_385 : i32
        %parallel_loop3A_387 = arith.constant 256 : i32
        %parallel_loop3A_388 = arith.addi %parallel_loop3A_387, %parallel_loop3A_386 : i32
        %parallel_loop3A_389 = arith.constant 25 : i32
        %parallel_loop3A_390 = arith.index_cast %parallel_loop3A_389 : i32 to index
        %parallel_loop3A_391 = arith.index_cast %parallel_loop3A_388 : i32 to index
        %parallel_loop3A_392 = tpu.vector_load %arg10[%parallel_loop3A_390, %parallel_loop3A_391] {strides = array<i32>} : memref<32x512xf32, #tpu.memory_space<vmem>>, vector<16xf32>,
        tpu.vector_store %arg10[%parallel_loop3A_390, %parallel_loop3A_391], %parallel_loop3A_384 {strides = array<i32>} : memref<32x512xf32, #tpu.memory_space<vmem>>, vector<16xf32>,
        %parallel_loop3A_393 = arith.constant 26 : i32
        %parallel_loop3A_394 = vector.broadcast %parallel_loop3A_393 : i32 to vector<16xi32>
        %parallel_loop3A_395 = arith.addi %parallel_loop3A_76, %parallel_loop3A_394 : vector<16xi32>
        %parallel_loop3A_396 = tpu.vector_load_idx %arg9[%parallel_loop3A_80, %parallel_loop3A_395] : memref<256x128xf32, #tpu.memory_space<vmem>>[vector<16xi32>, vector<16xi32>], vector<16xf32>,
        %parallel_loop3A_397 = arith.constant 16 : i32
        %parallel_loop3A_398 = arith.muli %parallel_loop3A_63, %parallel_loop3A_397 : i32
        %parallel_loop3A_399 = arith.constant 256 : i32
        %parallel_loop3A_400 = arith.addi %parallel_loop3A_399, %parallel_loop3A_398 : i32
        %parallel_loop3A_401 = arith.constant 26 : i32
        %parallel_loop3A_402 = arith.index_cast %parallel_loop3A_401 : i32 to index
        %parallel_loop3A_403 = arith.index_cast %parallel_loop3A_400 : i32 to index
        %parallel_loop3A_404 = tpu.vector_load %arg10[%parallel_loop3A_402, %parallel_loop3A_403] {strides = array<i32>} : memref<32x512xf32, #tpu.memory_space<vmem>>, vector<16xf32>,
        tpu.vector_store %arg10[%parallel_loop3A_402, %parallel_loop3A_403], %parallel_loop3A_396 {strides = array<i32>} : memref<32x512xf32, #tpu.memory_space<vmem>>, vector<16xf32>,
        %parallel_loop3A_405 = arith.constant 27 : i32
        %parallel_loop3A_406 = vector.broadcast %parallel_loop3A_405 : i32 to vector<16xi32>
        %parallel_loop3A_407 = arith.addi %parallel_loop3A_76, %parallel_loop3A_406 : vector<16xi32>
        %parallel_loop3A_408 = tpu.vector_load_idx %arg9[%parallel_loop3A_80, %parallel_loop3A_407] : memref<256x128xf32, #tpu.memory_space<vmem>>[vector<16xi32>, vector<16xi32>], vector<16xf32>,
        %parallel_loop3A_409 = arith.constant 16 : i32
        %parallel_loop3A_410 = arith.muli %parallel_loop3A_63, %parallel_loop3A_409 : i32
        %parallel_loop3A_411 = arith.constant 256 : i32
        %parallel_loop3A_412 = arith.addi %parallel_loop3A_411, %parallel_loop3A_410 : i32
        %parallel_loop3A_413 = arith.constant 27 : i32
        %parallel_loop3A_414 = arith.index_cast %parallel_loop3A_413 : i32 to index
        %parallel_loop3A_415 = arith.index_cast %parallel_loop3A_412 : i32 to index
        %parallel_loop3A_416 = tpu.vector_load %arg10[%parallel_loop3A_414, %parallel_loop3A_415] {strides = array<i32>} : memref<32x512xf32, #tpu.memory_space<vmem>>, vector<16xf32>,
        tpu.vector_store %arg10[%parallel_loop3A_414, %parallel_loop3A_415], %parallel_loop3A_408 {strides = array<i32>} : memref<32x512xf32, #tpu.memory_space<vmem>>, vector<16xf32>,
        %parallel_loop3A_417 = arith.constant 28 : i32
        %parallel_loop3A_418 = vector.broadcast %parallel_loop3A_417 : i32 to vector<16xi32>
        %parallel_loop3A_419 = arith.addi %parallel_loop3A_76, %parallel_loop3A_418 : vector<16xi32>
        %parallel_loop3A_420 = tpu.vector_load_idx %arg9[%parallel_loop3A_80, %parallel_loop3A_419] : memref<256x128xf32, #tpu.memory_space<vmem>>[vector<16xi32>, vector<16xi32>], vector<16xf32>,
        %parallel_loop3A_421 = arith.constant 16 : i32
        %parallel_loop3A_422 = arith.muli %parallel_loop3A_63, %parallel_loop3A_421 : i32
        %parallel_loop3A_423 = arith.constant 256 : i32
        %parallel_loop3A_424 = arith.addi %parallel_loop3A_423, %parallel_loop3A_422 : i32
        %parallel_loop3A_425 = arith.constant 28 : i32
        %parallel_loop3A_426 = arith.index_cast %parallel_loop3A_425 : i32 to index
        %parallel_loop3A_427 = arith.index_cast %parallel_loop3A_424 : i32 to index
        %parallel_loop3A_428 = tpu.vector_load %arg10[%parallel_loop3A_426, %parallel_loop3A_427] {strides = array<i32>} : memref<32x512xf32, #tpu.memory_space<vmem>>, vector<16xf32>,
        tpu.vector_store %arg10[%parallel_loop3A_426, %parallel_loop3A_427], %parallel_loop3A_420 {strides = array<i32>} : memref<32x512xf32, #tpu.memory_space<vmem>>, vector<16xf32>,
        %parallel_loop3A_429 = arith.constant 29 : i32
        %parallel_loop3A_430 = vector.broadcast %parallel_loop3A_429 : i32 to vector<16xi32>
        %parallel_loop3A_431 = arith.addi %parallel_loop3A_76, %parallel_loop3A_430 : vector<16xi32>
        %parallel_loop3A_432 = tpu.vector_load_idx %arg9[%parallel_loop3A_80, %parallel_loop3A_431] : memref<256x128xf32, #tpu.memory_space<vmem>>[vector<16xi32>, vector<16xi32>], vector<16xf32>,
        %parallel_loop3A_433 = arith.constant 16 : i32
        %parallel_loop3A_434 = arith.muli %parallel_loop3A_63, %parallel_loop3A_433 : i32
        %parallel_loop3A_435 = arith.constant 256 : i32
        %parallel_loop3A_436 = arith.addi %parallel_loop3A_435, %parallel_loop3A_434 : i32
        %parallel_loop3A_437 = arith.constant 29 : i32
        %parallel_loop3A_438 = arith.index_cast %parallel_loop3A_437 : i32 to index
        %parallel_loop3A_439 = arith.index_cast %parallel_loop3A_436 : i32 to index
        %parallel_loop3A_440 = tpu.vector_load %arg10[%parallel_loop3A_438, %parallel_loop3A_439] {strides = array<i32>} : memref<32x512xf32, #tpu.memory_space<vmem>>, vector<16xf32>,
        tpu.vector_store %arg10[%parallel_loop3A_438, %parallel_loop3A_439], %parallel_loop3A_432 {strides = array<i32>} : memref<32x512xf32, #tpu.memory_space<vmem>>, vector<16xf32>,
        %parallel_loop3A_441 = arith.constant 30 : i32
        %parallel_loop3A_442 = vector.broadcast %parallel_loop3A_441 : i32 to vector<16xi32>
        %parallel_loop3A_443 = arith.addi %parallel_loop3A_76, %parallel_loop3A_442 : vector<16xi32>
        %parallel_loop3A_444 = tpu.vector_load_idx %arg9[%parallel_loop3A_80, %parallel_loop3A_443] : memref<256x128xf32, #tpu.memory_space<vmem>>[vector<16xi32>, vector<16xi32>], vector<16xf32>,
        %parallel_loop3A_445 = arith.constant 16 : i32
        %parallel_loop3A_446 = arith.muli %parallel_loop3A_63, %parallel_loop3A_445 : i32
        %parallel_loop3A_447 = arith.constant 256 : i32
        %parallel_loop3A_448 = arith.addi %parallel_loop3A_447, %parallel_loop3A_446 : i32
        %parallel_loop3A_449 = arith.constant 30 : i32
        %parallel_loop3A_450 = arith.index_cast %parallel_loop3A_449 : i32 to index
        %parallel_loop3A_451 = arith.index_cast %parallel_loop3A_448 : i32 to index
        %parallel_loop3A_452 = tpu.vector_load %arg10[%parallel_loop3A_450, %parallel_loop3A_451] {strides = array<i32>} : memref<32x512xf32, #tpu.memory_space<vmem>>, vector<16xf32>,
        tpu.vector_store %arg10[%parallel_loop3A_450, %parallel_loop3A_451], %parallel_loop3A_444 {strides = array<i32>} : memref<32x512xf32, #tpu.memory_space<vmem>>, vector<16xf32>,
        %parallel_loop3A_453 = arith.constant 31 : i32
        %parallel_loop3A_454 = vector.broadcast %parallel_loop3A_453 : i32 to vector<16xi32>
        %parallel_loop3A_455 = arith.addi %parallel_loop3A_76, %parallel_loop3A_454 : vector<16xi32>
        %parallel_loop3A_456 = tpu.vector_load_idx %arg9[%parallel_loop3A_80, %parallel_loop3A_455] : memref<256x128xf32, #tpu.memory_space<vmem>>[vector<16xi32>, vector<16xi32>], vector<16xf32>,
        %parallel_loop3A_457 = arith.constant 16 : i32
        %parallel_loop3A_458 = arith.muli %parallel_loop3A_63, %parallel_loop3A_457 : i32
        %parallel_loop3A_459 = arith.constant 256 : i32
        %parallel_loop3A_460 = arith.addi %parallel_loop3A_459, %parallel_loop3A_458 : i32
        %parallel_loop3A_461 = arith.constant 31 : i32
        %parallel_loop3A_462 = arith.index_cast %parallel_loop3A_461 : i32 to index
        %parallel_loop3A_463 = arith.index_cast %parallel_loop3A_460 : i32 to index
        %parallel_loop3A_464 = tpu.vector_load %arg10[%parallel_loop3A_462, %parallel_loop3A_463] {strides = array<i32>} : memref<32x512xf32, #tpu.memory_space<vmem>>, vector<16xf32>,
        tpu.vector_store %arg10[%parallel_loop3A_462, %parallel_loop3A_463], %parallel_loop3A_456 {strides = array<i32>} : memref<32x512xf32, #tpu.memory_space<vmem>>, vector<16xf32>,
      } {sc.loop_unroll_factor = 2 : i64, sc.parallel_access}
      %add3A_50 = arith.constant 1 : i32
      %add3A_51 = arith.addi %scan3A_23, %add3A_50 : i32
      %lt3A_52 = arith.constant 50 : i32
      %lt3A_53 = arith.cmpi slt, %add3A_51, %lt3A_52 : i32
      %convert_element_type3A_54 = arith.extui %lt3A_53 : i1 to i32
      %cond3A_55 = arith.constant 0 : i32
      %cond3A_56 = arith.cmpi ne, %convert_element_type3A_54, %cond3A_55 : i32
      scf.if %cond3A_56 {
        %add3A_63 = arith.constant 1 : i32
        %add3A_64 = arith.addi %scan3A_23, %add3A_63 : i32
        %parallel_loop3A_65 = arith.constant 0 : i32
        %parallel_loop3A_66 = arith.constant 16 : i32
        %parallel_loop3A_67 = arith.constant 1 : i32
        scf.for %parallel_loop3A_71 = %parallel_loop3A_65 to %parallel_loop3A_66 step %parallel_loop3A_67  : i32 {
          %parallel_loop3A_72 = arith.constant 16 : i32
          %parallel_loop3A_73 = arith.muli %parallel_loop3A_71, %parallel_loop3A_72 : i32
          %parallel_loop3A_74 = arith.constant 256 : i32
          %parallel_loop3A_75 = arith.addi %parallel_loop3A_74, %parallel_loop3A_73 : i32
          %parallel_loop3A_76 = arith.index_cast %add3A_64 : i32 to index
          %parallel_loop3A_77 = arith.index_cast %parallel_loop3A_75 : i32 to index
          %parallel_loop3A_78 = tpu.vector_load %arg5[%parallel_loop3A_76, %parallel_loop3A_77] {strides = array<i32>} : memref<50x512xi32, #tpu.memory_space<vmem>>, vector<16xi32>,
          %parallel_loop3A_79 = arith.constant 2 : i32
          %parallel_loop3A_80 = vector.broadcast %parallel_loop3A_79 : i32 to vector<16xi32>
          %parallel_loop3A_81 = arith.shrui %parallel_loop3A_78, %parallel_loop3A_80 : vector<16xi32>
          %parallel_loop3A_82 = arith.constant 16 : i32
          %parallel_loop3A_83 = arith.muli %parallel_loop3A_71, %parallel_loop3A_82 : i32
          %parallel_loop3A_84 = arith.index_cast %parallel_loop3A_83 : i32 to index
          %parallel_loop3A_85 = tpu.vector_load %arg7[%parallel_loop3A_84] {strides = array<i32>} : memref<256xi32, #tpu.memory_space<vmem>>, vector<16xi32>,
          tpu.vector_store %arg7[%parallel_loop3A_84], %parallel_loop3A_81 {strides = array<i32>} : memref<256xi32, #tpu.memory_space<vmem>>, vector<16xi32>,
        } {sc.loop_unroll_factor = 4 : i64, sc.parallel_access}
        %dma_start3A_68 = arith.constant 0 : i32
        %dma_start3A_69 = arith.constant 0 : i32
        %dma_start3A_70 = tpu.memref_slice %arg2[%dma_start3A_68, %dma_start3A_69] : memref<250000x128xf32, #tpu.memory_space<hbm>> -> memref<250000x128xf32, #tpu.memory_space<hbm>>
        tpu.enqueue_indirect_dma source(%dma_start3A_70 : memref<250000x128xf32, #tpu.memory_space<hbm>>) target(%arg9 : memref<256x128xf32, #tpu.memory_space<vmem>>) offsets(%arg7 : memref<256xi32, #tpu.memory_space<vmem>>) semaphore(%arg12 : memref<!tpu.dma_semaphore, #tpu.memory_space<semaphore_mem>>)
      } else {
      }
      %dma_start3A_57 = arith.constant 0 : i32
      %dma_start3A_58 = tpu.memref_slice %arg4[%scan3A_23, %dma_start3A_57, %mul3A_2] : memref<50x32x16384xf32, #tpu.memory_space<hbm>> -> memref<1x32x512xf32, #tpu.memory_space<hbm>>
      %dma_start3A_59 = tpu.memref_squeeze %dma_start3A_58 : memref<1x32x512xf32, #tpu.memory_space<hbm>> -> memref<32x512xf32, #tpu.memory_space<hbm>>
      %dma_start3A_60 = arith.constant 0 : i32
      %dma_start3A_61 = tpu.memref_slice %arg4[%scan3A_23, %dma_start3A_60, %mul3A_2] : memref<50x32x16384xf32, #tpu.memory_space<hbm>> -> memref<1x32x512xf32, #tpu.memory_space<hbm>>
      %dma_start3A_62 = tpu.memref_squeeze %dma_start3A_61 : memref<1x32x512xf32, #tpu.memory_space<hbm>> -> memref<32x512xf32, #tpu.memory_space<hbm>>
      tpu.enqueue_dma source(%arg10 : memref<32x512xf32, #tpu.memory_space<vmem>>) target(%dma_start3A_62 : memref<32x512xf32, #tpu.memory_space<hbm>>) target_semaphore(%arg13 : memref<!tpu.dma_semaphore, #tpu.memory_space<semaphore_mem>>)
    }
    %scan3A_16 = arith.constant 50 : i32
    %dma_wait3A = arith.constant 0 : i32
    %dma_wait3A_17 = arith.constant 0 : i32
    %dma_wait3A_18 = tpu.memref_slice %arg4[%dma_wait3A, %dma_wait3A_17, %mul3A_2] : memref<50x32x16384xf32, #tpu.memory_space<hbm>> -> memref<1x32x512xf32, #tpu.memory_space<hbm>>
    %dma_wait3A_19 = tpu.memref_squeeze %dma_wait3A_18 : memref<1x32x512xf32, #tpu.memory_space<hbm>> -> memref<32x512xf32, #tpu.memory_space<hbm>>
    %dma_wait3A_20 = arith.constant 0 : i32
    %dma_wait3A_21 = tpu.memref_slice %arg4[%dma_wait3A, %dma_wait3A_20, %mul3A_2] : memref<50x32x16384xf32, #tpu.memory_space<hbm>> -> memref<1x32x512xf32, #tpu.memory_space<hbm>>
    %dma_wait3A_22 = tpu.memref_squeeze %dma_wait3A_21 : memref<1x32x512xf32, #tpu.memory_space<hbm>> -> memref<32x512xf32, #tpu.memory_space<hbm>>
    tpu.wait_dma2 semaphore(%arg13 : memref<!tpu.dma_semaphore, #tpu.memory_space<semaphore_mem>>) src(%arg10 : memref<32x512xf32, #tpu.memory_space<vmem>>) dst(%dma_wait3A_22 : memref<32x512xf32, #tpu.memory_space<hbm>>)
    return
  }
}

</mosaic_0001>

<sc_bundles>
// kernel: kernel.3.cloned.1.call-start
scs
__scs_entry_jumppad:
0x0: {  	(pc) =	sbr.rel $0x88, $3  }
0x1: {  	(tag) =	ssettag $0x0;
	lr =	simm.s32 $0x1  }
0x2: {  	[smem:$0x3F9F] =	sst lr;
	_ =	strace $0xD0000000  }
0x3: {  	_ = 	snop  }
0x4: {  	_ = 	snop  }
0x5: {  	_ = 	snop  }
0x6: {  	_ = 	snop  }
0x7: {  	_ = 	snop  }
__scs_overlays_trampoline_lowered:
0x8: {  	[smem:$0x3FAE] =	sst s0  }
0x9: {  	[smem:$0x3FAF] =	sst s1  }
0xa: {  	[smem:$0x3FB0] =	sst s2  }
0xb: {  	[smem:$0x3FB1] =	sst s3  }
0xc: {  	[smem:$0x3FB2] =	sst s4  }
0xd: {  	[smem:$0x3FB3] =	sst s5  }
0xe: {  	[smem:$0x3FB4] =	sst s6  }
0xf: {  	[smem:$0x3FB5] =	sst s7  }
0x10: {  	[smem:$0x3FB6] =	sst s8  }
0x11: {  	[smem:$0x3FB7] =	sst s9;
	s0 =	simm.s32 @!p0 $0x0  }
0x12: {  	s1 =	sld [smem:$0x3F9D];
	s0 =	simm.s32 @p0 $0x1  }
0x13: {  	[smem:$0x3FB8] =	sst s0;
	s0 =	simm.s32 @!p1 $0x0  }
0x14: {  	s2 =	sld [smem:$0x3F9C];
	s0 =	simm.s32 @p1 $0x1  }
0x15: {  	[smem:$0x3FB9] =	sst s0;
	s0 =	simm.s32 @!p2 $0x0  }
0x16: {  	s3 =	sld [smem:$0x3FDB];
	s0 =	simm.s32 @p2 $0x1  }
0x17: {  	s4 =	simm.s32 $0x1BF5;
	[smem:$0x3FBB] =	sst s0  }
0x18: {  	s0 =	sld [smem:$0x3F9E];
	_ =	swait.ge [sflag:s4], $0x0  }
0x19: {  	s7 =	sld [smem:$0x3F9F]  }
0x1a: {  	s8 =	sadd.s32 $0xFFFFE003, lr  }
0x1b: {  	s9 =	sadd.s32 $0xFFFFFEF7, lr;
	s5 =	simm.s32 $0xFFFFFFFF;
	p2 =	slt.u32 s8, $0xFFFFF086  }
0x1c: {  	p1 =	slt.u32 s9, $0xF7A;
	s5 =	simm.s32 @!p2 $0x0  }
0x1d: {  	s5 =	simm.s32 @p1 $0x1;
	p0 =	seq.s32 s7, s2  }
0x1e: {  	s7 =	smul.u32 @!p0 $0xF7A, s2;
	p2 =	seq.s32 @!p0 s5, $0x0  }
0x1f: {  	s9 =	smul.u32 $0xF7A, s1;
	s8 =	simm.s32 @!p0 $0x1BF5;
	p2 =	por !p2, p0  }
0x20: {  	[sflag:s8] =	ssyncset.s32 @!p0 $0xFFFFF086;
	s6 =	sadd.s32 @!p0 s3, s7;
	s7 =	simm.s32 @!p0 $0x108  }
0x21: {  	s3 =	sadd.s32 s3, s9;
	s6 =	sadd.s32 @!p0 $0x88, s6;
	s7 =	simm.s32 @p2 $0x1082  }
0x22: {  	[simem:s7], [sflag:s8] =	dma.local @!p0 [hbm:s6], $0xF7A  }
0x23: {  	s9 =	sor.u32 $0xD0000000, s2;
	s6 =	simm.s32 $0x108;
	_ =	swait.ge @!p0 [sflag:s8], $0x0  }
0x24: {  	s3 =	sadd.s32 $0x88, s3;
	s6 =	simm.s32 @!p1 $0x1082;
	[sflag:s4] =	ssyncset.s32 $0xFFFFF086  }
0x25: {  	[simem:s6], [sflag:s4] =	dma.local [hbm:s3], $0xF7A  }
0x26: {  	[smem:$0x3F9F] =	sst s1;
	(tag) =	ssettag s2;
	_ =	strace s9  }
0x27: {  	s1 =	sld [smem:$0x3FAF]  }
0x28: {  	s2 =	sld [smem:$0x3FB0]  }
0x29: {  	s4 =	sld [smem:$0x3FB2]  }
0x2a: {  	p0 =	seq.s32 s5, $0x0;
	s5 =	sld [smem:$0x3FB3]  }
0x2b: {  	s6 =	sld [smem:$0x3FB4]  }
0x2c: {  	s7 =	sld [smem:$0x3FB5]  }
0x2d: {  	s3 =	simm.s32 $0x108;
	s8 =	sld [smem:$0x3FB6]  }
0x2e: {  	s3 =	simm.s32 @!p0 $0x1082;
	s9 =	sld [smem:$0x3FB7]  }
0x2f: {  	lr =	sadd.s32 s0, s3;
	s0 =	sld [smem:$0x3FAE]  }
0x30: {  	s3 =	sld [smem:$0x3FB1]  }
0x31: {  	[smem:$0x3FBA] =	sst s10  }
0x32: {  	s10 =	sld [smem:$0x3FB8];
	_ =	sdelay $0x3  }
0x33: {  	p0 =	seq.s32 s10, $0x1;
	s10 =	sld [smem:$0x3FBA];
	_ =	sdelay $0x3  }
0x34: {  	[smem:$0x3FBA] =	sst s10  }
0x35: {  	s10 =	sld [smem:$0x3FB9];
	_ =	sdelay $0x3  }
0x36: {  	p1 =	seq.s32 s10, $0x1;
	s10 =	sld [smem:$0x3FBA];
	_ =	sdelay $0x3  }
0x37: {  	[smem:$0x3FBA] =	sst s10  }
0x38: {  	s10 =	sld [smem:$0x3FBB]  }
0x39: {  	_ = 	snop;
	(pc) =	sbr.ind lr, $3  }
0x3a: {  	_ = 	snop  }
0x3b: {  	_ = 	snop  }
0x3c: {  	p2 =	seq.s32 s10, $0x1;
	s10 =	sld [smem:$0x3FBA]  }
0x3d: {  	_ =	shalt  }
0x3e: {  	_ =	shalt  }
0x3f: {  	_ =	shalt  }
0x40: {  	_ =	shalt  }
0x41: {  	_ =	shalt  }
0x42: {  	_ =	shalt  }
0x43: {  	_ =	shalt  }
0x44: {  	_ =	shalt  }
0x45: {  	_ =	shalt  }
0x46: {  	_ =	shalt  }
0x47: {  	_ =	shalt  }
0x48: {  	_ =	shalt  }
0x49: {  	_ =	shalt  }
0x4a: {  	_ =	shalt  }
0x4b: {  	_ =	shalt  }
0x4c: {  	_ =	shalt  }
0x4d: {  	_ =	shalt  }
0x4e: {  	_ =	shalt  }
0x4f: {  	_ =	shalt  }
0x50: {  	_ =	shalt  }
0x51: {  	_ =	shalt  }
0x52: {  	_ =	shalt  }
0x53: {  	_ =	shalt  }
0x54: {  	_ =	shalt  }
0x55: {  	_ =	shalt  }
0x56: {  	_ =	shalt  }
0x57: {  	_ =	shalt  }
0x58: {  	_ =	shalt  }
0x59: {  	_ =	shalt  }
0x5a: {  	_ =	shalt  }
0x5b: {  	_ =	shalt  }
0x5c: {  	_ =	shalt  }
0x5d: {  	_ =	shalt  }
0x5e: {  	_ =	shalt  }
0x5f: {  	_ =	shalt  }
0x60: {  	_ =	shalt  }
0x61: {  	_ =	shalt  }
0x62: {  	_ =	shalt  }
0x63: {  	_ =	shalt  }
0x64: {  	_ =	shalt  }
0x65: {  	_ =	shalt  }
0x66: {  	_ =	shalt  }
0x67: {  	_ =	shalt  }
0x68: {  	_ =	shalt  }
0x69: {  	_ =	shalt  }
0x6a: {  	_ =	shalt  }
0x6b: {  	_ =	shalt  }
0x6c: {  	_ =	shalt  }
0x6d: {  	_ =	shalt  }
0x6e: {  	_ =	shalt  }
0x6f: {  	_ =	shalt  }
0x70: {  	_ =	shalt  }
0x71: {  	_ =	shalt  }
0x72: {  	_ =	shalt  }
0x73: {  	_ =	shalt  }
0x74: {  	_ =	shalt  }
0x75: {  	_ =	shalt  }
0x76: {  	_ =	shalt  }
0x77: {  	_ =	shalt  }
0x78: {  	_ =	shalt  }
0x79: {  	_ =	shalt  }
0x7a: {  	_ =	shalt  }
0x7b: {  	_ =	shalt  }
0x7c: {  	_ =	shalt  }
0x7d: {  	_ =	shalt  }
0x7e: {  	_ =	shalt  }
0x7f: {  	_ =	shalt  }
0x80: {  	_ =	shalt  }
0x81: {  	_ =	shalt  }
0x82: {  	_ =	shalt  }
0x83: {  	_ =	shalt  }
0x84: {  	_ =	shalt  }
0x85: {  	_ =	shalt  }
0x86: {  	_ =	shalt  }
0x87: {  	_ =	shalt  }
.Lfunc_end0:
.L_simem_size_0:
called_computation_lowered:
.L_overlay_start_0:
0x88: {  	s2 =	sld [smem:$0x3FD9]  }
0x89: {  	s3 =	sld [smem:$0x3FFE];
	_ =	sdelay $0x1  }
0x8a: {  	s1 =	srdreg.scid  }
0x8b: {  	s0 =	sand.u32 $0x1, s1  }
0x8c: {  	s17 =	sshll.u32 s0, $0xA;
	s2 =	sadd.s32 s3, s2  }
0x8d: {  	s2 =	sadd.s32 s2, s17  }
0x8e: {  	[smem:$0x3FC6] =	sst s2  }
0x8f: {  	_ = 	snop  }
0x90: {  	s2 =	sld [smem:$0x3FC9]  }
0x91: {  	s18 =	sld [smem:$0x3FD0];
	(tm) =	ssettm $0x1  }
0x92: {  	s4 =	sld [smem:$0x3FFB];
	_ =	sdelay $0x3  }
0x93: {  	_ =	strace s4  }
0x94: {  	s4 =	sld [smem:$0x3FFC];
	_ =	sdelay $0x3  }
0x95: {  	_ =	strace s4  }
0x96: {  	s4 =	sld [smem:$0x3FFD];
	_ =	sdelay $0x3  }
0x97: {  	_ =	strace s4  }
0x98: {  	_ =	strace $0x8FFFFFFF  }
0x99: {  	s19 =	sld [smem:$0x3FDB];
	_ =	sdelay $0x1  }
0x9a: {  	s5 =	simm.s32 $_scs_section_size  }
0x9b: {  	s6 =	simm.s32 $_size__tile_overlayer_lowered;
	s7 =	simm.s32 $_tile_overlayer_lowered  }
0x9c: {  	s22 =	simm.s32 $0x1BFF;
	s21 =	sshll.u32 s7, $0x1;
	s4 =	sadd.s32 s5, s19  }
0x9d: {  	s8 =	simm.s32 $0x0;
	s20 =	sshll.u32 s6, $0x1;
	s6 =	sadd.s32 s21, s4  }
0x9e: {  	[timem:s8], [sflag:s22] =	dma.local [hbm:s6], s20  }
0x9f: {  	_ =	swait.ge [sflag:s22], s20  }
0xa0: {  	s5 =	ssub.s32 $0x0, s20;
	[sflag:s22] =	ssyncset.done $0x0  }
0xa1: {  	[sflag:s22] =	ssyncadd.s32 s5;
	_ =	sdelay $0x1  }
0xa2: {  	s23 =	simm.s32 $0x1B8B  }
0xa3: {  	_ =	swait.ge [sflag:s23], $0x1  }
0xa4: {  	[sflag:s23] =	ssyncset.done $0x0  }
0xa5: {  	s25 =	simm.s32 $0x1B8E;
	s24 =	sld [smem:$0x3FFE];
	[sflag:s23] =	ssyncadd.s32 $0xFFFFFFFF  }
0xa6: {  	s26 =	simm.s32 $execute0_lowered;
	[smem:$0x3FD2] =	sst s25  }
0xa7: {  	s6 =	sshll.u32 s26, $0x1;
	_ =	strace $0x80000046;
	[dreg:$0x1] =	wrdreg $0xFFFFFFFF  }
0xa8: {  	s28 =	simm.s32 $_size_execute0_lowered;
	s4 =	sadd.s32 s4, s6;
	[dreg:$0x0] =	wrdreg $0x0  }
0xa9: {  	s6 =	sshll.u32 s28, $0x1;
	[dreg:$0x2] =	wrdreg s4  }
0xaa: {  	[dreg:$0x3] =	wrdreg s6  }
0xab: {  	[dreg:$0x4] =	wrdreg $0xC0  }
0xac: {  	_ =	task [dreg:s8], $0x5FFFF  }
0xad: {  	[dreg:$0x1] =	wrdreg $0xFFFFFFFF  }
0xae: {  	[dreg:$0x0] =	wrdreg $0x60  }
0xaf: {  	[dreg:$0x2] =	wrdreg s24  }
0xb0: {  	[dreg:$0x3] =	wrdreg s2  }
0xb1: {  	[dreg:$0x4] =	wrdreg s18  }
0xb2: {  	[dreg:$0x5] =	wrdreg $0x9  }
0xb3: {  	_ =	task.clear_ibuf [dreg:s8], $0x6FFFF;
	_ =	strace $0x90000046  }
0xb4: {  	s29 =	simm.s32 $0x9;
	_ =	strace $0x80000048  }
0xb5: {  	_ =	swait.ge [sflag:s29], $0x1  }
0xb6: {  	[sflag:s29] =	ssyncadd.s32 $0xFFFFFFFF  }
0xb7: {  	_ =	strace $0x90000048  }
0xb8: {  	_ =	sfence  }
0xb9: {  	s30 =	sld [smem:$0x0];
	_ =	sdelay $0x2  }
0xba: {  	s31 =	sshll.u32 s1, $0xD;
	s1 =	sshrl.u32 s1, $0x2  }
0xbb: {  	s3 =	sand.u32 $0x4000, s31;
	s1 =	sadd.s32 s1, s30  }
0xbc: {  	s0 =	sor.u32 s3, s0;
	s1 =	sshll.u32 s1, $0x11  }
0xbd: {  	s0 =	sor.u32 s1, s0  }
0xbe: {  	s0 =	sadd.s32 $0x8F2B, s0  }
0xbf: {  	[sflag:s0] =	ssyncadd.remote.s32 $0x1  }
0xc0: {  	_ =	sfence.sel $0xFFFF  }
0xc1: {  	[dreg:$0x0] =	wrdreg $0xFFFFFFFF;
	(pc) =	sbr.abs _section_cstart, $3  }
0xc2: {  	[dreg:$0x1] =	wrdreg $0xFFFFFFFF  }
0xc3: {  	_ =	task.clear_ibuf [dreg:s8], $0x2FFFF;
	_ =	strace $0x9FFFFFFF  }
0xc4: {  	(tm) =	ssettm $0x7FFFFFFF  }
0xc5: {  	_ =	shalt  }
tec
execute0_lowered:
.L_overlay_start_1:
0x0: {  	(tag) =	ssettag $0x1  }
0x1: {  	s0 =	rddreg [dreg:$0x0]  }
0x2: {  	s1 =	rddreg [dreg:$0x1]  }
0x3: {  	s3 =	simm.s32 $0x0;
	s2 =	srdreg.scid;
	s4 =	stileid.u32  }
0x4: {  	[smem:$0x7FF] =	sst s3;
	s2 =	sand.u32 $0x1, s2;
	s4 =	sshll.u32 s4, $0xD  }
0x5: {  	s0 =	sadd.s32 $0xF42800, s0;
	s30 =	ssub.s32 $0x2, s2;
	s2 =	sshll.u32 s2, $0xC  }
.Ltmp0:
0x6: {  	_ =	strace $0x80000047;
	s2 =	sor.u32 s2, s4;
	(pc) =	sbr.rel .LBB2_1-.Ltmp0, $4  }
0x7: {  	v0 =	vlaneseq.u32;
	s5 =	sshrl.u32 s30, $0x1;
	[dreg:$0x7] =	wrdreg s2;
	s2 =	sshrl.u32 s2, $0x3  }
0x8: {  	v62 =	vmul.u32 $0x80, v0;
	[dreg:$0x8] =	wrdreg s0;
	s31 =	ssub.s32 s30, s5;
	s1 =	sadd.s32 s1, s2  }
0x9: {  	s13 =	simm.s32 $0x7200;
	s0 =	smax.u32 s31, $0x1;
	[dreg:$0x9] =	wrdreg s1  }
0xa: {  	s15 =	simm.s32 $0xF200;
	[tilespmem:$0x1FFF0] =	vst v62;
	s2 =	simm.s32 $0x0;
	[dreg:$0xa] =	wrdreg s0  }
.LBB2_19:
0xb: {  	s1 =	simm.s32 $0x3  }
0xc: {  	_ =	swait.ge [sflag:s1], $0x4000  }
0xd: {  	s2 =	rddreg [dreg:$0xb]  }
0xe: {  	s0 =	rddreg [dreg:$0xa];
	s2 =	sadd.s32 $0x1, s2  }
0xf: {  	p0 =	sne.s32 s2, s0  }
.Ltmp1:
0x10: {  	_ = 	snop;
	(pc) =	sbr.rel @!p0 .LBB2_20-.Ltmp1, $3  }
0x11: {  	_ =	sdelay $0x1  }
0x12: {  	[sflag:s1] =	ssyncset.done $0x0  }
0x13: {  	[sflag:s1] =	ssyncadd.s32 $0xFFFFC000  }
.LBB2_1:
0x14: {  	[dreg:$0xb] =	wrdreg s2  }
0x15: {  	s8 =	simm.s32 $0x0;
	s0 =	rddreg [dreg:$0x9]  }
0x16: {  	s1 =	simm.s32 $0x1000;
	s28 =	simm.s32 $0x20000;
	s29 =	simm.s32 $0x4  }
0x17: {  	[tilespmem:s8], [sflag:$0x4] =	stream.strided.gather [hbm4b:s0+s1], $0x7000, s28, s1, $0x38;
	[tilespmem:$0x1B200] =	vst v63  }
0x18: {  	s31 =	simm.s32 $0x0;
	s30 =	sand.u32 $0x40, s8;
	_ =	swait.ge [sflag:s29], $0x7000  }
0x19: {  	s3 =	sand.u32 $0x400, s31;
	s1 =	sor.u32 $0x30, s30;
	[sflag:s29] =	ssyncset.done $0x0  }
0x1a: {  	s4 =	sor.u32 s1, s3;
	[sflag:s29] =	ssyncadd.s32 $0xFFFF9000  }
0x1b: {  	s10 =	sand.u32 $0x80, s8;
	s2 =	sor.u32 $0x10, s30;
	s0 =	sor.u32 s30, s3;
	v3 =	vld [tilespmem:s4+$0x0]  }
0x1c: {  	s8 =	simm.s32 $0x0;
	s6 =	sor.u32 $0x20, s30;
	s5 =	sor.u32 s2, s3;
	v2 =	vld [tilespmem:s0+$0x0]  }
0x1d: {  	s7 =	sor.u32 s6, s3;
	s3 =	simm.s32 $0x130;
	s4 =	simm.s32 $0x0;
	v1 =	vld [tilespmem:s5+$0x0]  }
0x1e: {  	s0 =	simm.s32 $0x7120;
	v0 =	vld [tilespmem:s7+$0x0];
	s7 =	simm.s32 $0x40;
	s5 =	simm.s32 $0x7000  }
.LBB2_2:
0x1f: {  	s9 =	sand.u32 $0x40, s7;
	s10 =	sor.u32 $0x7000, s10  }
0x20: {  	s8 =	sadd.s32 $0x800, s8;
	s11 =	smov.u32 s6;
	s4 =	sadd.s32 $0x4, s4  }
0x21: {  	s6 =	sshrl.u32 s8, $0x2;
	v3 =	vshrl.u32 v3, $0x2;
	s12 =	sor.u32 s1, s10;
	s1 =	sor.u32 $0x30, s9  }
0x22: {  	p0 =	slt.u32 s4, $0xC;
	s14 =	sand.u32 $0x400, s6;
	v2 =	vshrl.u32 v2, $0x2;
	[tilespmem:s12+$0x0] =	vst v3;
	s12 =	sor.u32 $0x10, s9  }
.Ltmp2:
0x23: {  	s6 =	sor.u32 $0x20, s9;
	s16 =	sor.u32 s1, s14;
	[tilespmem:s5+$0x0] =	vst v2;
	v4 =	vshrl.u32 v1, $0x2;
	(pc) =	sbr.rel @p0 .LBB2_2-.Ltmp2, $4  }
0x24: {  	s9 =	sor.u32 s9, s14;
	s17 =	sor.u32 s12, s14;
	s14 =	sor.u32 s6, s14;
	v3 =	vld [tilespmem:s16+$0x0];
	v5 =	vshrl.u32 v0, $0x2  }
0x25: {  	s11 =	sor.u32 s11, s10;
	s16 =	sor.u32 s2, s10;
	s2 =	smov.u32 s12;
	v2 =	vld [tilespmem:s9+$0x0]  }
0x26: {  	s9 =	simm.s32 $0x0;
	v1 =	vld [tilespmem:s17+$0x0];
	[tilespmem:s16+$0x0] =	vst v4  }
0x27: {  	s5 =	sadd.s32 $0x40, s5;
	s10 =	sand.u32 $0x80, s7;
	s7 =	sadd.s32 $0x40, s7;
	v0 =	vld [tilespmem:s14+$0x0];
	[tilespmem:s11+$0x0] =	vst v5  }
0x28: {  	s4 =	sor.u32 $0x7000, s10  }
0x29: {  	v3 =	vshrl.u32 v3, $0x2;
	s1 =	sor.u32 s1, s4  }
0x2a: {  	s10 =	simm.s32 $0x980;
	v2 =	vshrl.u32 v2, $0x2;
	[tilespmem:s1+$0x0] =	vst v3  }
0x2b: {  	s3 =	sand.u32 $0x70, s3;
	s11 =	simm.s32 $0x110;
	s2 =	sor.u32 s2, s4;
	[tilespmem:s5+$0x0] =	vst v2;
	v1 =	vshrl.u32 v1, $0x2  }
0x2c: {  	s16 =	simm.s32 $0x0;
	s8 =	sor.u32 s6, s4;
	s4 =	sand.u32 $0xC00, s10;
	v0 =	vshrl.u32 v0, $0x2;
	[tilespmem:s2+$0x0] =	vst v1  }
0x2d: {  	s7 =	sand.u32 $0x400, s9;
	s14 =	sor.u32 s3, s4;
	s3 =	sand.u32 $0x40, s16;
	[tilespmem:s8+$0x0] =	vst v0  }
0x2e: {  	s12 =	simm.s32 $0x880;
	s17 =	simm.s32 $0x120;
	s3 =	sor.u32 s3, s7;
	v0 =	vld [tilespmem:s14+$0x0]  }
0x2f: {  	s18 =	simm.s32 $0x900;
	s19 =	sand.u32 $0x50, s11;
	s20 =	sand.u32 $0xC00, s12;
	v1 =	vld [tilespmem:s3+$0x800]  }
0x30: {  	s4 =	sand.u32 $0x60, s17;
	s1 =	sand.u32 $0xC00, s18;
	s2 =	sor.u32 s19, s20  }
0x31: {  	s22 =	simm.s32 $0x200;
	s23 =	simm.s32 $0x170;
	s21 =	sor.u32 s4, s1;
	v2 =	vld [tilespmem:s2+$0x0]  }
0x32: {  	s24 =	simm.s32 $0xB80;
	s25 =	simm.s32 $0x150;
	s26 =	simm.s32 $0xA80;
	v3 =	vld [tilespmem:s21+$0x0]  }
0x33: {  	s28 =	simm.s32 $0x40;
	s5 =	sand.u32 $0x70, s23;
	s2 =	sand.u32 $0xC00, s24;
	v0 =	vshrl.u32 v0, $0x2  }
0x34: {  	s29 =	simm.s32 $0x160;
	s6 =	sand.u32 $0xC00, s26;
	s2 =	sor.u32 s5, s2;
	[tilespmem:s0+$0x10] =	vst v0;
	v0 =	vshrl.u32 v1, $0x2  }
0x35: {  	s1 =	simm.s32 $0x4;
	s4 =	sand.u32 $0x400, s22;
	s7 =	sand.u32 $0x60, s29;
	[tilespmem:s0+$0xFFFFFFE0] =	vst v0;
	v0 =	vld [tilespmem:s2+$0x0]  }
0x36: {  	s8 =	simm.s32 $0xB00;
	s3 =	sand.u32 $0x50, s25;
	s5 =	sand.u32 $0x40, s28;
	v1 =	vshrl.u32 v2, $0x2  }
0x37: {  	s30 =	sand.u32 $0xC00, s8;
	s31 =	sor.u32 s5, s4;
	s5 =	sor.u32 s3, s6;
	v2 =	vshrl.u32 v3, $0x2;
	[tilespmem:s0+$0xFFFFFFF0] =	vst v1  }
0x38: {  	s4 =	sor.u32 s7, s30;
	s3 =	simm.s32 $0x1B0;
	v1 =	vld [tilespmem:s31+$0x800];
	s2 =	simm.s32 $0x400;
	[tilespmem:s0+$0x0] =	vst v2  }
.LBB2_4:
0x39: {  	s6 =	sadd.s32 $0x980, s2  }
0x3a: {  	s1 =	sadd.s32 $0x4, s1;
	v2 =	vld [tilespmem:s5+$0x0];
	v0 =	vshrl.u32 v0, $0x2;
	s0 =	sadd.s32 $0x40, s0;
	s5 =	sand.u32 $0x70, s3  }
0x3b: {  	s7 =	sadd.s32 $0x880, s2;
	s6 =	sand.u32 $0xC00, s6;
	p0 =	slt.u32 s1, $0xC;
	v3 =	vld [tilespmem:s4+$0x0];
	[tilespmem:s0+$0x10] =	vst v0  }
0x3c: {  	s8 =	sadd.s32 $0xFFFFFFF0, s3;
	s4 =	sadd.s32 $0xFFFFFFE0, s3;
	s5 =	sor.u32 s5, s6  }
.Ltmp3:
0x3d: {  	s9 =	sadd.s32 $0x900, s2;
	s6 =	sadd.s32 $0xFFFFFED0, s3;
	v0 =	vld [tilespmem:s5+$0x0];
	(pc) =	sbr.rel @p0 .LBB2_4-.Ltmp3, $4  }
0x3e: {  	s4 =	sand.u32 $0x50, s4;
	s5 =	sand.u32 $0x40, s6;
	s6 =	sand.u32 $0xC00, s7;
	v1 =	vshrl.u32 v1, $0x2  }
0x3f: {  	s8 =	sand.u32 $0x60, s8;
	s9 =	sand.u32 $0xC00, s9;
	s7 =	sand.u32 $0x400, s2;
	[tilespmem:s0+$0xFFFFFFE0] =	vst v1;
	v1 =	vshrl.u32 v2, $0x2  }
0x40: {  	s7 =	sor.u32 s5, s7;
	s5 =	sor.u32 s4, s6;
	s4 =	sor.u32 s8, s9;
	[tilespmem:s0+$0xFFFFFFF0] =	vst v1;
	v2 =	vshrl.u32 v3, $0x2  }
0x41: {  	s3 =	sadd.s32 $0x40, s3;
	s2 =	sadd.s32 $0x200, s2;
	v1 =	vld [tilespmem:s7+$0x800];
	[tilespmem:s0+$0x0] =	vst v2  }
0x42: {  	v2 =	vld [tilespmem:s5+$0x0]  }
0x43: {  	v3 =	vld [tilespmem:s4+$0x0];
	_ =	sdelay $0x1  }
0x44: {  	v0 =	vshrl.u32 v0, $0x2;
	s0 =	sadd.s32 $0x40, s0  }
0x45: {  	[tilespmem:s0+$0x10] =	vst v0;
	v60 =	vshrl.u32 v1, $0x2  }
0x46: {  	[tilespmem:s0+$0xFFFFFFE0] =	vst v60;
	v61 =	vshrl.u32 v2, $0x2  }
0x47: {  	v63 =	vshrl.u32 v3, $0x2;
	[tilespmem:s0+$0xFFFFFFF0] =	vst v61  }
.Ltmp4:
0x48: {  	[tilespmem:s0+$0x0] =	vst v63;
	(pc) =	sbr.rel .LBB2_6-.Ltmp4, $4  }
0x49: {  	s1 =	simm.s32 $0x100;
	s2 =	simm.s32 $0x7000;
	s0 =	rddreg [dreg:$0x8]  }
0x4a: {  	[tilespmem:s13], [sflag:$0x1] =	stream.indirect.gather [hbm4b:s0+s1], $0x80, s2, s1, $0xb8;
	[tilespmem:$0x1B200] =	vst v63  }
0x4b: {  	s31 =	simm.s32 $0x7100;
	s24 =	simm.s32 $0x0  }
0x4c: {  	[tilespmem:s15], [sflag:$0x2] =	stream.indirect.gather [hbm4b:s0+s1], $0x80, s31, s1, $0xb8;
	[tilespmem:$0x1B200] =	vst v63  }
.LBB2_18:
0x4d: {  	p0 =	sne.s32 s24, $0x32  }
.Ltmp5:
0x4e: {  	s0 =	sshll.u32 s18, $0x13;
	s1 =	rddreg [dreg:$0x7];
	(pc) =	sbr.rel @!p0 .LBB2_19-.Ltmp5, $4  }
0x4f: {  	s0 =	sor.u32 s1, s0  }
0x50: {  	s30 =	rddreg [dreg:$0x2];
	s31 =	simm.s32 $0x1000;
	s0 =	sshrl.u32 s0, $0x3  }
0x51: {  	s2 =	simm.s32 $0x20000;
	s3 =	simm.s32 $0x17200;
	s0 =	sadd.s32 s30, s0  }
0x52: {  	[hbm4b:s0+s31] =	stream.strided.scatter [tilespmem:s3], [sflag:$0x3], $0x4000, s2, s31, $0x38;
	[tilespmem:$0x1B200] =	vst v63  }
.LBB2_6:
0x53: {  	s0 =	simm.s32 $0x1  }
0x54: {  	p0 =	seq.s32 s24, $0x0;
	s1 =	sshll.u32 s24, $0x9;
	s2 =	sshll.u32 s24, $0x7  }
0x55: {  	s9 =	simm.s32 $0x0;
	_ =	swait.ge [sflag:s0], $0x8000;
	[dreg:$0xc] =	wrdreg s24  }
0x56: {  	s1 =	sand.u32 $0x7000, s1;
	s2 =	sand.u32 $0x380, s2;
	[sflag:s0] =	ssyncset.done $0x0  }
0x57: {  	s3 =	sand.u32 $0x400, s9;
	[sflag:s0] =	ssyncadd.s32 $0xFFFF8000;
	s0 =	simm.s32 @!p0 $0x3  }
0x58: {  	s24 =	simm.s32 $0x10;
	s21 =	sor.u32 s2, s1;
	_ =	swait.ge @!p0 [sflag:s0], $0x4000  }
0x59: {  	s20 =	sand.u32 $0x70, s24;
	s2 =	sadd.s32 s3, s21;
	[sflag:s0] =	ssyncset.done @!p0 $0x0  }
0x5a: {  	s6 =	sadd.s32 s20, s2;
	[sflag:s0] =	ssyncadd.s32 @!p0 $0xFFFFC000  }
0x5b: {  	v0 =	vld [tilespmem:s6+$0x0];
	_ =	sdelay $0x3  }
0x5c: {  	v1 =	vmov s24  }
0x5d: {  	v1 =	vshll.u32 v1, $0x7;
	v0 =	vshll.u32 v0, $0x5  }
0x5e: {  	v1 =	vor.u32 v62, v1;
	s6 =	sand.u32 $0x60, s9;
	v0 =	vand.u32 $0x60, v0  }
0x5f: {  	s7 =	sadd.s32 s6, s2;
	v5 =	vor.u32 v1, v0  }
0x60: {  	v0 =	vld [tilespmem:s7+$0x0];
	_ =	sdelay $0x3  }
0x61: {  	v1 =	vmov s9;
	v2 =	vld.idx.msk [tilespmem:v5+s13+$0x0], $0xffff  }
0x62: {  	v1 =	vshll.u32 v1, $0x7;
	v3 =	vor.u32 $0x1, v5;
	v0 =	vshll.u32 v0, $0x5  }
0x63: {  	v1 =	vor.u32 v62, v1;
	v0 =	vand.u32 $0x60, v0  }
0x64: {  	s8 =	sor.u32 $0x17200, s3;
	v4 =	vor.u32 v1, v0  }
0x65: {  	s10 =	sor.u32 s20, s8  }
0x66: {  	[tilespmem:s10+$0x0] =	vst v2  }
0x67: {  	v0 =	vld.idx.msk [tilespmem:v3+s13+$0x0], $0xffff  }
0x68: {  	v1 =	vor.u32 $0x2, v5  }
0x69: {  	v2 =	vld.idx.msk [tilespmem:v4+s13+$0x0], $0xffff  }
0x6a: {  	v3 =	vor.u32 $0x1, v4;
	_ =	sdelay $0x1  }
0x6b: {  	[tilespmem:s10+$0x80] =	vst v0  }
0x6c: {  	s4 =	sor.u32 s6, s8;
	v0 =	vld.idx.msk [tilespmem:v1+s13+$0x0], $0xffff  }
0x6d: {  	[tilespmem:s4+$0x0] =	vst v2;
	v1 =	vor.u32 $0x3, v5  }
0x6e: {  	v2 =	vld.idx.msk [tilespmem:v3+s13+$0x0], $0xffff  }
0x6f: {  	v3 =	vor.u32 $0x2, v4;
	_ =	sdelay $0x1  }
0x70: {  	[tilespmem:s10+$0x100] =	vst v0  }
0x71: {  	v0 =	vld.idx.msk [tilespmem:v1+s13+$0x0], $0xffff  }
0x72: {  	[tilespmem:s4+$0x80] =	vst v2;
	v1 =	vor.u32 $0x4, v5  }
0x73: {  	v2 =	vld.idx.msk [tilespmem:v3+s13+$0x0], $0xffff  }
0x74: {  	v3 =	vor.u32 $0x3, v4;
	_ =	sdelay $0x1  }
0x75: {  	[tilespmem:s10+$0x180] =	vst v0  }
0x76: {  	v0 =	vld.idx.msk [tilespmem:v1+s13+$0x0], $0xffff  }
0x77: {  	[tilespmem:s4+$0x100] =	vst v2;
	v1 =	vor.u32 $0x5, v5  }
0x78: {  	v2 =	vld.idx.msk [tilespmem:v3+s13+$0x0], $0xffff  }
0x79: {  	v3 =	vor.u32 $0x4, v4;
	_ =	sdelay $0x1  }
0x7a: {  	[tilespmem:s10+$0x200] =	vst v0  }
0x7b: {  	v0 =	vld.idx.msk [tilespmem:v1+s13+$0x0], $0xffff  }
0x7c: {  	[tilespmem:s4+$0x180] =	vst v2;
	v1 =	vor.u32 $0x6, v5  }
0x7d: {  	v2 =	vld.idx.msk [tilespmem:v3+s13+$0x0], $0xffff  }
0x7e: {  	v3 =	vor.u32 $0x5, v4;
	_ =	sdelay $0x1  }
0x7f: {  	[tilespmem:s10+$0x280] =	vst v0  }
0x80: {  	s11 =	sand.u32 $0x7, s9;
	v0 =	vld.idx.msk [tilespmem:v1+s13+$0x0], $0xffff  }
0x81: {  	s0 =	sshll.u32 s11, $0x4;
	[tilespmem:s4+$0x200] =	vst v2;
	v1 =	vor.u32 $0x7, v5  }
0x82: {  	s0 =	sadd.s32 $0x0, s0;
	v2 =	vld.idx.msk [tilespmem:v3+s13+$0x0], $0xffff  }
0x83: {  	s0 =	sadd.s32 $0x10, s0;
	v3 =	vor.u32 $0x6, v4  }
0x84: {  	s0 =	sor.u32 $0x300, s0  }
0x85: {  	[tilespmem:s0+$0x17200] =	vst v0;
	s0 =	simm.s32 $0x100  }
0x86: {  	s5 =	simm.s32 $0x30;
	v0 =	vld.idx.msk [tilespmem:v1+s13+$0x0], $0xffff;
	s25 =	sand.u32 $0x400, s0  }
0x87: {  	s28 =	sand.u32 $0x70, s5;
	s2 =	simm.s32 $0x20;
	[tilespmem:s4+$0x280] =	vst v2;
	v1 =	vor.u32 $0x8, v5;
	s12 =	sadd.s32 s25, s21  }
0x88: {  	s26 =	sand.u32 $0x60, s2;
	v2 =	vld.idx.msk [tilespmem:v3+s13+$0x0], $0xffff;
	s7 =	sadd.s32 s28, s12  }
0x89: {  	s1 =	sor.u32 s24, s9;
	s8 =	sand.u32 $0x3, s9;
	v3 =	vor.u32 $0x7, v4;
	s4 =	sadd.s32 s26, s12;
	v6 =	vld [tilespmem:s7+$0x0]  }
0x8a: {  	s1 =	sor.u32 $0x380, s1;
	s14 =	sshll.u32 s8, $0x5;
	v7 =	vld [tilespmem:s4+$0x0]  }
0x8b: {  	s16 =	sadd.s32 $0x0, s14;
	[tilespmem:s1+$0x17200] =	vst v0  }
0x8c: {  	s17 =	sor.u32 $0x300, s16;
	v9 =	vor.u32 $0x9, v5;
	v8 =	vld.idx.msk [tilespmem:v1+s13+$0x0], $0xffff  }
0x8d: {  	v0 =	vor.u32 $0x8, v4;
	[tilespmem:s17+$0x17200] =	vst v2;
	v1 =	vmov s2;
	v2 =	vmov s5  }
0x8e: {  	v3 =	vld.idx.msk [tilespmem:v3+s13+$0x0], $0xffff;
	v1 =	vshll.u32 v1, $0x7;
	v2 =	vshll.u32 v2, $0x7;
	v6 =	vshll.u32 v6, $0x5  }
0x8f: {  	s18 =	sor.u32 $0x18200, s3;
	v7 =	vshll.u32 v7, $0x5;
	v2 =	vor.u32 v62, v2;
	v6 =	vand.u32 $0x60, v6  }
0x90: {  	s19 =	sor.u32 s20, s18;
	v10 =	vor.u32 v62, v1;
	v7 =	vand.u32 $0x60, v7;
	v1 =	vor.u32 v2, v6  }
0x91: {  	s22 =	sor.u32 s9, s9;
	v6 =	vor.u32 v10, v7;
	[tilespmem:s19+$0x0] =	vst v8  }
0x92: {  	s23 =	sor.u32 $0x380, s22;
	v2 =	vld.idx.msk [tilespmem:v9+s13+$0x0], $0xffff  }
0x93: {  	[tilespmem:s23+$0x17200] =	vst v3;
	v3 =	vor.u32 $0xA, v5  }
0x94: {  	v0 =	vld.idx.msk [tilespmem:v0+s13+$0x0], $0xffff  }
0x95: {  	s24 =	sor.u32 $0x18280, s3;
	v7 =	vor.u32 $0x9, v4;
	v8 =	vld.idx.msk [tilespmem:v1+s13+$0x0], $0xffff  }
0x96: {  	s10 =	sor.u32 s20, s24;
	v10 =	vor.u32 $0x1, v1;
	v9 =	vld.idx.msk [tilespmem:v6+s13+$0x0], $0xffff  }
0x97: {  	v11 =	vor.u32 $0x1, v6;
	[tilespmem:s10+$0x0] =	vst v2  }
0x98: {  	s11 =	sor.u32 $0x17200, s25;
	s1 =	sor.u32 s6, s18;
	v2 =	vld.idx.msk [tilespmem:v3+s13+$0x0], $0xffff  }
0x99: {  	s12 =	sor.u32 s28, s11;
	[tilespmem:s1+$0x0] =	vst v0;
	v0 =	vor.u32 $0xB, v5  }
0x9a: {  	s1 =	sor.u32 s26, s11;
	v3 =	vld.idx.msk [tilespmem:v7+s13+$0x0], $0xffff;
	[tilespmem:s12+$0x0] =	vst v8  }
0x9b: {  	s14 =	sor.u32 $0x18300, s3;
	v7 =	vor.u32 $0xA, v4;
	[tilespmem:s1+$0x0] =	vst v9;
	v8 =	vld.idx.msk [tilespmem:v10+s13+$0x0], $0xffff  }
0x9c: {  	s16 =	sor.u32 s20, s14;
	v9 =	vld.idx.msk [tilespmem:v11+s13+$0x0], $0xffff;
	v10 =	vor.u32 $0x2, v1  }
0x9d: {  	v11 =	vor.u32 $0x2, v6;
	[tilespmem:s16+$0x0] =	vst v2  }
0x9e: {  	s7 =	sor.u32 s6, s24;
	v0 =	vld.idx.msk [tilespmem:v0+s13+$0x0], $0xffff  }
0x9f: {  	v2 =	vor.u32 $0xC, v5;
	[tilespmem:s7+$0x0] =	vst v3  }
0xa0: {  	v3 =	vld.idx.msk [tilespmem:v7+s13+$0x0], $0xffff;
	[tilespmem:s12+$0x80] =	vst v8  }
0xa1: {  	s17 =	sor.u32 $0x18380, s3;
	v7 =	vor.u32 $0xB, v4;
	[tilespmem:s1+$0x80] =	vst v9;
	v8 =	vld.idx.msk [tilespmem:v10+s13+$0x0], $0xffff  }
0xa2: {  	s18 =	sor.u32 s20, s17;
	v9 =	vld.idx.msk [tilespmem:v11+s13+$0x0], $0xffff;
	v10 =	vor.u32 $0x3, v1  }
0xa3: {  	v11 =	vor.u32 $0x3, v6;
	[tilespmem:s18+$0x0] =	vst v0  }
0xa4: {  	s8 =	sor.u32 s6, s14;
	v0 =	vld.idx.msk [tilespmem:v2+s13+$0x0], $0xffff  }
0xa5: {  	[tilespmem:s8+$0x0] =	vst v3;
	v2 =	vor.u32 $0xD, v5  }
0xa6: {  	v3 =	vld.idx.msk [tilespmem:v7+s13+$0x0], $0xffff;
	[tilespmem:s12+$0x100] =	vst v8  }
0xa7: {  	s19 =	sadd.s32 $0x18400, s3;
	v7 =	vor.u32 $0xC, v4;
	[tilespmem:s1+$0x100] =	vst v9;
	v8 =	vld.idx.msk [tilespmem:v10+s13+$0x0], $0xffff  }
0xa8: {  	s22 =	sor.u32 s20, s19;
	v9 =	vld.idx.msk [tilespmem:v11+s13+$0x0], $0xffff;
	v10 =	vor.u32 $0x4, v1  }
0xa9: {  	v11 =	vor.u32 $0x4, v6;
	[tilespmem:s22+$0x0] =	vst v0  }
0xaa: {  	s7 =	sor.u32 s6, s17;
	v0 =	vld.idx.msk [tilespmem:v2+s13+$0x0], $0xffff  }
0xab: {  	[tilespmem:s7+$0x0] =	vst v3;
	v2 =	vor.u32 $0xE, v5  }
0xac: {  	v3 =	vld.idx.msk [tilespmem:v7+s13+$0x0], $0xffff;
	[tilespmem:s12+$0x180] =	vst v8  }
0xad: {  	s23 =	sadd.s32 $0x18480, s3;
	v7 =	vor.u32 $0xD, v4;
	[tilespmem:s1+$0x180] =	vst v9;
	v8 =	vld.idx.msk [tilespmem:v10+s13+$0x0], $0xffff  }
0xae: {  	s24 =	sor.u32 s20, s23;
	v9 =	vld.idx.msk [tilespmem:v11+s13+$0x0], $0xffff;
	v10 =	vor.u32 $0x5, v1  }
0xaf: {  	v11 =	vor.u32 $0x5, v6;
	[tilespmem:s24+$0x0] =	vst v0  }
0xb0: {  	s8 =	sor.u32 s6, s19;
	v0 =	vld.idx.msk [tilespmem:v2+s13+$0x0], $0xffff  }
0xb1: {  	[tilespmem:s8+$0x0] =	vst v3;
	v2 =	vor.u32 $0xF, v5  }
0xb2: {  	v3 =	vld.idx.msk [tilespmem:v7+s13+$0x0], $0xffff;
	[tilespmem:s12+$0x200] =	vst v8  }
0xb3: {  	s10 =	sadd.s32 $0x18500, s3;
	v7 =	vor.u32 $0xE, v4;
	[tilespmem:s1+$0x200] =	vst v9;
	v8 =	vld.idx.msk [tilespmem:v10+s13+$0x0], $0xffff  }
0xb4: {  	s11 =	sor.u32 s20, s10;
	v9 =	vld.idx.msk [tilespmem:v11+s13+$0x0], $0xffff;
	v10 =	vor.u32 $0x6, v1  }
0xb5: {  	v11 =	vor.u32 $0x6, v6;
	[tilespmem:s11+$0x0] =	vst v0  }
0xb6: {  	s7 =	sor.u32 s6, s23;
	v0 =	vld.idx.msk [tilespmem:v2+s13+$0x0], $0xffff  }
0xb7: {  	[tilespmem:s7+$0x0] =	vst v3;
	v2 =	vor.u32 $0x10, v5  }
0xb8: {  	v3 =	vld.idx.msk [tilespmem:v7+s13+$0x0], $0xffff;
	[tilespmem:s12+$0x280] =	vst v8;
	s12 =	simm.s32 $0x2  }
0xb9: {  	s14 =	sadd.s32 $0x18580, s3;
	v7 =	vor.u32 $0xF, v4;
	[tilespmem:s1+$0x280] =	vst v9;
	v8 =	vld.idx.msk [tilespmem:v10+s13+$0x0], $0xffff;
	s4 =	sand.u32 $0x7, s12  }
0xba: {  	s16 =	simm.s32 $0x1;
	s17 =	sor.u32 s20, s14;
	v9 =	vld.idx.msk [tilespmem:v11+s13+$0x0], $0xffff;
	v10 =	vor.u32 $0x7, v1;
	s4 =	sshll.u32 s4, $0x4  }
0xbb: {  	s1 =	sand.u32 $0x3, s16;
	v11 =	vor.u32 $0x7, v6;
	s4 =	sadd.s32 $0x100, s4;
	[tilespmem:s17+$0x0] =	vst v0  }
0xbc: {  	s8 =	sor.u32 s6, s10;
	s1 =	sshll.u32 s1, $0x5;
	s4 =	sadd.s32 $0x10, s4;
	v0 =	vld.idx.msk [tilespmem:v2+s13+$0x0], $0xffff  }
0xbd: {  	s18 =	sadd.s32 $0x100, s1;
	s1 =	simm.s32 $0x200;
	[tilespmem:s8+$0x0] =	vst v3;
	v2 =	vor.u32 $0x11, v5;
	s4 =	sor.u32 $0x300, s4  }
0xbe: {  	s9 =	sor.u32 $0x300, s18;
	s24 =	sand.u32 $0x400, s1;
	s8 =	simm.s32 $0x50;
	v3 =	vld.idx.msk [tilespmem:v7+s13+$0x0], $0xffff;
	[tilespmem:s4+$0x17200] =	vst v8  }
0xbf: {  	s19 =	sor.u32 $0x19200, s3;
	s10 =	sadd.s32 s24, s21;
	v7 =	vor.u32 $0x10, v4;
	s29 =	sand.u32 $0x70, s8;
	[tilespmem:s9+$0x17200] =	vst v9;
	v8 =	vld.idx.msk [tilespmem:v10+s13+$0x0], $0xffff  }
0xc0: {  	s11 =	sor.u32 s20, s19;
	s4 =	simm.s32 $0x40;
	s12 =	sadd.s32 s29, s10;
	v9 =	vld.idx.msk [tilespmem:v11+s13+$0x0], $0xffff;
	v10 =	vor.u32 $0x8, v1  }
0xc1: {  	v11 =	vor.u32 $0x8, v6;
	s30 =	sand.u32 $0x60, s4;
	[tilespmem:s11+$0x0] =	vst v0;
	v0 =	vld [tilespmem:s12+$0x0]  }
0xc2: {  	s5 =	sor.u32 s5, s0;
	s7 =	sor.u32 s6, s14;
	s10 =	sadd.s32 s30, s10;
	v2 =	vld.idx.msk [tilespmem:v2+s13+$0x0], $0xffff  }
0xc3: {  	v12 =	vor.u32 $0x12, v5;
	s0 =	sor.u32 s2, s0;
	s22 =	sor.u32 $0x380, s5;
	[tilespmem:s7+$0x0] =	vst v3;
	v3 =	vld [tilespmem:s10+$0x0]  }
0xc4: {  	s0 =	sor.u32 $0x380, s0;
	v7 =	vld.idx.msk [tilespmem:v7+s13+$0x0], $0xffff;
	[tilespmem:s22+$0x17200] =	vst v8  }
0xc5: {  	v13 =	vor.u32 $0x9, v6;
	s23 =	sor.u32 $0x19280, s3;
	v8 =	vor.u32 $0x11, v4;
	[tilespmem:s0+$0x17200] =	vst v9;
	v9 =	vmov s8;
	v10 =	vld.idx.msk [tilespmem:v10+s13+$0x0], $0xffff  }
0xc6: {  	v14 =	vor.u32 $0x9, v1;
	s7 =	sor.u32 s20, s23;
	v11 =	vld.idx.msk [tilespmem:v11+s13+$0x0], $0xffff;
	v9 =	vshll.u32 v9, $0x7;
	v0 =	vshll.u32 v0, $0x5  }
0xc7: {  	v15 =	vmov s4;
	[tilespmem:s7+$0x0] =	vst v2;
	v0 =	vand.u32 $0x60, v0;
	v2 =	vor.u32 v62, v9  }
0xc8: {  	s9 =	sor.u32 s6, s19;
	s10 =	sor.u32 $0x18200, s25;
	v9 =	vshll.u32 v15, $0x7;
	v3 =	vshll.u32 v3, $0x5;
	v12 =	vld.idx.msk [tilespmem:v12+s13+$0x0], $0xffff;
	v2 =	vor.u32 v2, v0  }
0xc9: {  	s11 =	sor.u32 s28, s10;
	v0 =	vor.u32 v62, v9;
	[tilespmem:s9+$0x0] =	vst v7;
	v3 =	vand.u32 $0x60, v3;
	v7 =	vor.u32 $0x13, v5  }
0xca: {  	s5 =	sor.u32 s26, s10;
	v8 =	vld.idx.msk [tilespmem:v8+s13+$0x0], $0xffff;
	v15 =	vor.u32 v0, v3;
	[tilespmem:s11+$0x0] =	vst v10  }
0xcb: {  	s12 =	sor.u32 $0x19300, s3;
	v0 =	vor.u32 $0x12, v4;
	[tilespmem:s5+$0x0] =	vst v11;
	v3 =	vld.idx.msk [tilespmem:v14+s13+$0x0], $0xffff  }
0xcc: {  	s14 =	sor.u32 s20, s12;
	v10 =	vor.u32 $0xA, v1;
	v9 =	vld.idx.msk [tilespmem:v13+s13+$0x0], $0xffff  }
0xcd: {  	v11 =	vor.u32 $0xA, v6;
	v13 =	vld.idx.msk [tilespmem:v2+s13+$0x0], $0xffff;
	[tilespmem:s14+$0x0] =	vst v12  }
0xce: {  	s16 =	sor.u32 $0x18280, s25;
	s0 =	sor.u32 s6, s23;
	v12 =	vor.u32 $0x1, v2;
	v7 =	vld.idx.msk [tilespmem:v7+s13+$0x0], $0xffff  }
0xcf: {  	s17 =	sor.u32 s28, s16;
	v14 =	vor.u32 $0x14, v5;
	[tilespmem:s0+$0x0] =	vst v8;
	v8 =	vld.idx.msk [tilespmem:v15+s13+$0x0], $0xffff  }
0xd0: {  	s18 =	sor.u32 s26, s16;
	s19 =	sor.u32 $0x17200, s24;
	v16 =	vor.u32 $0x1, v15;
	v0 =	vld.idx.msk [tilespmem:v0+s13+$0x0], $0xffff;
	[tilespmem:s17+$0x0] =	vst v3  }
0xd1: {  	s2 =	sor.u32 s29, s19;
	s22 =	sor.u32 $0x19380, s3;
	v3 =	vor.u32 $0x13, v4;
	[tilespmem:s18+$0x0] =	vst v9;
	v10 =	vld.idx.msk [tilespmem:v10+s13+$0x0], $0xffff  }
0xd2: {  	s23 =	sor.u32 s20, s22;
	v9 =	vld.idx.msk [tilespmem:v11+s13+$0x0], $0xffff;
	v11 =	vor.u32 $0xB, v1;
	[tilespmem:s2+$0x0] =	vst v13  }
0xd3: {  	s0 =	sor.u32 s30, s19;
	v13 =	vor.u32 $0xB, v6;
	v12 =	vld.idx.msk [tilespmem:v12+s13+$0x0], $0xffff;
	[tilespmem:s23+$0x0] =	vst v7  }
0xd4: {  	s10 =	sor.u32 $0x18300, s25;
	s5 =	sor.u32 s6, s12;
	[tilespmem:s0+$0x0] =	vst v8;
	v8 =	vor.u32 $0x2, v2;
	v7 =	vld.idx.msk [tilespmem:v14+s13+$0x0], $0xffff  }
0xd5: {  	s11 =	sor.u32 s28, s10;
	v14 =	vld.idx.msk [tilespmem:v16+s13+$0x0], $0xffff;
	[tilespmem:s5+$0x0] =	vst v0;
	v0 =	vor.u32 $0x15, v5  }
0xd6: {  	s12 =	sor.u32 s26, s10;
	v16 =	vor.u32 $0x2, v15;
	v3 =	vld.idx.msk [tilespmem:v3+s13+$0x0], $0xffff;
	[tilespmem:s11+$0x0] =	vst v10  }
0xd7: {  	s14 =	sadd.s32 $0x19400, s3;
	v10 =	vor.u32 $0x14, v4;
	[tilespmem:s12+$0x0] =	vst v9;
	v11 =	vld.idx.msk [tilespmem:v11+s13+$0x0], $0xffff  }
0xd8: {  	s16 =	sor.u32 s20, s14;
	v9 =	vld.idx.msk [tilespmem:v13+s13+$0x0], $0xffff;
	[tilespmem:s2+$0x80] =	vst v12;
	v12 =	vor.u32 $0xC, v1  }
0xd9: {  	v13 =	vor.u32 $0xC, v6;
	v8 =	vld.idx.msk [tilespmem:v8+s13+$0x0], $0xffff;
	[tilespmem:s16+$0x0] =	vst v7  }
0xda: {  	s7 =	sor.u32 s6, s22;
	s17 =	sor.u32 $0x18380, s25;
	[tilespmem:s0+$0x80] =	vst v14;
	v7 =	vor.u32 $0x3, v2;
	v0 =	vld.idx.msk [tilespmem:v0+s13+$0x0], $0xffff  }
0xdb: {  	s18 =	sor.u32 s28, s17;
	v14 =	vld.idx.msk [tilespmem:v16+s13+$0x0], $0xffff;
	[tilespmem:s7+$0x0] =	vst v3;
	v3 =	vor.u32 $0x16, v5  }
0xdc: {  	s19 =	sor.u32 s26, s17;
	v16 =	vor.u32 $0x3, v15;
	v10 =	vld.idx.msk [tilespmem:v10+s13+$0x0], $0xffff;
	[tilespmem:s18+$0x0] =	vst v11  }
0xdd: {  	s22 =	sadd.s32 $0x19480, s3;
	v11 =	vor.u32 $0x15, v4;
	[tilespmem:s19+$0x0] =	vst v9;
	v12 =	vld.idx.msk [tilespmem:v12+s13+$0x0], $0xffff  }
0xde: {  	s23 =	sor.u32 s20, s22;
	v9 =	vor.u32 $0xD, v1;
	[tilespmem:s2+$0x100] =	vst v8;
	v8 =	vld.idx.msk [tilespmem:v13+s13+$0x0], $0xffff  }
0xdf: {  	v13 =	vor.u32 $0xD, v6;
	v7 =	vld.idx.msk [tilespmem:v7+s13+$0x0], $0xffff;
	[tilespmem:s23+$0x0] =	vst v0  }
0xe0: {  	s10 =	sadd.s32 $0x18400, s25;
	s5 =	sor.u32 s6, s14;
	[tilespmem:s0+$0x100] =	vst v14;
	v0 =	vld.idx.msk [tilespmem:v3+s13+$0x0], $0xffff;
	v3 =	vor.u32 $0x4, v2  }
0xe1: {  	s11 =	sor.u32 s28, s10;
	v14 =	vld.idx.msk [tilespmem:v16+s13+$0x0], $0xffff;
	[tilespmem:s5+$0x0] =	vst v10;
	v10 =	vor.u32 $0x17, v5  }
0xe2: {  	s12 =	sor.u32 s26, s10;
	v16 =	vor.u32 $0x4, v15;
	v11 =	vld.idx.msk [tilespmem:v11+s13+$0x0], $0xffff;
	[tilespmem:s11+$0x0] =	vst v12  }
0xe3: {  	s14 =	sadd.s32 $0x19500, s3;
	v12 =	vor.u32 $0x16, v4;
	v9 =	vld.idx.msk [tilespmem:v9+s13+$0x0], $0xffff;
	[tilespmem:s12+$0x0] =	vst v8  }
0xe4: {  	s16 =	sor.u32 s20, s14;
	v8 =	vor.u32 $0xE, v1;
	[tilespmem:s2+$0x180] =	vst v7;
	v7 =	vld.idx.msk [tilespmem:v13+s13+$0x0], $0xffff  }
0xe5: {  	v13 =	vor.u32 $0xE, v6;
	v3 =	vld.idx.msk [tilespmem:v3+s13+$0x0], $0xffff;
	[tilespmem:s16+$0x0] =	vst v0  }
0xe6: {  	s17 =	sadd.s32 $0x18480, s25;
	s7 =	sor.u32 s6, s22;
	[tilespmem:s0+$0x180] =	vst v14;
	v0 =	vld.idx.msk [tilespmem:v10+s13+$0x0], $0xffff;
	v10 =	vor.u32 $0x5, v2  }
0xe7: {  	s18 =	sor.u32 s28, s17;
	v14 =	vld.idx.msk [tilespmem:v16+s13+$0x0], $0xffff;
	[tilespmem:s7+$0x0] =	vst v11;
	v11 =	vor.u32 $0x18, v5  }
0xe8: {  	s19 =	sor.u32 s26, s17;
	v16 =	vor.u32 $0x5, v15;
	[tilespmem:s18+$0x0] =	vst v9;
	v9 =	vld.idx.msk [tilespmem:v12+s13+$0x0], $0xffff  }
0xe9: {  	s22 =	sadd.s32 $0x19580, s3;
	v12 =	vor.u32 $0x17, v4;
	v8 =	vld.idx.msk [tilespmem:v8+s13+$0x0], $0xffff;
	[tilespmem:s19+$0x0] =	vst v7  }
0xea: {  	s23 =	sor.u32 s20, s22;
	v7 =	vor.u32 $0xF, v1;
	[tilespmem:s2+$0x200] =	vst v3;
	v3 =	vld.idx.msk [tilespmem:v13+s13+$0x0], $0xffff  }
0xeb: {  	v13 =	vor.u32 $0xF, v6;
	v10 =	vld.idx.msk [tilespmem:v10+s13+$0x0], $0xffff;
	[tilespmem:s23+$0x0] =	vst v0  }
0xec: {  	s10 =	sadd.s32 $0x18500, s25;
	s5 =	sor.u32 s6, s14;
	[tilespmem:s0+$0x200] =	vst v14;
	v0 =	vld.idx.msk [tilespmem:v11+s13+$0x0], $0xffff;
	v11 =	vor.u32 $0x6, v2  }
0xed: {  	s11 =	sor.u32 s28, s10;
	v14 =	vld.idx.msk [tilespmem:v16+s13+$0x0], $0xffff;
	[tilespmem:s5+$0x0] =	vst v9;
	v9 =	vor.u32 $0x19, v5  }
0xee: {  	s12 =	sor.u32 s26, s10;
	v16 =	vor.u32 $0x6, v15;
	[tilespmem:s11+$0x0] =	vst v8;
	v8 =	vld.idx.msk [tilespmem:v12+s13+$0x0], $0xffff  }
0xef: {  	s14 =	sor.u32 $0x1A200, s3;
	v12 =	vor.u32 $0x18, v4;
	v7 =	vld.idx.msk [tilespmem:v7+s13+$0x0], $0xffff;
	[tilespmem:s12+$0x0] =	vst v3  }
0xf0: {  	s17 =	simm.s32 $0x4;
	s16 =	sor.u32 s20, s14;
	[tilespmem:s2+$0x280] =	vst v10;
	v3 =	vld.idx.msk [tilespmem:v13+s13+$0x0], $0xffff;
	v10 =	vor.u32 $0x10, v1  }
0xf1: {  	s18 =	sand.u32 $0x7, s17;
	v13 =	vor.u32 $0x10, v6;
	v11 =	vld.idx.msk [tilespmem:v11+s13+$0x0], $0xffff;
	[tilespmem:s16+$0x0] =	vst v0  }
0xf2: {  	s7 =	sor.u32 s6, s22;
	s19 =	sadd.s32 $0x18580, s25;
	s2 =	sshll.u32 s18, $0x4;
	[tilespmem:s0+$0x280] =	vst v14;
	v0 =	vld.idx.msk [tilespmem:v9+s13+$0x0], $0xffff;
	v9 =	vor.u32 $0x7, v2  }
0xf3: {  	s22 =	simm.s32 $0x2;
	s23 =	sor.u32 s28, s19;
	s2 =	sadd.s32 $0x200, s2;
	v14 =	vld.idx.msk [tilespmem:v16+s13+$0x0], $0xffff;
	[tilespmem:s7+$0x0] =	vst v8;
	v8 =	vor.u32 $0x1A, v5  }
0xf4: {  	s9 =	sand.u32 $0x3, s22;
	s0 =	sor.u32 s26, s19;
	v16 =	vor.u32 $0x7, v15;
	s2 =	sadd.s32 $0x10, s2;
	[tilespmem:s23+$0x0] =	vst v7;
	v7 =	vld.idx.msk [tilespmem:v12+s13+$0x0], $0xffff  }
0xf5: {  	s7 =	sshll.u32 s9, $0x5;
	s2 =	sor.u32 $0x300, s2;
	s9 =	sor.u32 $0x1A280, s3;
	v10 =	vld.idx.msk [tilespmem:v10+s13+$0x0], $0xffff;
	[tilespmem:s0+$0x0] =	vst v3  }
0xf6: {  	v12 =	vor.u32 $0x19, v4;
	s11 =	sadd.s32 $0x200, s7;
	s12 =	sor.u32 s20, s9;
	s7 =	simm.s32 $0x300;
	[tilespmem:s2+$0x17200] =	vst v11;
	v3 =	vld.idx.msk [tilespmem:v13+s13+$0x0], $0xffff  }
0xf7: {  	s10 =	simm.s32 $0x60;
	s0 =	sor.u32 $0x300, s11;
	s19 =	sand.u32 $0x400, s7;
	v9 =	vld.idx.msk [tilespmem:v9+s13+$0x0], $0xffff;
	[tilespmem:s12+$0x0] =	vst v0  }
0xf8: {  	v11 =	vor.u32 $0x11, v1;
	s17 =	sadd.s32 s19, s21;
	s2 =	sand.u32 $0x60, s10;
	[tilespmem:s0+$0x17200] =	vst v14;
	v0 =	vld.idx.msk [tilespmem:v8+s13+$0x0], $0xffff  }
0xf9: {  	s14 =	sor.u32 s6, s14;
	v13 =	vor.u32 $0x8, v2;
	s0 =	simm.s32 $0x70;
	s11 =	sadd.s32 s2, s17;
	v8 =	vld.idx.msk [tilespmem:v16+s13+$0x0], $0xffff  }
0xfa: {  	s16 =	sor.u32 $0x19200, s25;
	v14 =	vor.u32 $0x8, v15;
	s31 =	sand.u32 $0x70, s0;
	v17 =	vld [tilespmem:s11+$0x0];
	[tilespmem:s14+$0x0] =	vst v7  }
0xfb: {  	s8 =	sor.u32 s8, s1;
	s18 =	sor.u32 s28, s16;
	s22 =	sadd.s32 s31, s17;
	v7 =	vld.idx.msk [tilespmem:v12+s13+$0x0], $0xffff;
	v12 =	vor.u32 $0x1B, v5  }
0xfc: {  	s1 =	sor.u32 s4, s1;
	s8 =	sor.u32 $0x380, s8;
	[tilespmem:s18+$0x0] =	vst v10;
	v10 =	vld [tilespmem:s22+$0x0]  }
0xfd: {  	s1 =	sor.u32 $0x380, s1;
	s12 =	sor.u32 $0x1A300, s3;
	v16 =	vor.u32 $0x11, v6;
	v11 =	vld.idx.msk [tilespmem:v11+s13+$0x0], $0xffff;
	[tilespmem:s8+$0x17200] =	vst v9  }
0xfe: {  	s23 =	sor.u32 s20, s12;
	v9 =	vor.u32 $0x12, v1;
	v13 =	vld.idx.msk [tilespmem:v13+s13+$0x0], $0xffff;
	[tilespmem:s1+$0x17200] =	vst v8  }
0xff: {  	v18 =	vor.u32 $0x1A, v4;
	[tilespmem:s23+$0x0] =	vst v0;
	v14 =	vld.idx.msk [tilespmem:v14+s13+$0x0], $0xffff  }
0x100: {  	v19 =	vor.u32 $0x9, v2;
	v20 =	vmov s10;
	s5 =	sor.u32 s26, s16;
	s8 =	sor.u32 $0x19280, s25;
	v8 =	vld.idx.msk [tilespmem:v12+s13+$0x0], $0xffff;
	v12 =	vmov s0  }
0x101: {  	[tilespmem:s5+$0x0] =	vst v3;
	v0 =	vor.u32 $0x9, v15;
	s14 =	sor.u32 s28, s8;
	v3 =	vshll.u32 v10, $0x5;
	v10 =	vshll.u32 v12, $0x7  }
0x102: {  	s16 =	sor.u32 s6, s9;
	s17 =	sor.u32 $0x18200, s24;
	v16 =	vld.idx.msk [tilespmem:v16+s13+$0x0], $0xffff;
	v12 =	vor.u32 $0x1C, v5;
	[tilespmem:s14+$0x0] =	vst v11;
	v3 =	vand.u32 $0x60, v3;
	v10 =	vor.u32 v62, v10  }
0x103: {  	s18 =	sor.u32 s29, s17;
	v17 =	vshll.u32 v17, $0x5;
	[tilespmem:s16+$0x0] =	vst v7;
	v11 =	vshll.u32 v20, $0x7;
	v9 =	vld.idx.msk [tilespmem:v9+s13+$0x0], $0xffff;
	v3 =	vor.u32 v10, v3  }
0x104: {  	s9 =	sor.u32 $0x1A380, s3;
	s4 =	sor.u32 s30, s17;
	v7 =	vor.u32 v62, v11;
	v11 =	vld.idx.msk [tilespmem:v18+s13+$0x0], $0xffff;
	v10 =	vand.u32 $0x60, v17;
	[tilespmem:s18+$0x0] =	vst v13;
	v13 =	vor.u32 $0x13, v1  }
0x105: {  	s22 =	sor.u32 s20, s9;
	v24 =	vor.u32 v7, v10;
	v7 =	vld.idx.msk [tilespmem:v19+s13+$0x0], $0xffff;
	[tilespmem:s4+$0x0] =	vst v14  }
0x106: {  	s23 =	sor.u32 $0x19300, s25;
	s1 =	sor.u32 s26, s8;
	[tilespmem:s22+$0x0] =	vst v8;
	v8 =	vor.u32 $0x12, v6;
	v0 =	vld.idx.msk [tilespmem:v0+s13+$0x0], $0xffff  }
0x107: {  	s11 =	sor.u32 s28, s23;
	[tilespmem:s1+$0x0] =	vst v16;
	v10 =	vld.idx.msk [tilespmem:v12+s13+$0x0], $0xffff;
	v12 =	vor.u32 $0xA, v2  }
0x108: {  	s12 =	sor.u32 s6, s12;
	s14 =	sor.u32 $0x18280, s24;
	[tilespmem:s11+$0x0] =	vst v9;
	v9 =	vor.u32 $0x1D, v5;
	v14 =	vld.idx.msk [tilespmem:v3+s13+$0x0], $0xffff  }
0x109: {  	s16 =	sor.u32 s29, s14;
	v17 =	vor.u32 $0xA, v15;
	[tilespmem:s12+$0x0] =	vst v11;
	v13 =	vld.idx.msk [tilespmem:v13+s13+$0x0], $0xffff  }
0x10a: {  	s5 =	sadd.s32 $0x1A400, s3;
	s1 =	sor.u32 s30, s14;
	v16 =	vor.u32 $0x1, v3;
	v11 =	vld.idx.msk [tilespmem:v24+s13+$0x0], $0xffff;
	[tilespmem:s16+$0x0] =	vst v7  }
0x10b: {  	s17 =	sor.u32 s20, s5;
	s18 =	sor.u32 $0x17200, s19;
	v7 =	vld.idx.msk [tilespmem:v8+s13+$0x0], $0xffff;
	v8 =	vor.u32 $0x14, v1;
	[tilespmem:s1+$0x0] =	vst v0  }
0x10c: {  	s4 =	sor.u32 s31, s18;
	v18 =	vor.u32 $0x1, v24;
	s22 =	sor.u32 $0x19380, s25;
	v12 =	vld.idx.msk [tilespmem:v12+s13+$0x0], $0xffff;
	[tilespmem:s17+$0x0] =	vst v10  }
0x10d: {  	s14 =	sor.u32 s28, s22;
	v10 =	vor.u32 $0x13, v6;
	v0 =	vld.idx.msk [tilespmem:v9+s13+$0x0], $0xffff;
	[tilespmem:s4+$0x0] =	vst v14  }
0x10e: {  	s1 =	sor.u32 s2, s18;
	v9 =	vld.idx.msk [tilespmem:v17+s13+$0x0], $0xffff;
	v14 =	vor.u32 $0xB, v2;
	[tilespmem:s14+$0x0] =	vst v13  }
0x10f: {  	s8 =	sor.u32 s26, s23;
	s23 =	sor.u32 $0x18300, s24;
	v13 =	vor.u32 $0x1E, v5;
	v16 =	vld.idx.msk [tilespmem:v16+s13+$0x0], $0xffff;
	[tilespmem:s1+$0x0] =	vst v11  }
0x110: {  	s16 =	sor.u32 s29, s23;
	v17 =	vor.u32 $0xB, v15;
	v8 =	vld.idx.msk [tilespmem:v8+s13+$0x0], $0xffff;
	[tilespmem:s8+$0x0] =	vst v7;
	s8 =	sadd.s32 $0x1A480, s3  }
0x111: {  	v11 =	vld.idx.msk [tilespmem:v18+s13+$0x0], $0xffff;
	v18 =	vor.u32 $0x2, v3;
	[tilespmem:s16+$0x0] =	vst v12;
	s17 =	sor.u32 s20, s8  }
0x112: {  	s11 =	sor.u32 s30, s23;
	v7 =	vld.idx.msk [tilespmem:v10+s13+$0x0], $0xffff;
	v10 =	vor.u32 $0x15, v1;
	[tilespmem:s17+$0x0] =	vst v0  }
0x113: {  	s14 =	sadd.s32 $0x19400, s25;
	v12 =	vor.u32 $0x2, v24;
	[tilespmem:s11+$0x0] =	vst v9;
	v14 =	vld.idx.msk [tilespmem:v14+s13+$0x0], $0xffff  }
0x114: {  	s18 =	sor.u32 s28, s14;
	v0 =	vor.u32 $0x14, v6;
	v9 =	vld.idx.msk [tilespmem:v13+s13+$0x0], $0xffff;
	[tilespmem:s4+$0x80] =	vst v16  }
0x115: {  	v13 =	vld.idx.msk [tilespmem:v17+s13+$0x0], $0xffff;
	v16 =	vor.u32 $0xC, v2;
	[tilespmem:s18+$0x0] =	vst v8  }
0x116: {  	s22 =	sor.u32 s26, s22;
	s23 =	sor.u32 $0x18380, s24;
	v5 =	vor.u32 $0x1F, v5;
	v17 =	vld.idx.msk [tilespmem:v18+s13+$0x0], $0xffff;
	[tilespmem:s1+$0x80] =	vst v11  }
0x117: {  	s16 =	sor.u32 s29, s23;
	s11 =	sadd.s32 $0x1A500, s3;
	v8 =	vor.u32 $0xC, v15;
	v10 =	vld.idx.msk [tilespmem:v10+s13+$0x0], $0xffff;
	[tilespmem:s22+$0x0] =	vst v7  }
0x118: {  	s17 =	sor.u32 s20, s11;
	v11 =	vld.idx.msk [tilespmem:v12+s13+$0x0], $0xffff;
	v12 =	vor.u32 $0x3, v3;
	[tilespmem:s16+$0x0] =	vst v14  }
0x119: {  	s12 =	sor.u32 s30, s23;
	v7 =	vor.u32 $0x16, v1;
	v0 =	vld.idx.msk [tilespmem:v0+s13+$0x0], $0xffff;
	[tilespmem:s17+$0x0] =	vst v9  }
0x11a: {  	v14 =	vor.u32 $0x3, v24;
	[tilespmem:s12+$0x0] =	vst v13;
	s12 =	sadd.s32 $0x19480, s25;
	v16 =	vld.idx.msk [tilespmem:v16+s13+$0x0], $0xffff  }
0x11b: {  	v9 =	vor.u32 $0x15, v6;
	v5 =	vld.idx.msk [tilespmem:v5+s13+$0x0], $0xffff;
	s18 =	sor.u32 s28, s12;
	[tilespmem:s4+$0x100] =	vst v17  }
0x11c: {  	v13 =	vor.u32 $0xD, v2;
	v8 =	vld.idx.msk [tilespmem:v8+s13+$0x0], $0xffff;
	[tilespmem:s18+$0x0] =	vst v10  }
0x11d: {  	s14 =	sor.u32 s26, s14;
	s22 =	sadd.s32 $0x18400, s24;
	v17 =	vor.u32 $0x1B, v4;
	v12 =	vld.idx.msk [tilespmem:v12+s13+$0x0], $0xffff;
	[tilespmem:s1+$0x100] =	vst v11  }
0x11e: {  	s3 =	sadd.s32 $0x1A580, s3;
	v18 =	vor.u32 $0xD, v15;
	s23 =	sor.u32 s29, s22;
	v7 =	vld.idx.msk [tilespmem:v7+s13+$0x0], $0xffff;
	[tilespmem:s14+$0x0] =	vst v0  }
0x11f: {  	s17 =	sor.u32 s20, s3;
	v11 =	vld.idx.msk [tilespmem:v14+s13+$0x0], $0xffff;
	[tilespmem:s23+$0x0] =	vst v16  }
0x120: {  	v19 =	vor.u32 $0x4, v3;
	s16 =	sor.u32 s30, s22;
	v16 =	vld.idx.msk [tilespmem:v9+s13+$0x0], $0xffff;
	[tilespmem:s17+$0x0] =	vst v5  }
0x121: {  	v21 =	vor.u32 $0x1C, v4;
	v20 =	vor.u32 $0x17, v1;
	v13 =	vld.idx.msk [tilespmem:v13+s13+$0x0], $0xffff;
	[tilespmem:s16+$0x0] =	vst v8  }
0x122: {  	v22 =	vor.u32 $0x1D, v4;
	v23 =	vor.u32 $0x4, v24;
	s18 =	sadd.s32 $0x19500, s25;
	v9 =	vor.u32 $0x1B, v6;
	v5 =	vld.idx.msk [tilespmem:v17+s13+$0x0], $0xffff;
	[tilespmem:s4+$0x180] =	vst v12  }
0x123: {  	v25 =	vor.u32 $0x1F, v4;
	v0 =	vor.u32 $0x1E, v4;
	v4 =	vor.u32 $0x16, v6;
	s20 =	sor.u32 s28, s18;
	v8 =	vld.idx.msk [tilespmem:v18+s13+$0x0], $0xffff;
	[tilespmem:$0x1FF70] =	vst v9  }
0x124: {  	v18 =	vor.u32 $0xE, v2;
	[tilespmem:s20+$0x0] =	vst v7  }
0x125: {  	v29 =	vor.u32 $0x17, v6;
	v53 =	vor.u32 $0x18, v6;
	s22 =	sadd.s32 $0x18480, s24;
	s12 =	sor.u32 s26, s12;
	v19 =	vld.idx.msk [tilespmem:v19+s13+$0x0], $0xffff;
	[tilespmem:s1+$0x180] =	vst v11  }
0x126: {  	v26 =	vor.u32 $0x1A, v6;
	v63 =	vor.u32 $0x1C, v6;
	v10 =	vor.u32 $0x19, v6;
	s23 =	sor.u32 s29, s22;
	v11 =	vld.idx.msk [tilespmem:v20+s13+$0x0], $0xffff;
	[tilespmem:s12+$0x0] =	vst v16  }
0x127: {  	s9 =	sor.u32 s6, s9;
	v14 =	vor.u32 $0x1E, v6;
	v17 =	vor.u32 $0x1D, v6;
	v12 =	vor.u32 $0x1F, v6;
	v6 =	vld.idx.msk [tilespmem:v23+s13+$0x0], $0xffff;
	[tilespmem:s23+$0x0] =	vst v13  }
0x128: {  	v4 =	vld.idx.msk [tilespmem:v4+s13+$0x0], $0xffff;
	[tilespmem:s9+$0x0] =	vst v5;
	v5 =	vor.u32 $0x13, v15  }
0x129: {  	v38 =	vld.idx.msk [tilespmem:v18+s13+$0x0], $0xffff;
	[tilespmem:$0x1FF80] =	vst v5;
	v5 =	vor.u32 $0x14, v15  }
0x12a: {  	v7 =	vor.u32 $0xE, v15;
	[tilespmem:$0x1FF90] =	vst v5;
	v5 =	vor.u32 $0x15, v15  }
0x12b: {  	v31 =	vor.u32 $0x5, v3;
	s16 =	sor.u32 s30, s22;
	[tilespmem:$0x1FFA0] =	vst v5  }
0x12c: {  	v35 =	vor.u32 $0x18, v1;
	[tilespmem:s16+$0x0] =	vst v8;
	v8 =	vor.u32 $0x16, v15  }
0x12d: {  	v36 =	vor.u32 $0x5, v24;
	s9 =	sadd.s32 $0x19580, s25;
	v5 =	vld.idx.msk [tilespmem:v21+s13+$0x0], $0xffff;
	[tilespmem:$0x1FFB0] =	vst v8  }
0x12e: {  	v33 =	vor.u32 $0xF, v15;
	v37 =	vor.u32 $0x10, v15;
	v32 =	vor.u32 $0x12, v15;
	s17 =	sor.u32 s28, s9;
	[tilespmem:s4+$0x200] =	vst v19  }
0x12f: {  	v34 =	vor.u32 $0x17, v15;
	v30 =	vor.u32 $0x18, v15;
	v7 =	vld.idx.msk [tilespmem:v7+s13+$0x0], $0xffff;
	v19 =	vor.u32 $0xF, v2;
	[tilespmem:s17+$0x0] =	vst v11  }
0x130: {  	v28 =	vor.u32 $0x19, v15;
	v27 =	vor.u32 $0x1A, v15;
	s18 =	sor.u32 s26, s18;
	v9 =	vor.u32 $0x11, v15;
	s20 =	sadd.s32 $0x18500, s24;
	[tilespmem:s1+$0x200] =	vst v6;
	v21 =	vld.idx.msk [tilespmem:v31+s13+$0x0], $0xffff  }
0x131: {  	v23 =	vor.u32 $0x1B, v15;
	v20 =	vor.u32 $0x1C, v15;
	v16 =	vor.u32 $0x1E, v15;
	s23 =	sor.u32 s29, s20;
	[tilespmem:s18+$0x0] =	vst v4;
	v6 =	vld.idx.msk [tilespmem:v35+s13+$0x0], $0xffff  }
0x132: {  	s5 =	sor.u32 s6, s5;
	s22 =	simm.s32 $0x3;
	v13 =	vor.u32 $0x1F, v15;
	v18 =	vor.u32 $0x1D, v15;
	v8 =	vor.u32 $0x6, v3;
	[tilespmem:s23+$0x0] =	vst v38;
	v15 =	vld.idx.msk [tilespmem:v36+s13+$0x0], $0xffff  }
0x133: {  	s14 =	sor.u32 s30, s20;
	s16 =	sand.u32 $0x3, s22;
	v61 =	vld.idx.msk [tilespmem:v29+s13+$0x0], $0xffff;
	[tilespmem:s5+$0x0] =	vst v5  }
0x134: {  	s17 =	sshll.u32 s16, $0x5;
	s16 =	sor.u32 $0x1A200, s25;
	v19 =	vld.idx.msk [tilespmem:v19+s13+$0x0], $0xffff;
	[tilespmem:s14+$0x0] =	vst v7  }
0x135: {  	s23 =	sor.u32 s28, s16;
	v7 =	vld.idx.msk [tilespmem:v22+s13+$0x0], $0xffff;
	[tilespmem:s4+$0x280] =	vst v21  }
0x136: {  	v56 =	vor.u32 $0x10, v2;
	v29 =	vor.u32 $0x19, v1;
	v55 =	vld.idx.msk [tilespmem:v33+s13+$0x0], $0xffff;
	[tilespmem:s23+$0x0] =	vst v6;
	v6 =	vor.u32 $0x13, v24  }
0x137: {  	v52 =	vor.u32 $0x7, v24;
	v4 =	vor.u32 $0x6, v24;
	v5 =	vld.idx.msk [tilespmem:v8+s13+$0x0], $0xffff;
	[tilespmem:$0x1FFC0] =	vst v6;
	v6 =	vor.u32 $0x14, v24  }
0x138: {  	v50 =	vor.u32 $0x8, v24;
	v48 =	vor.u32 $0x9, v24;
	s8 =	sor.u32 s6, s8;
	s3 =	sor.u32 s6, s3;
	[tilespmem:$0x1FFD0] =	vst v6;
	v6 =	vor.u32 $0x15, v24  }
0x139: {  	v47 =	vor.u32 $0xA, v24;
	v46 =	vor.u32 $0xB, v24;
	v45 =	vor.u32 $0xC, v24;
	s12 =	simm.s32 $0x6;
	s18 =	sadd.s32 $0x300, s17;
	s17 =	sadd.s32 $0x18580, s24;
	[tilespmem:$0x1FFE0] =	vst v6  }
0x13a: {  	v44 =	vor.u32 $0xD, v24;
	v43 =	vor.u32 $0xE, v24;
	v51 =	vor.u32 $0x10, v24;
	s14 =	sor.u32 s6, s11;
	s6 =	sand.u32 $0x7, s12;
	s11 =	sor.u32 s26, s9;
	[tilespmem:s1+$0x280] =	vst v15  }
0x13b: {  	v49 =	vor.u32 $0x11, v24;
	v39 =	vor.u32 $0x12, v24;
	v41 =	vor.u32 $0x16, v24;
	s20 =	simm.s32 $0x6;
	s4 =	sshll.u32 s6, $0x4;
	s23 =	sor.u32 s29, s17;
	v54 =	vld.idx.msk [tilespmem:v29+s13+$0x0], $0xffff;
	[tilespmem:s11+$0x0] =	vst v61  }
0x13c: {  	v42 =	vor.u32 $0x19, v24;
	s22 =	sor.u32 s10, s7;
	v11 =	vor.u32 $0x18, v24;
	v31 =	vor.u32 $0xF, v24;
	s18 =	sor.u32 $0x300, s18;
	s4 =	sadd.s32 $0x300, s4;
	[tilespmem:s23+$0x0] =	vst v19;
	v6 =	vld.idx.msk [tilespmem:v4+s13+$0x0], $0xffff  }
0x13d: {  	v35 =	vor.u32 $0x17, v24;
	s9 =	sor.u32 s26, s16;
	v22 =	vor.u32 $0x1F, v24;
	v33 =	vor.u32 $0x1B, v24;
	s4 =	sadd.s32 $0x10, s4;
	s1 =	sor.u32 s30, s17;
	[tilespmem:s8+$0x0] =	vst v7;
	v53 =	vld.idx.msk [tilespmem:v53+s13+$0x0], $0xffff  }
0x13e: {  	s6 =	sor.u32 $0x380, s22;
	v21 =	vor.u32 $0x1C, v24;
	s5 =	sor.u32 $0x300, s4;
	s4 =	sor.u32 $0x1A280, s25;
	v29 =	vor.u32 $0x1A, v24;
	v19 =	vor.u32 $0x1D, v24;
	v4 =	vld.idx.msk [tilespmem:v56+s13+$0x0], $0xffff;
	[tilespmem:s1+$0x0] =	vst v55  }
0x13f: {  	v15 =	vor.u32 $0x1E, v24;
	v7 =	vor.u32 $0x7, v3;
	s8 =	simm.s32 $0x300;
	v56 =	vor.u32 $0x1A, v1;
	s1 =	simm.s32 $0x4;
	v55 =	vld.idx.msk [tilespmem:v0+s13+$0x0], $0xffff;
	[dreg:$0x4] =	wrdreg s21  }
.LBB2_7:
0x140: {  	[tilespmem:$0x1FF50] =	vst v15  }
0x141: {  	[tilespmem:$0x1FEA0] =	vst v34  }
0x142: {  	[tilespmem:$0x1FF30] =	vst v14  }
0x143: {  	[tilespmem:$0x1FEF0] =	vst v11  }
0x144: {  	[tilespmem:$0x1FEE0] =	vst v30  }
0x145: {  	[tilespmem:s5+$0x17200] =	vst v5;
	v8 =	vmov v51  }
0x146: {  	v5 =	vor.u32 $0x11, v2;
	s22 =	sor.u32 s28, s4;
	[tilespmem:$0x1FF60] =	vst v8  }
0x147: {  	s17 =	sor.u32 $0x19200, s24;
	v7 =	vld.idx.msk [tilespmem:v7+s13+$0x0], $0xffff;
	[tilespmem:s22+$0x0] =	vst v54  }
0x148: {  	s11 =	sand.u32 $0x3, s1;
	s5 =	sor.u32 s26, s4;
	s23 =	sor.u32 s29, s17;
	v0 =	vld.idx.msk [tilespmem:v37+s13+$0x0], $0xffff;
	[tilespmem:s18+$0x17200] =	vst v6  }
0x149: {  	s7 =	sadd.s32 $0x100, s7;
	s10 =	sadd.s32 $0x20, s10;
	s16 =	sshll.u32 s11, $0x5;
	v8 =	vmov v42;
	v6 =	vld.idx.msk [tilespmem:v56+s13+$0x0], $0xffff;
	[tilespmem:s23+$0x0] =	vst v4  }
0x14a: {  	v34 =	vor.u32 $0x8, v3;
	s11 =	sand.u32 $0x400, s7;
	s21 =	sadd.s32 $0x10, s10;
	s22 =	rddreg [dreg:$0x4];
	[tilespmem:$0x1FEB0] =	vst v8;
	v52 =	vld.idx.msk [tilespmem:v52+s13+$0x0], $0xffff  }
0x14b: {  	s8 =	sor.u32 s0, s8;
	s4 =	sand.u32 $0x70, s21;
	s22 =	sadd.s32 s11, s22;
	[tilespmem:s9+$0x0] =	vst v53;
	v5 =	vld.idx.msk [tilespmem:v5+s13+$0x0], $0xffff  }
0x14c: {  	s8 =	sor.u32 $0x380, s8;
	s9 =	sand.u32 $0x60, s10;
	s18 =	sadd.s32 s4, s22;
	v4 =	vld.idx.msk [tilespmem:v10+s13+$0x0], $0xffff;
	[tilespmem:s14+$0x0] =	vst v55  }
0x14d: {  	s0 =	smov.u32 s19;
	s19 =	sor.u32 $0x1A300, s25;
	v10 =	vmov v28;
	s23 =	sadd.s32 s9, s22;
	v38 =	vld [tilespmem:s18+$0x0];
	[tilespmem:s8+$0x17200] =	vst v7  }
0x14e: {  	v36 =	vor.u32 $0x1B, v1;
	[tilespmem:$0x1FEC0] =	vst v10;
	v55 =	vld [tilespmem:s23+$0x0];
	s23 =	sor.u32 s28, s19  }
0x14f: {  	v54 =	vld.idx.msk [tilespmem:v34+s13+$0x0], $0xffff;
	[tilespmem:s23+$0x0] =	vst v6  }
0x150: {  	s17 =	sor.u32 s30, s17;
	s22 =	sor.u32 s10, s7;
	v10 =	vmov v27;
	[tilespmem:s6+$0x17200] =	vst v52  }
0x151: {  	s18 =	sadd.s32 s16, s7;
	v7 =	vor.u32 $0x12, v2;
	s16 =	sor.u32 $0x380, s22;
	s22 =	sor.u32 $0x19280, s24;
	[tilespmem:$0x1FF40] =	vst v10  }
0x152: {  	s6 =	sor.u32 s29, s22;
	v50 =	vld.idx.msk [tilespmem:v50+s13+$0x0], $0xffff;
	[tilespmem:s17+$0x0] =	vst v0  }
0x153: {  	v61 =	vmov s10;
	v6 =	vmov s21;
	s23 =	smov.u32 s21;
	v52 =	vld.idx.msk [tilespmem:v36+s13+$0x0], $0xffff;
	[tilespmem:s6+$0x0] =	vst v5;
	v5 =	vmov v49  }
0x154: {  	v40 =	vor.u32 $0x9, v3;
	v51 =	vshll.u32 v61, $0x7;
	[dreg:$0x6] =	wrdreg s23;
	v6 =	vshll.u32 v6, $0x7;
	s23 =	sor.u32 $0x18200, s0;
	[tilespmem:$0x1FF20] =	vst v5  }
0x155: {  	v37 =	vor.u32 v62, v51;
	s17 =	sor.u32 s30, s22;
	s22 =	smov.u32 s16;
	s16 =	sor.u32 s31, s23;
	v51 =	vld.idx.msk [tilespmem:v9+s13+$0x0], $0xffff;
	[tilespmem:s5+$0x0] =	vst v4  }
0x156: {  	v57 =	vor.u32 $0x1C, v1;
	v0 =	vshll.u32 v38, $0x5;
	v5 =	vshll.u32 v55, $0x5;
	v7 =	vld.idx.msk [tilespmem:v7+s13+$0x0], $0xffff;
	[tilespmem:s16+$0x0] =	vst v54;
	v9 =	vmovc v12  }
0x157: {  	s14 =	sor.u32 s26, s19;
	s19 =	sor.u32 $0x1A380, s25;
	v11 =	vor.u32 v62, v6;
	v0 =	vand.u32 $0x60, v0;
	v4 =	vand.u32 $0x60, v5;
	[tilespmem:$0x1FF10] =	vst v9;
	v6 =	vmovc v13  }
0x158: {  	s16 =	sor.u32 s28, s19;
	v5 =	vor.u32 v11, v0;
	v0 =	vld.idx.msk [tilespmem:v26+s13+$0x0], $0xffff;
	v8 =	vor.u32 v37, v4;
	[tilespmem:$0x1FF00] =	vst v6  }
0x159: {  	v38 =	vld.idx.msk [tilespmem:v40+s13+$0x0], $0xffff;
	v4 =	vor.u32 $0x13, v2;
	[tilespmem:s16+$0x0] =	vst v52;
	v10 =	vor.u32 $0x6, v8  }
0x15a: {  	s6 =	sor.u32 s2, s23;
	v36 =	vld.idx.msk [tilespmem:v25+s13+$0x0], $0xffff;
	[tilespmem:$0x1FED0] =	vst v10  }
0x15b: {  	s21 =	sor.u32 $0x19300, s24;
	[tilespmem:s6+$0x0] =	vst v50;
	v24 =	vld.idx.msk [tilespmem:v57+s13+$0x0], $0xffff  }
0x15c: {  	v58 =	vor.u32 $0xA, v3;
	s16 =	sor.u32 s29, s21;
	v57 =	vld.idx.msk [tilespmem:v48+s13+$0x0], $0xffff;
	[tilespmem:s17+$0x0] =	vst v51  }
0x15d: {  	v10 =	vld.idx.msk [tilespmem:v5+s13+$0x0], $0xffff;
	[tilespmem:s16+$0x0] =	vst v7  }
0x15e: {  	s23 =	sor.u32 $0x18280, s0;
	v11 =	vor.u32 $0x1D, v1;
	[tilespmem:s14+$0x0] =	vst v0;
	v4 =	vld.idx.msk [tilespmem:v4+s13+$0x0], $0xffff  }
0x15f: {  	v30 =	vmov v63;
	s5 =	sor.u32 s26, s19;
	s19 =	sadd.s32 $0x1A400, s25;
	s16 =	sor.u32 s31, s23;
	v13 =	vld.idx.msk [tilespmem:v8+s13+$0x0], $0xffff;
	[tilespmem:s3+$0x0] =	vst v36  }
0x160: {  	[dreg:$0x5] =	wrdreg s22;
	s22 =	sor.u32 s30, s21;
	v40 =	vmovc v35;
	v35 =	vmovc v21;
	v21 =	vor.u32 $0xB, v3;
	v14 =	vor.u32 $0x1, v5;
	v9 =	vor.u32 $0x1, v8;
	s21 =	sor.u32 s28, s19;
	[tilespmem:s16+$0x0] =	vst v38;
	v15 =	vld.idx.msk [tilespmem:v32+s13+$0x0], $0xffff  }
0x161: {  	v25 =	vmovc v19;
	v37 =	vmovc v16;
	v16 =	vor.u32 $0x14, v2;
	v6 =	vor.u32 $0x2, v8;
	v63 =	vor.u32 $0x3, v8;
	s6 =	sor.u32 s2, s23;
	s23 =	sor.u32 $0x17200, s11;
	v19 =	vld.idx.msk [tilespmem:v58+s13+$0x0], $0xffff;
	[tilespmem:s21+$0x0] =	vst v24  }
0x162: {  	v53 =	vld [tilespmem:$0x1FFC0];
	v56 =	vor.u32 $0x4, v8;
	v54 =	vor.u32 $0x5, v8;
	v52 =	vor.u32 $0x7, v8;
	s21 =	sor.u32 s4, s23;
	[tilespmem:s6+$0x0] =	vst v57  }
0x163: {  	v61 =	vor.u32 $0xA, v8;
	v12 =	vor.u32 $0xB, v8;
	v62 =	vor.u32 $0xD, v8;
	s16 =	sor.u32 s9, s23;
	v11 =	vld.idx.msk [tilespmem:v11+s13+$0x0], $0xffff;
	[tilespmem:s21+$0x0] =	vst v10  }
0x164: {  	v59 =	vor.u32 $0xE, v8;
	v55 =	vor.u32 $0xF, v8;
	v49 =	vor.u32 $0x11, v8;
	v10 =	vld.idx.msk [tilespmem:v47+s13+$0x0], $0xffff;
	[tilespmem:s16+$0x0] =	vst v13  }
0x165: {  	v28 =	vmovc v17;
	v26 =	vmovc v39;
	v39 =	vor.u32 $0x12, v8;
	v17 =	vor.u32 $0x13, v8;
	v60 =	vor.u32 $0x17, v8;
	v9 =	vld.idx.msk [tilespmem:v9+s13+$0x0], $0xffff  }
0x166: {  	v34 =	vmovc v29;
	v27 =	vmovc v22;
	v42 =	vor.u32 $0x19, v8;
	v29 =	vor.u32 $0x1A, v8;
	v22 =	vor.u32 $0x1F, v8;
	[tilespmem:s22+$0x0] =	vst v15;
	v15 =	vld [tilespmem:$0x1FF80]  }
0x167: {  	v50 =	vor.u32 $0x8, v8;
	v48 =	vor.u32 $0x9, v8;
	v51 =	vor.u32 $0x10, v8;
	s6 =	sor.u32 $0x19380, s24  }
0x168: {  	s17 =	sor.u32 s26, s19;
	s19 =	sor.u32 $0x18300, s0;
	v7 =	vor.u32 $0xC, v8;
	v0 =	vor.u32 $0x16, v8;
	v38 =	vor.u32 $0x1B, v8;
	s3 =	sor.u32 s29, s6  }
0x169: {  	v36 =	vmovc v33;
	v33 =	vmovc v23;
	v23 =	vor.u32 $0x1E, v1;
	v32 =	vmov v18;
	v18 =	vor.u32 $0x14, v8;
	v14 =	vld.idx.msk [tilespmem:v14+s13+$0x0], $0xffff;
	[tilespmem:s3+$0x0] =	vst v4;
	s3 =	sor.u32 s31, s19  }
0x16a: {  	v58 =	vor.u32 $0x1E, v8;
	v24 =	vmovc v20;
	v20 =	vor.u32 $0x15, v8;
	v57 =	vor.u32 $0x18, v8;
	v13 =	vld.idx.msk [tilespmem:v16+s13+$0x0], $0xffff;
	[tilespmem:s3+$0x0] =	vst v19;
	v19 =	vmovc v53  }
0x16b: {  	s14 =	sor.u32 s30, s6;
	v47 =	vmovc v61;
	v61 =	vor.u32 $0x1D, v8;
	s6 =	sadd.s32 $0x1A480, s25;
	v4 =	vor.u32 $0x1C, v8;
	v8 =	vor.u32 $0x2, v5  }
0x16c: {  	s23 =	sor.u32 s2, s19;
	s19 =	sor.u32 s28, s6;
	[tilespmem:$0x1FF80] =	vst v19  }
0x16d: {  	v19 =	vmov v17;
	v17 =	vld.idx.msk [tilespmem:v21+s13+$0x0], $0xffff;
	[tilespmem:s19+$0x0] =	vst v11  }
0x16e: {  	v15 =	vld.idx.msk [tilespmem:v15+s13+$0x0], $0xffff;
	[tilespmem:s23+$0x0] =	vst v10  }
0x16f: {  	s23 =	sadd.s32 $0x19400, s24;
	v10 =	vld.idx.msk [tilespmem:v23+s13+$0x0], $0xffff;
	[tilespmem:s21+$0x80] =	vst v14  }
0x170: {  	v16 =	vor.u32 $0x15, v2;
	s3 =	sor.u32 s29, s23;
	v8 =	vld.idx.msk [tilespmem:v8+s13+$0x0], $0xffff  }
0x171: {  	v14 =	vor.u32 $0xC, v3;
	[tilespmem:s3+$0x0] =	vst v13;
	v13 =	vld [tilespmem:$0x1FF90]  }
0x172: {  	s22 =	sor.u32 s26, s6;
	s6 =	sor.u32 $0x18380, s0;
	v11 =	vld.idx.msk [tilespmem:v46+s13+$0x0], $0xffff;
	v46 =	vmov v12;
	v12 =	vor.u32 $0x1F, v1  }
0x173: {  	s19 =	sor.u32 s30, s23;
	[tilespmem:s16+$0x80] =	vst v9;
	s23 =	sor.u32 s2, s6;
	s3 =	sor.u32 s31, s6  }
0x174: {  	v6 =	vld.idx.msk [tilespmem:v6+s13+$0x0], $0xffff;
	[tilespmem:s14+$0x0] =	vst v15;
	s14 =	smov.u32 s2;
	s2 =	smov.u32 s31;
	s31 =	sadd.s32 $0x1A500, s25  }
0x175: {  	v1 =	vmov v2;
	v2 =	vmov v3;
	v3 =	vmov v5;
	v5 =	vld.idx.msk [tilespmem:v16+s13+$0x0], $0xffff;
	[tilespmem:s3+$0x0] =	vst v17;
	s3 =	sor.u32 s28, s31  }
0x176: {  	v9 =	vor.u32 $0x3, v3;
	v14 =	vld.idx.msk [tilespmem:v14+s13+$0x0], $0xffff;
	[tilespmem:s3+$0x0] =	vst v10  }
0x177: {  	v15 =	vor.u32 $0x16, v1;
	v10 =	vld.idx.msk [tilespmem:v12+s13+$0x0], $0xffff  }
0x178: {  	v12 =	vld [tilespmem:$0x1FFA0]  }
0x179: {  	s3 =	sadd.s32 $0x19480, s24;
	v13 =	vld.idx.msk [tilespmem:v13+s13+$0x0], $0xffff;
	[tilespmem:s23+$0x0] =	vst v11  }
0x17a: {  	[tilespmem:s21+$0x100] =	vst v8;
	v11 =	vor.u32 $0xD, v2;
	s23 =	sor.u32 s30, s3;
	s3 =	sor.u32 s29, s3;
	v8 =	vld.idx.msk [tilespmem:v45+s13+$0x0], $0xffff  }
0x17b: {  	v45 =	vmov v7;
	v7 =	vld.idx.msk [tilespmem:v9+s13+$0x0], $0xffff;
	[tilespmem:s3+$0x0] =	vst v5  }
0x17c: {  	[tilespmem:s16+$0x100] =	vst v6;
	s3 =	sadd.s32 $0x18400, s0;
	v5 =	vld.idx.msk [tilespmem:v15+s13+$0x0], $0xffff  }
0x17d: {  	s6 =	sor.u32 s26, s31;
	v6 =	vld.idx.msk [tilespmem:v63+s13+$0x0], $0xffff;
	s31 =	sor.u32 s14, s3;
	s3 =	sor.u32 s2, s3  }
0x17e: {  	v15 =	vld [tilespmem:$0x1FFE0];
	[tilespmem:s3+$0x0] =	vst v14  }
0x17f: {  	s25 =	sadd.s32 $0x1A580, s25;
	v9 =	vor.u32 $0x4, v3;
	[tilespmem:s19+$0x0] =	vst v13;
	v11 =	vld.idx.msk [tilespmem:v11+s13+$0x0], $0xffff  }
0x180: {  	s3 =	sor.u32 s26, s25;
	v13 =	vor.u32 $0x17, v1;
	s19 =	sor.u32 s28, s25;
	s25 =	smov.u32 s24;
	v12 =	vld.idx.msk [tilespmem:v12+s13+$0x0], $0xffff  }
0x181: {  	s24 =	smov.u32 s0;
	s28 =	smov.u32 s29;
	s29 =	smov.u32 s2;
	[tilespmem:s31+$0x0] =	vst v8;
	v8 =	vld [tilespmem:$0x1FF70]  }
0x182: {  	s2 =	smov.u32 s9;
	[tilespmem:s19+$0x0] =	vst v10;
	s19 =	smov.u32 s11;
	s26 =	sadd.s32 $0x19500, s25  }
0x183: {  	s31 =	smov.u32 s4;
	s9 =	sadd.s32 $0x18480, s24;
	[tilespmem:s21+$0x180] =	vst v7;
	s11 =	sor.u32 s28, s26  }
0x184: {  	v10 =	vmov v33;
	s4 =	sor.u32 s30, s26;
	s26 =	smov.u32 s30;
	s30 =	smov.u32 s14;
	v9 =	vld.idx.msk [tilespmem:v9+s13+$0x0], $0xffff;
	[tilespmem:s11+$0x0] =	vst v5  }
0x185: {  	v14 =	vmov v15;
	[tilespmem:$0x1FF70] =	vst v10;
	s11 =	sor.u32 s30, s9;
	s9 =	sor.u32 s29, s9;
	v5 =	vld.idx.msk [tilespmem:v13+s13+$0x0], $0xffff  }
0x186: {  	v10 =	vor.u32 $0xE, v2;
	[tilespmem:s9+$0x0] =	vst v11;
	v11 =	vld [tilespmem:$0x1FFB0];
	_ =	sdelay $0x1  }
0x187: {  	[tilespmem:$0x1FFA0] =	vst v14;
	v14 =	vmov v20  }
0x188: {  	v8 =	vld.idx.msk [tilespmem:v8+s13+$0x0], $0xffff  }
0x189: {  	v7 =	vld.idx.msk [tilespmem:v44+s13+$0x0], $0xffff;
	v13 =	vor.u32 $0x5, v3;
	[tilespmem:$0x1FFE0] =	vst v14  }
0x18a: {  	v14 =	vmov v41;
	v41 =	vmov v0;
	v0 =	vld.idx.msk [tilespmem:v10+s13+$0x0], $0xffff;
	[tilespmem:s21+$0x200] =	vst v9  }
0x18b: {  	[tilespmem:s16+$0x180] =	vst v6  }
0x18c: {  	v6 =	vld.idx.msk [tilespmem:v56+s13+$0x0], $0xffff;
	[tilespmem:s23+$0x0] =	vst v12;
	v12 =	vor.u32 $0x18, v1  }
0x18d: {  	v11 =	vld.idx.msk [tilespmem:v11+s13+$0x0], $0xffff;
	[tilespmem:s5+$0x0] =	vst v8  }
0x18e: {  	s23 =	sadd.s32 $0x19580, s25;
	v9 =	vld.idx.msk [tilespmem:v13+s13+$0x0], $0xffff;
	[tilespmem:s11+$0x0] =	vst v7  }
0x18f: {  	v8 =	vor.u32 $0xF, v2;
	s5 =	sor.u32 s28, s23;
	v7 =	vld.idx.msk [tilespmem:v30+s13+$0x0], $0xffff  }
0x190: {  	v21 =	vmov v4;
	s9 =	sadd.s32 $0x18500, s24;
	[tilespmem:s5+$0x0] =	vst v5;
	v5 =	vor.u32 $0x6, v3;
	v4 =	vld.idx.msk [tilespmem:v43+s13+$0x0], $0xffff  }
0x191: {  	s5 =	sor.u32 s29, s9;
	[tilespmem:s16+$0x200] =	vst v6;
	v6 =	vld.idx.msk [tilespmem:v12+s13+$0x0], $0xffff  }
0x192: {  	[tilespmem:s5+$0x0] =	vst v0;
	v0 =	vld [tilespmem:$0x1FEA0]  }
0x193: {  	v10 =	vld.idx.msk [tilespmem:v54+s13+$0x0], $0xffff  }
0x194: {  	s5 =	sor.u32 $0x1A200, s25;
	v8 =	vld.idx.msk [tilespmem:v8+s13+$0x0], $0xffff;
	[tilespmem:s21+$0x280] =	vst v9  }
0x195: {  	[tilespmem:s4+$0x0] =	vst v11;
	s4 =	sor.u32 s28, s5;
	v5 =	vld.idx.msk [tilespmem:v5+s13+$0x0], $0xffff  }
0x196: {  	[tilespmem:s4+$0x0] =	vst v6;
	v6 =	vld [tilespmem:$0x1FED0];
	_ =	sdelay $0x3  }
0x197: {  	s11 =	sor.u32 s26, s23;
	s23 =	sor.u32 s30, s9;
	v0 =	vld.idx.msk [tilespmem:v0+s13+$0x0], $0xffff;
	[tilespmem:s17+$0x0] =	vst v7  }
0x198: {  	[tilespmem:s23+$0x0] =	vst v4  }
0x199: {  	v12 =	vld.idx.msk [tilespmem:v28+s13+$0x0], $0xffff  }
0x19a: {  	v9 =	vld.idx.msk [tilespmem:v31+s13+$0x0], $0xffff;
	[tilespmem:s16+$0x280] =	vst v10  }
0x19b: {  	v6 =	vld.idx.msk [tilespmem:v6+s13+$0x0], $0xffff  }
0x19c: {  	[tilespmem:s11+$0x0] =	vst v0;
	v0 =	vld [tilespmem:$0x1FEE0];
	_ =	sdelay $0x7  }
0x19d: {  	v53 =	vld.idx.msk [tilespmem:v0+s13+$0x0], $0xffff  }
0x19e: {  	v0 =	vld [tilespmem:$0x1FEF0]  }
0x19f: {  	v17 =	vld [tilespmem:$0x1FFD0];
	_ =	sdelay $0x3  }
0x1a0: {  	v30 =	vmov v0;
	v0 =	vld [tilespmem:$0x1FF30]  }
0x1a1: {  	v16 =	vmov v17  }
0x1a2: {  	v11 =	vor.u32 $0x19, v1  }
0x1a3: {  	v17 =	vmov v32;
	v32 =	vmov v26;
	v26 =	vld [tilespmem:$0x1FF40]  }
0x1a4: {  	[tilespmem:$0x1FF90] =	vst v16;
	v16 =	vmov v18;
	v18 =	vmov v25;
	v25 =	vld [tilespmem:$0x1FF10]  }
0x1a5: {  	v44 =	vmov v62;
	v62 =	vld [tilespmem:$0x1FFF0];
	[tilespmem:$0x1FFB0] =	vst v14;
	s21 =	sadd.s32 $0x18580, s24  }
0x1a6: {  	v14 =	vmov v37;
	v37 =	vld [tilespmem:$0x1FF60];
	s23 =	sor.u32 s30, s21;
	[tilespmem:s22+$0x0] =	vst v12  }
0x1a7: {  	v54 =	vld.idx.msk [tilespmem:v11+s13+$0x0], $0xffff;
	v4 =	vor.u32 $0x10, v2;
	[tilespmem:s23+$0x0] =	vst v9  }
0x1a8: {  	s20 =	sadd.s32 $0x2, s20;
	v31 =	vmov v55;
	v55 =	vld.idx.msk [tilespmem:v0+s13+$0x0], $0xffff  }
0x1a9: {  	s12 =	sadd.s32 $0x2, s12;
	p0 =	slt.u32 s20, $0xE;
	s9 =	sor.u32 s26, s5;
	v0 =	vld [tilespmem:$0x1FF50]  }
.Ltmp6:
0x1aa: {  	s5 =	sor.u32 s29, s21;
	s17 =	sand.u32 $0x7, s12;
	v28 =	vld [tilespmem:$0x1FEB0];
	(pc) =	sbr.rel @p0 .LBB2_7-.Ltmp6, $4  }
0x1ab: {  	s1 =	sadd.s32 $0x1, s1;
	s8 =	smov.u32 s7;
	[tilespmem:s5+$0x0] =	vst v8;
	s4 =	sshll.u32 s17, $0x4;
	v10 =	vld [tilespmem:$0x1FEC0]  }
0x1ac: {  	s18 =	sor.u32 $0x300, s18;
	[tilespmem:$0x1FFC0] =	vst v19;
	v19 =	vmovc v61;
	v23 =	vmovc v36;
	v63 =	vmov v24;
	s0 =	rddreg [dreg:$0x6];
	v33 =	vmov v38;
	v15 =	vmov v58;
	s4 =	sadd.s32 s7, s4;
	v4 =	vld.idx.msk [tilespmem:v4+s13+$0x0], $0xffff  }
0x1ad: {  	s14 =	smov.u32 s6;
	s6 =	rddreg [dreg:$0x5];
	v20 =	vmovc v35;
	v35 =	vmovc v60;
	v13 =	vmov v27;
	v27 =	vmov v34;
	v34 =	vmov v40;
	s4 =	sadd.s32 $0x10, s4;
	v12 =	vld [tilespmem:$0x1FF00]  }
0x1ae: {  	[tilespmem:$0x1FFD0] =	vst v16;
	v56 =	vor.u32 $0x1A, v1;
	v43 =	vmovc v59;
	v11 =	vmovc v57;
	v7 =	vor.u32 $0x7, v3;
	s21 =	rddreg [dreg:$0x4];
	s5 =	sor.u32 $0x300, s4;
	s4 =	sor.u32 $0x1A280, s25;
	v9 =	vld [tilespmem:$0x1FF20];
	v16 =	vmov v0  }
0x1af: {  	_ =	sdelay $0x2  }
0x1b0: {  	[tilespmem:s18+$0x17200] =	vst v6  }
0x1b1: {  	[tilespmem:s5+$0x17200] =	vst v5;
	v52 =	vld.idx.msk [tilespmem:v52+s13+$0x0], $0xffff  }
0x1b2: {  	v0 =	vld.idx.msk [tilespmem:v7+s13+$0x0], $0xffff  }
0x1b3: {  	v57 =	vor.u32 $0x8, v3;
	_ =	sdelay $0x1  }
0x1b4: {  	s1 =	sor.u32 s0, s8  }
0x1b5: {  	s1 =	sor.u32 $0x380, s1;
	[tilespmem:s6+$0x17200] =	vst v52  }
0x1b6: {  	[tilespmem:s1+$0x17200] =	vst v0;
	v5 =	vld.idx.msk [tilespmem:v50+s13+$0x0], $0xffff  }
0x1b7: {  	v0 =	vld.idx.msk [tilespmem:v57+s13+$0x0], $0xffff  }
0x1b8: {  	v58 =	vor.u32 $0x9, v3  }
0x1b9: {  	s7 =	sor.u32 $0x18200, s19  }
0x1ba: {  	s1 =	sor.u32 s2, s7  }
0x1bb: {  	s8 =	sor.u32 s31, s7;
	[tilespmem:s1+$0x0] =	vst v5  }
0x1bc: {  	[tilespmem:s8+$0x0] =	vst v0;
	v5 =	vld.idx.msk [tilespmem:v48+s13+$0x0], $0xffff  }
0x1bd: {  	v0 =	vld.idx.msk [tilespmem:v58+s13+$0x0], $0xffff  }
0x1be: {  	v59 =	vor.u32 $0xA, v3  }
0x1bf: {  	s10 =	sor.u32 $0x18280, s19  }
0x1c0: {  	s1 =	sor.u32 s2, s10  }
0x1c1: {  	s11 =	sor.u32 s31, s10;
	[tilespmem:s1+$0x0] =	vst v5  }
0x1c2: {  	[tilespmem:s11+$0x0] =	vst v0;
	v5 =	vld.idx.msk [tilespmem:v47+s13+$0x0], $0xffff  }
0x1c3: {  	v0 =	vld.idx.msk [tilespmem:v59+s13+$0x0], $0xffff  }
0x1c4: {  	v60 =	vor.u32 $0xB, v3  }
0x1c5: {  	s12 =	sor.u32 $0x18300, s19  }
0x1c6: {  	s1 =	sor.u32 s2, s12  }
0x1c7: {  	s16 =	sor.u32 s31, s12;
	[tilespmem:s1+$0x0] =	vst v5  }
0x1c8: {  	[tilespmem:s16+$0x0] =	vst v0;
	v5 =	vld.idx.msk [tilespmem:v46+s13+$0x0], $0xffff  }
0x1c9: {  	v0 =	vld.idx.msk [tilespmem:v60+s13+$0x0], $0xffff  }
0x1ca: {  	v61 =	vor.u32 $0xC, v3  }
0x1cb: {  	s17 =	sor.u32 $0x18380, s19  }
0x1cc: {  	s1 =	sor.u32 s2, s17  }
0x1cd: {  	s18 =	sor.u32 s31, s17;
	[tilespmem:s1+$0x0] =	vst v5  }
0x1ce: {  	[tilespmem:s18+$0x0] =	vst v0;
	v5 =	vld.idx.msk [tilespmem:v45+s13+$0x0], $0xffff  }
0x1cf: {  	v0 =	vld.idx.msk [tilespmem:v61+s13+$0x0], $0xffff  }
0x1d0: {  	v24 =	vor.u32 $0xD, v3  }
0x1d1: {  	s20 =	sadd.s32 $0x18400, s19  }
0x1d2: {  	s1 =	sor.u32 s2, s20  }
0x1d3: {  	s22 =	sor.u32 s31, s20;
	[tilespmem:s1+$0x0] =	vst v5  }
0x1d4: {  	[tilespmem:s22+$0x0] =	vst v0;
	v5 =	vld.idx.msk [tilespmem:v44+s13+$0x0], $0xffff  }
0x1d5: {  	v0 =	vld.idx.msk [tilespmem:v24+s13+$0x0], $0xffff  }
0x1d6: {  	v36 =	vor.u32 $0xE, v3  }
0x1d7: {  	s23 =	sadd.s32 $0x18480, s19  }
0x1d8: {  	s1 =	sor.u32 s2, s23  }
0x1d9: {  	s0 =	sor.u32 s31, s23;
	[tilespmem:s1+$0x0] =	vst v5  }
0x1da: {  	[tilespmem:s0+$0x0] =	vst v0;
	v5 =	vld.idx.msk [tilespmem:v43+s13+$0x0], $0xffff  }
0x1db: {  	v0 =	vld.idx.msk [tilespmem:v36+s13+$0x0], $0xffff  }
0x1dc: {  	v38 =	vor.u32 $0xF, v3  }
0x1dd: {  	s6 =	sadd.s32 $0x18500, s19  }
0x1de: {  	s1 =	sor.u32 s2, s6  }
0x1df: {  	s7 =	sor.u32 s31, s6;
	[tilespmem:s1+$0x0] =	vst v5  }
0x1e0: {  	[tilespmem:s7+$0x0] =	vst v0;
	v5 =	vld.idx.msk [tilespmem:v31+s13+$0x0], $0xffff  }
0x1e1: {  	v0 =	vld.idx.msk [tilespmem:v38+s13+$0x0], $0xffff  }
0x1e2: {  	v40 =	vor.u32 $0x10, v3  }
0x1e3: {  	v8 =	vor.u32 $0x11, v2;
	s8 =	sadd.s32 $0x18580, s19;
	v43 =	vld.idx.msk [tilespmem:v37+s13+$0x0], $0xffff  }
0x1e4: {  	s1 =	sor.u32 s2, s8  }
0x1e5: {  	s10 =	sor.u32 s31, s8;
	s11 =	sor.u32 $0x19200, s24;
	[tilespmem:s1+$0x0] =	vst v5  }
0x1e6: {  	s12 =	sor.u32 s29, s11;
	[tilespmem:s10+$0x0] =	vst v0;
	v5 =	vld.idx.msk [tilespmem:v51+s13+$0x0], $0xffff  }
0x1e7: {  	[tilespmem:s12+$0x0] =	vst v4;
	s1 =	sor.u32 s30, s11;
	v0 =	vld.idx.msk [tilespmem:v40+s13+$0x0], $0xffff  }
0x1e8: {  	v4 =	vld.idx.msk [tilespmem:v8+s13+$0x0], $0xffff;
	v44 =	vor.u32 $0x11, v3;
	[tilespmem:s1+$0x0] =	vst v43  }
0x1e9: {  	s16 =	sor.u32 $0x19200, s19;
	v45 =	vor.u32 $0x12, v2;
	v46 =	vld.idx.msk [tilespmem:v9+s13+$0x0], $0xffff  }
0x1ea: {  	s18 =	sor.u32 s2, s16  }
0x1eb: {  	s17 =	sor.u32 s31, s16;
	s20 =	sor.u32 $0x19280, s24;
	[tilespmem:s18+$0x0] =	vst v5  }
0x1ec: {  	s22 =	sor.u32 s29, s20;
	[tilespmem:s17+$0x0] =	vst v0;
	v48 =	vld.idx.msk [tilespmem:v49+s13+$0x0], $0xffff  }
0x1ed: {  	[tilespmem:s22+$0x0] =	vst v4;
	s1 =	sor.u32 s30, s20;
	v0 =	vld.idx.msk [tilespmem:v44+s13+$0x0], $0xffff  }
0x1ee: {  	v4 =	vld.idx.msk [tilespmem:v45+s13+$0x0], $0xffff;
	[tilespmem:s1+$0x0] =	vst v46  }
0x1ef: {  	v47 =	vor.u32 $0x12, v3;
	s23 =	sor.u32 $0x19280, s19;
	v8 =	vld.idx.msk [tilespmem:v32+s13+$0x0], $0xffff  }
0x1f0: {  	s5 =	sor.u32 s2, s23  }
0x1f1: {  	s0 =	sor.u32 s31, s23;
	[tilespmem:s5+$0x0] =	vst v48;
	s5 =	sor.u32 $0x19300, s24  }
0x1f2: {  	[tilespmem:s0+$0x0] =	vst v0;
	s6 =	sor.u32 s29, s5  }
0x1f3: {  	s1 =	sor.u32 s30, s5;
	[tilespmem:s6+$0x0] =	vst v4  }
0x1f4: {  	v0 =	vld.idx.msk [tilespmem:v47+s13+$0x0], $0xffff;
	[tilespmem:s1+$0x0] =	vst v8  }
0x1f5: {  	v8 =	vld [tilespmem:$0x1FF80]  }
0x1f6: {  	v49 =	vor.u32 $0x13, v2;
	v6 =	vld.idx.msk [tilespmem:v39+s13+$0x0], $0xffff;
	_ =	sdelay $0x1  }
0x1f7: {  	s7 =	sor.u32 $0x19300, s19  }
0x1f8: {  	s8 =	sor.u32 s31, s7  }
0x1f9: {  	s5 =	sor.u32 s2, s7;
	[tilespmem:s8+$0x0] =	vst v0  }
0x1fa: {  	v4 =	vld.idx.msk [tilespmem:v49+s13+$0x0], $0xffff;
	[tilespmem:s5+$0x0] =	vst v6  }
0x1fb: {  	v6 =	vld [tilespmem:$0x1FFC0]  }
0x1fc: {  	v50 =	vor.u32 $0x13, v3;
	v8 =	vld.idx.msk [tilespmem:v8+s13+$0x0], $0xffff;
	_ =	sdelay $0x1  }
0x1fd: {  	s10 =	sor.u32 $0x19380, s24  }
0x1fe: {  	s11 =	sor.u32 s29, s10  }
0x1ff: {  	s1 =	sor.u32 s30, s10;
	[tilespmem:s11+$0x0] =	vst v4  }
0x200: {  	v0 =	vld.idx.msk [tilespmem:v50+s13+$0x0], $0xffff;
	[tilespmem:s1+$0x0] =	vst v8  }
0x201: {  	v8 =	vld [tilespmem:$0x1FF90]  }
0x202: {  	v51 =	vor.u32 $0x14, v2;
	v6 =	vld.idx.msk [tilespmem:v6+s13+$0x0], $0xffff;
	_ =	sdelay $0x1  }
0x203: {  	s12 =	sor.u32 $0x19380, s19  }
0x204: {  	s16 =	sor.u32 s31, s12  }
0x205: {  	s5 =	sor.u32 s2, s12;
	[tilespmem:s16+$0x0] =	vst v0  }
0x206: {  	v4 =	vld.idx.msk [tilespmem:v51+s13+$0x0], $0xffff;
	[tilespmem:s5+$0x0] =	vst v6  }
0x207: {  	v6 =	vld [tilespmem:$0x1FFD0]  }
0x208: {  	v52 =	vor.u32 $0x14, v3;
	v8 =	vld.idx.msk [tilespmem:v8+s13+$0x0], $0xffff;
	_ =	sdelay $0x1  }
0x209: {  	s17 =	sadd.s32 $0x19400, s24  }
0x20a: {  	s18 =	sor.u32 s29, s17  }
0x20b: {  	s1 =	sor.u32 s30, s17;
	[tilespmem:s18+$0x0] =	vst v4  }
0x20c: {  	v0 =	vld.idx.msk [tilespmem:v52+s13+$0x0], $0xffff;
	[tilespmem:s1+$0x0] =	vst v8  }
0x20d: {  	v8 =	vld [tilespmem:$0x1FFA0]  }
0x20e: {  	v57 =	vor.u32 $0x15, v2;
	v6 =	vld.idx.msk [tilespmem:v6+s13+$0x0], $0xffff;
	_ =	sdelay $0x1  }
0x20f: {  	s20 =	sadd.s32 $0x19400, s19  }
0x210: {  	s22 =	sor.u32 s31, s20  }
0x211: {  	s5 =	sor.u32 s2, s20;
	[tilespmem:s22+$0x0] =	vst v0  }
0x212: {  	v4 =	vld.idx.msk [tilespmem:v57+s13+$0x0], $0xffff;
	[tilespmem:s5+$0x0] =	vst v6  }
0x213: {  	v6 =	vld [tilespmem:$0x1FFE0]  }
0x214: {  	v58 =	vor.u32 $0x15, v3;
	v8 =	vld.idx.msk [tilespmem:v8+s13+$0x0], $0xffff;
	_ =	sdelay $0x1  }
0x215: {  	s23 =	sadd.s32 $0x19480, s24  }
0x216: {  	s0 =	sor.u32 s29, s23  }
0x217: {  	s1 =	sor.u32 s30, s23;
	[tilespmem:s0+$0x0] =	vst v4  }
0x218: {  	v59 =	vor.u32 $0x16, v2;
	v0 =	vld.idx.msk [tilespmem:v58+s13+$0x0], $0xffff;
	[tilespmem:s1+$0x0] =	vst v8  }
0x219: {  	v8 =	vld [tilespmem:$0x1FFB0]  }
0x21a: {  	v60 =	vor.u32 $0x16, v3;
	v6 =	vld.idx.msk [tilespmem:v6+s13+$0x0], $0xffff;
	_ =	sdelay $0x1  }
0x21b: {  	s6 =	sadd.s32 $0x19480, s19  }
0x21c: {  	s7 =	sor.u32 s31, s6;
	v4 =	vld.idx.msk [tilespmem:v59+s13+$0x0], $0xffff  }
0x21d: {  	s5 =	sor.u32 s2, s6;
	[tilespmem:s7+$0x0] =	vst v0  }
0x21e: {  	v61 =	vor.u32 $0x17, v2;
	v0 =	vld.idx.msk [tilespmem:v60+s13+$0x0], $0xffff;
	[tilespmem:s5+$0x0] =	vst v6  }
0x21f: {  	v24 =	vor.u32 $0x17, v3;
	s8 =	sadd.s32 $0x19500, s24;
	v6 =	vld.idx.msk [tilespmem:v41+s13+$0x0], $0xffff  }
0x220: {  	s10 =	sor.u32 s29, s8;
	v8 =	vld.idx.msk [tilespmem:v8+s13+$0x0], $0xffff  }
0x221: {  	s11 =	sadd.s32 $0x19500, s19;
	s16 =	sor.u32 s28, s4;
	[tilespmem:s10+$0x0] =	vst v4  }
0x222: {  	s12 =	sor.u32 s31, s11;
	[tilespmem:s16+$0x0] =	vst v54  }
0x223: {  	v4 =	vld.idx.msk [tilespmem:v61+s13+$0x0], $0xffff;
	s5 =	sor.u32 s2, s11;
	[tilespmem:s12+$0x0] =	vst v0  }
0x224: {  	v31 =	vor.u32 $0x18, v2;
	s1 =	sor.u32 s30, s8;
	v0 =	vld.idx.msk [tilespmem:v24+s13+$0x0], $0xffff;
	[tilespmem:s5+$0x0] =	vst v6  }
0x225: {  	v32 =	vor.u32 $0x18, v3;
	v6 =	vld.idx.msk [tilespmem:v35+s13+$0x0], $0xffff;
	[tilespmem:s1+$0x0] =	vst v8  }
0x226: {  	s17 =	sadd.s32 $0x19580, s24;
	[tilespmem:s9+$0x0] =	vst v53;
	v8 =	vld.idx.msk [tilespmem:v34+s13+$0x0], $0xffff  }
0x227: {  	s20 =	sadd.s32 $0x19580, s19;
	s18 =	sor.u32 s29, s17;
	[tilespmem:s14+$0x0] =	vst v55;
	v36 =	vld.idx.msk [tilespmem:v56+s13+$0x0], $0xffff  }
0x228: {  	v37 =	vor.u32 $0x1B, v1;
	s22 =	sor.u32 s31, s20;
	v10 =	vld.idx.msk [tilespmem:v10+s13+$0x0], $0xffff;
	[tilespmem:s18+$0x0] =	vst v4  }
0x229: {  	v4 =	vld.idx.msk [tilespmem:v31+s13+$0x0], $0xffff;
	[tilespmem:s22+$0x0] =	vst v0;
	s1 =	sor.u32 s2, s20  }
0x22a: {  	s8 =	sor.u32 $0x1A300, s25;
	s5 =	sor.u32 s30, s17;
	v0 =	vld.idx.msk [tilespmem:v32+s13+$0x0], $0xffff;
	v34 =	vor.u32 $0x19, v2;
	[tilespmem:s1+$0x0] =	vst v6  }
0x22b: {  	s9 =	sor.u32 s28, s8;
	v35 =	vor.u32 $0x19, v3;
	v6 =	vld.idx.msk [tilespmem:v11+s13+$0x0], $0xffff;
	[tilespmem:s5+$0x0] =	vst v8  }
0x22c: {  	s23 =	sor.u32 $0x1A200, s24;
	s10 =	sor.u32 s26, s4;
	[tilespmem:s9+$0x0] =	vst v36;
	v8 =	vld.idx.msk [tilespmem:v30+s13+$0x0], $0xffff  }
0x22d: {  	s6 =	sor.u32 $0x1A200, s19;
	s0 =	sor.u32 s29, s23;
	[tilespmem:s10+$0x0] =	vst v10;
	v9 =	vld.idx.msk [tilespmem:v37+s13+$0x0], $0xffff  }
0x22e: {  	s7 =	sor.u32 s31, s6;
	v10 =	vld.idx.msk [tilespmem:v26+s13+$0x0], $0xffff;
	[tilespmem:s0+$0x0] =	vst v4  }
0x22f: {  	[tilespmem:s7+$0x0] =	vst v0;
	v4 =	vld.idx.msk [tilespmem:v34+s13+$0x0], $0xffff;
	s5 =	sor.u32 s2, s6  }
0x230: {  	v38 =	vor.u32 $0x1A, v2;
	s17 =	sor.u32 $0x1A380, s25;
	s1 =	sor.u32 s30, s23;
	v0 =	vld.idx.msk [tilespmem:v35+s13+$0x0], $0xffff;
	[tilespmem:s5+$0x0] =	vst v6  }
0x231: {  	v39 =	vor.u32 $0x1A, v3;
	s18 =	sor.u32 s28, s17;
	v6 =	vld.idx.msk [tilespmem:v42+s13+$0x0], $0xffff;
	[tilespmem:s1+$0x0] =	vst v8  }
0x232: {  	s11 =	sor.u32 $0x1A280, s24;
	[tilespmem:s18+$0x0] =	vst v9;
	s20 =	sor.u32 s26, s8;
	v8 =	vld.idx.msk [tilespmem:v28+s13+$0x0], $0xffff  }
0x233: {  	s14 =	sor.u32 $0x1A280, s19;
	s12 =	sor.u32 s29, s11;
	[tilespmem:s20+$0x0] =	vst v10  }
0x234: {  	s16 =	sor.u32 s31, s14;
	[tilespmem:s12+$0x0] =	vst v4  }
0x235: {  	s4 =	sor.u32 s2, s14;
	[tilespmem:s16+$0x0] =	vst v0;
	v4 =	vld.idx.msk [tilespmem:v38+s13+$0x0], $0xffff  }
0x236: {  	s1 =	sor.u32 s30, s11;
	v0 =	vld.idx.msk [tilespmem:v39+s13+$0x0], $0xffff;
	[tilespmem:s4+$0x0] =	vst v6  }
0x237: {  	v40 =	vor.u32 $0x1B, v2;
	v6 =	vld.idx.msk [tilespmem:v29+s13+$0x0], $0xffff;
	[tilespmem:s1+$0x0] =	vst v8  }
0x238: {  	v41 =	vor.u32 $0x1B, v3;
	v44 =	vld [tilespmem:$0x1FF70]  }
0x239: {  	s22 =	sor.u32 $0x1A300, s24;
	v8 =	vld.idx.msk [tilespmem:v27+s13+$0x0], $0xffff  }
0x23a: {  	s0 =	sor.u32 $0x1A300, s19;
	s23 =	sor.u32 s29, s22  }
0x23b: {  	s6 =	sor.u32 s31, s0;
	v42 =	vld.idx.msk [tilespmem:v25+s13+$0x0], $0xffff;
	[tilespmem:s23+$0x0] =	vst v4  }
0x23c: {  	v43 =	vor.u32 $0x1C, v1;
	s7 =	sor.u32 s2, s0;
	[tilespmem:s6+$0x0] =	vst v0;
	v4 =	vld.idx.msk [tilespmem:v40+s13+$0x0], $0xffff  }
0x23d: {  	v45 =	vor.u32 $0x1C, v2;
	s1 =	sor.u32 s30, s22;
	v0 =	vld.idx.msk [tilespmem:v41+s13+$0x0], $0xffff;
	[tilespmem:s7+$0x0] =	vst v6  }
0x23e: {  	v46 =	vor.u32 $0x1C, v3;
	v6 =	vld.idx.msk [tilespmem:v33+s13+$0x0], $0xffff;
	[tilespmem:s1+$0x0] =	vst v8  }
0x23f: {  	s9 =	sor.u32 $0x1A380, s24;
	v8 =	vld.idx.msk [tilespmem:v23+s13+$0x0], $0xffff  }
0x240: {  	s10 =	sor.u32 s29, s9;
	s11 =	sor.u32 $0x1A380, s19;
	[tilespmem:s3+$0x0] =	vst v42;
	v11 =	vld.idx.msk [tilespmem:v44+s13+$0x0], $0xffff  }
0x241: {  	v47 =	vld.idx.msk [tilespmem:v43+s13+$0x0], $0xffff;
	s12 =	sor.u32 s31, s11;
	[tilespmem:s10+$0x0] =	vst v4  }
0x242: {  	v48 =	vor.u32 $0x1D, v1;
	s1 =	sor.u32 s2, s11;
	[tilespmem:s12+$0x0] =	vst v0;
	v4 =	vld.idx.msk [tilespmem:v45+s13+$0x0], $0xffff  }
0x243: {  	v49 =	vor.u32 $0x1D, v2;
	s3 =	sor.u32 s30, s9;
	v0 =	vld.idx.msk [tilespmem:v46+s13+$0x0], $0xffff;
	[tilespmem:s1+$0x0] =	vst v6  }
0x244: {  	v50 =	vor.u32 $0x1D, v3;
	s14 =	sadd.s32 $0x1A400, s25;
	s8 =	sor.u32 s26, s17;
	v6 =	vld.idx.msk [tilespmem:v21+s13+$0x0], $0xffff;
	[tilespmem:s3+$0x0] =	vst v8  }
0x245: {  	s18 =	sadd.s32 $0x1A400, s24;
	s16 =	sor.u32 s28, s14;
	v8 =	vld.idx.msk [tilespmem:v20+s13+$0x0], $0xffff;
	[tilespmem:s8+$0x0] =	vst v11  }
0x246: {  	s20 =	sor.u32 s29, s18;
	s22 =	sadd.s32 $0x1A400, s19;
	[tilespmem:s16+$0x0] =	vst v47;
	v11 =	vld.idx.msk [tilespmem:v63+s13+$0x0], $0xffff  }
0x247: {  	s23 =	sor.u32 s31, s22;
	v9 =	vld.idx.msk [tilespmem:v48+s13+$0x0], $0xffff;
	[tilespmem:s20+$0x0] =	vst v4  }
0x248: {  	v51 =	vor.u32 $0x1E, v1;
	s1 =	sor.u32 s2, s22;
	[tilespmem:s23+$0x0] =	vst v0;
	v4 =	vld.idx.msk [tilespmem:v49+s13+$0x0], $0xffff  }
0x249: {  	v52 =	vor.u32 $0x1E, v2;
	s3 =	sor.u32 s30, s18;
	v0 =	vld.idx.msk [tilespmem:v50+s13+$0x0], $0xffff;
	[tilespmem:s1+$0x0] =	vst v6  }
0x24a: {  	v53 =	vor.u32 $0x1E, v3;
	s17 =	sor.u32 s26, s14;
	s0 =	sadd.s32 $0x1A480, s25;
	v6 =	vld.idx.msk [tilespmem:v19+s13+$0x0], $0xffff;
	[tilespmem:s3+$0x0] =	vst v8  }
0x24b: {  	s5 =	sor.u32 s28, s0;
	s7 =	sadd.s32 $0x1A480, s24;
	v8 =	vld.idx.msk [tilespmem:v18+s13+$0x0], $0xffff;
	[tilespmem:s17+$0x0] =	vst v11  }
0x24c: {  	s9 =	sadd.s32 $0x1A480, s19;
	[tilespmem:s5+$0x0] =	vst v9;
	s8 =	sor.u32 s29, s7;
	v11 =	vld.idx.msk [tilespmem:v17+s13+$0x0], $0xffff  }
0x24d: {  	s10 =	sor.u32 s31, s9;
	v9 =	vld.idx.msk [tilespmem:v51+s13+$0x0], $0xffff;
	[tilespmem:s8+$0x0] =	vst v4  }
0x24e: {  	v54 =	vor.u32 $0x1F, v1;
	s1 =	sor.u32 s2, s9;
	[tilespmem:s10+$0x0] =	vst v0;
	v4 =	vld.idx.msk [tilespmem:v52+s13+$0x0], $0xffff  }
0x24f: {  	v56 =	vor.u32 $0x1F, v2;
	s3 =	sor.u32 s30, s7;
	v0 =	vld.idx.msk [tilespmem:v53+s13+$0x0], $0xffff;
	[tilespmem:s1+$0x0] =	vst v6  }
0x250: {  	v58 =	vor.u32 $0x1F, v3;
	s6 =	sor.u32 s26, s0;
	s11 =	sadd.s32 $0x1A500, s25;
	v59 =	vld.idx.msk [tilespmem:v15+s13+$0x0], $0xffff;
	[tilespmem:s3+$0x0] =	vst v8  }
0x251: {  	s16 =	sadd.s32 $0x1A500, s24;
	s12 =	sor.u32 s28, s11;
	v57 =	vld.idx.msk [tilespmem:v16+s13+$0x0], $0xffff;
	[tilespmem:s6+$0x0] =	vst v11  }
0x252: {  	s18 =	sadd.s32 $0x1A500, s19;
	[tilespmem:s12+$0x0] =	vst v9;
	s17 =	sor.u32 s29, s16;
	v55 =	vld.idx.msk [tilespmem:v14+s13+$0x0], $0xffff  }
0x253: {  	s20 =	sor.u32 s31, s18;
	v1 =	vld.idx.msk [tilespmem:v54+s13+$0x0], $0xffff;
	[tilespmem:s17+$0x0] =	vst v4  }
0x254: {  	s1 =	sor.u32 s2, s18;
	[tilespmem:s20+$0x0] =	vst v0;
	v2 =	vld.idx.msk [tilespmem:v56+s13+$0x0], $0xffff  }
0x255: {  	s3 =	sor.u32 s30, s16;
	v0 =	vld.idx.msk [tilespmem:v58+s13+$0x0], $0xffff;
	[tilespmem:s1+$0x0] =	vst v59  }
0x256: {  	s14 =	sor.u32 s26, s11;
	s22 =	sadd.s32 $0x1A580, s25;
	v63 =	vld.idx.msk [tilespmem:v22+s13+$0x0], $0xffff;
	[tilespmem:s3+$0x0] =	vst v57  }
0x257: {  	s25 =	sor.u32 s26, s22;
	s26 =	sadd.s32 $0x1A580, s24;
	s23 =	sor.u32 s28, s22;
	v61 =	vld.idx.msk [tilespmem:v13+s13+$0x0], $0xffff;
	[tilespmem:s14+$0x0] =	vst v55  }
0x258: {  	s28 =	sor.u32 s29, s26;
	[tilespmem:s23+$0x0] =	vst v1;
	s29 =	sadd.s32 $0x1A580, s19;
	v60 =	vld.idx.msk [tilespmem:v12+s13+$0x0], $0xffff  }
0x259: {  	s3 =	sor.u32 s30, s26;
	s30 =	sor.u32 s31, s29;
	[tilespmem:s28+$0x0] =	vst v2  }
0x25a: {  	s1 =	sor.u32 s2, s29;
	[tilespmem:s30+$0x0] =	vst v0  }
0x25b: {  	[tilespmem:s1+$0x0] =	vst v63  }
0x25c: {  	[tilespmem:s3+$0x0] =	vst v61  }
0x25d: {  	s31 =	simm.s32 $0x2;
	[tilespmem:s25+$0x0] =	vst v60  }
0x25e: {  	_ =	swait.ge [sflag:s31], $0x8000  }
0x25f: {  	s18 =	rddreg [dreg:$0xc]  }
0x260: {  	p0 =	seq.s32 s18, $0x31  }
.Ltmp7:
0x261: {  	_ = 	snop;
	(pc) =	sbr.rel @p0 .LBB2_12-.Ltmp7, $3  }
0x262: {  	_ =	sdelay $0x1  }
0x263: {  	[sflag:s31] =	ssyncset.done $0x0  }
0x264: {  	[sflag:s31] =	ssyncadd.s32 $0xFFFF8000;
	s24 =	sadd.s32 $0x1, s18  }
0x265: {  	s0 =	sshll.u32 s24, $0x9;
	s1 =	sshll.u32 s24, $0x7;
	s8 =	simm.s32 $0x0  }
0x266: {  	s0 =	sand.u32 $0xF000, s0;
	s1 =	sand.u32 $0x380, s1;
	s3 =	sand.u32 $0x1000, s8  }
0x267: {  	s30 =	sand.u32 $0x40, s8;
	s2 =	sor.u32 s1, s0;
	s31 =	sshrl.u32 s3, $0x2  }
0x268: {  	s4 =	sor.u32 $0x30, s30;
	s6 =	sadd.s32 s31, s2  }
0x269: {  	s5 =	sadd.s32 s4, s6  }
0x26a: {  	s3 =	sor.u32 $0x10, s30;
	s1 =	sor.u32 $0x20, s30;
	s7 =	sadd.s32 s30, s6;
	v1 =	vld [tilespmem:s5+$0x0]  }
0x26b: {  	s0 =	simm.s32 $0x7000;
	s10 =	sadd.s32 s3, s6;
	s9 =	sadd.s32 s1, s6;
	v2 =	vld [tilespmem:s7+$0x0]  }
0x26c: {  	s6 =	simm.s32 $0x40;
	s5 =	simm.s32 $0x0;
	v0 =	vld [tilespmem:s10+$0x0];
	s7 =	simm.s32 $0x0  }
.LBB2_10:
0x26d: {  	s10 =	sand.u32 $0x40, s6  }
0x26e: {  	s8 =	sand.u32 $0x80, s8;
	v3 =	vld [tilespmem:s9+$0x0];
	s7 =	sadd.s32 $0x800, s7;
	s5 =	sadd.s32 $0x4, s5  }
0x26f: {  	s9 =	sand.u32 $0x1000, s7;
	s8 =	sor.u32 $0x7000, s8;
	p1 =	slt.u32 s5, $0xC  }
0x270: {  	s12 =	sor.u32 $0x10, s10;
	s9 =	sshrl.u32 s9, $0x2;
	v1 =	vshrl.u32 v1, $0x2;
	s11 =	sor.u32 s4, s8  }
.Ltmp8:
0x271: {  	s4 =	sor.u32 $0x30, s10;
	s9 =	sadd.s32 s9, s2;
	v2 =	vshrl.u32 v2, $0x2;
	[tilespmem:s11+$0x0] =	vst v1;
	(pc) =	sbr.rel @p1 .LBB2_10-.Ltmp8, $4  }
0x272: {  	s11 =	sadd.s32 s10, s9;
	s10 =	sor.u32 $0x20, s10;
	s14 =	sadd.s32 s4, s9;
	[tilespmem:s0+$0x0] =	vst v2;
	v0 =	vshrl.u32 v0, $0x2  }
0x273: {  	s3 =	sor.u32 s3, s8;
	s16 =	sadd.s32 s12, s9;
	s9 =	sadd.s32 s10, s9;
	v1 =	vld [tilespmem:s14+$0x0];
	v3 =	vshrl.u32 v3, $0x2  }
0x274: {  	s8 =	sor.u32 s1, s8;
	s1 =	smov.u32 s10;
	v2 =	vld [tilespmem:s11+$0x0];
	[tilespmem:s3+$0x0] =	vst v0;
	s3 =	smov.u32 s12  }
0x275: {  	s0 =	sadd.s32 $0x40, s0;
	v0 =	vld [tilespmem:s16+$0x0];
	[tilespmem:s8+$0x0] =	vst v3;
	s8 =	smov.u32 s6;
	s6 =	sadd.s32 $0x40, s6  }
0x276: {  	s2 =	sand.u32 $0x80, s8;
	v3 =	vld [tilespmem:s9+$0x0]  }
0x277: {  	s2 =	sor.u32 $0x7000, s2  }
0x278: {  	v1 =	vshrl.u32 v1, $0x2;
	s4 =	sor.u32 s4, s2  }
0x279: {  	v2 =	vshrl.u32 v2, $0x2;
	[tilespmem:s4+$0x0] =	vst v1  }
0x27a: {  	s28 =	sor.u32 s3, s2;
	[tilespmem:s0+$0x0] =	vst v2;
	v0 =	vshrl.u32 v0, $0x2  }
0x27b: {  	s29 =	sor.u32 s1, s2;
	v63 =	vshrl.u32 v3, $0x2;
	[tilespmem:s28+$0x0] =	vst v0  }
0x27c: {  	[tilespmem:s29+$0x0] =	vst v63  }
0x27d: {  	s30 =	simm.s32 $0x100;
	s31 =	simm.s32 $0x7000;
	s0 =	rddreg [dreg:$0x8]  }
0x27e: {  	[tilespmem:s13], [sflag:$0x1] =	stream.indirect.gather [hbm4b:s0+s30], $0x80, s31, s30, $0xb8;
	[tilespmem:$0x1B200] =	vst v63  }
.LBB2_12:
0x27f: {  	s0 =	simm.s32 $0x880  }
0x280: {  	s1 =	simm.s32 $0x110;
	s2 =	sand.u32 $0xC00, s0  }
0x281: {  	s3 =	sand.u32 $0x70, s1;
	s20 =	sadd.s32 s2, s21  }
0x282: {  	s1 =	sadd.s32 s3, s20  }
0x283: {  	v0 =	vld [tilespmem:s1+$0x0];
	_ =	sdelay $0x1  }
0x284: {  	s22 =	simm.s32 $0x0  }
0x285: {  	s5 =	simm.s32 $0x10;
	s4 =	sand.u32 $0x400, s22  }
0x286: {  	v1 =	vmov s5;
	s6 =	sor.u32 $0x800, s4  }
0x287: {  	s23 =	sand.u32 $0x60, s22;
	v1 =	vshll.u32 v1, $0x7;
	s7 =	sadd.s32 s6, s21;
	v0 =	vshll.u32 v0, $0x5  }
0x288: {  	v1 =	vor.u32 v62, v1;
	s7 =	sadd.s32 s23, s7;
	v0 =	vand.u32 $0x60, v0  }
0x289: {  	v2 =	vld [tilespmem:s7+$0x0];
	v5 =	vor.u32 v1, v0;
	_ =	sdelay $0x3  }
0x28a: {  	v0 =	vmov s22  }
0x28b: {  	v1 =	vshll.u32 v2, $0x5;
	v0 =	vshll.u32 v0, $0x7;
	v2 =	vld.idx.msk [tilespmem:v5+s15+$0x0], $0xffff  }
0x28c: {  	v1 =	vand.u32 $0x60, v1;
	v3 =	vor.u32 $0x1, v5;
	v0 =	vor.u32 v62, v0  }
0x28d: {  	v4 =	vor.u32 v0, v1;
	_ =	sdelay $0x1  }
0x28e: {  	s19 =	sor.u32 s3, s2  }
0x28f: {  	[tilespmem:s19+$0x17200] =	vst v2  }
0x290: {  	v0 =	vld.idx.msk [tilespmem:v3+s15+$0x0], $0xffff  }
0x291: {  	v1 =	vld.idx.msk [tilespmem:v4+s15+$0x0], $0xffff;
	v2 =	vor.u32 $0x2, v5  }
0x292: {  	v3 =	vor.u32 $0x1, v4;
	_ =	sdelay $0x2  }
0x293: {  	s25 =	sor.u32 s23, s6;
	[tilespmem:s19+$0x17280] =	vst v0  }
0x294: {  	[tilespmem:s25+$0x17200] =	vst v1;
	v0 =	vld.idx.msk [tilespmem:v2+s15+$0x0], $0xffff  }
0x295: {  	v1 =	vld.idx.msk [tilespmem:v3+s15+$0x0], $0xffff;
	v2 =	vor.u32 $0x3, v5  }
0x296: {  	v3 =	vor.u32 $0x2, v4;
	_ =	sdelay $0x2  }
0x297: {  	s25 =	sor.u32 s23, s4;
	[tilespmem:s19+$0x17300] =	vst v0  }
0x298: {  	[tilespmem:s25+$0x17A80] =	vst v1;
	v0 =	vld.idx.msk [tilespmem:v2+s15+$0x0], $0xffff  }
0x299: {  	v1 =	vld.idx.msk [tilespmem:v3+s15+$0x0], $0xffff;
	v2 =	vor.u32 $0x4, v5  }
0x29a: {  	v3 =	vor.u32 $0x3, v4;
	_ =	sdelay $0x2  }
0x29b: {  	[tilespmem:s19+$0x17380] =	vst v0  }
0x29c: {  	[tilespmem:s25+$0x17B00] =	vst v1;
	v0 =	vld.idx.msk [tilespmem:v2+s15+$0x0], $0xffff  }
0x29d: {  	v1 =	vld.idx.msk [tilespmem:v3+s15+$0x0], $0xffff;
	v2 =	vor.u32 $0x5, v5  }
0x29e: {  	v3 =	vor.u32 $0x4, v4;
	_ =	sdelay $0x2  }
0x29f: {  	[tilespmem:s19+$0x17400] =	vst v0  }
0x2a0: {  	[tilespmem:s25+$0x17B80] =	vst v1;
	v0 =	vld.idx.msk [tilespmem:v2+s15+$0x0], $0xffff  }
0x2a1: {  	v1 =	vld.idx.msk [tilespmem:v3+s15+$0x0], $0xffff;
	v2 =	vor.u32 $0x6, v5  }
0x2a2: {  	v3 =	vor.u32 $0x5, v4;
	_ =	sdelay $0x2  }
0x2a3: {  	[tilespmem:s19+$0x17480] =	vst v0  }
0x2a4: {  	[tilespmem:s25+$0x17C00] =	vst v1;
	v0 =	vld.idx.msk [tilespmem:v2+s15+$0x0], $0xffff  }
0x2a5: {  	v1 =	vld.idx.msk [tilespmem:v3+s15+$0x0], $0xffff;
	v2 =	vor.u32 $0x7, v5  }
0x2a6: {  	v3 =	vor.u32 $0x6, v4;
	_ =	sdelay $0x2  }
0x2a7: {  	s3 =	simm.s32 $0x980;
	[tilespmem:s19+$0x17500] =	vst v0  }
0x2a8: {  	s26 =	simm.s32 $0x130;
	s29 =	sand.u32 $0xC00, s3;
	[tilespmem:s25+$0x17C80] =	vst v1;
	v0 =	vld.idx.msk [tilespmem:v2+s15+$0x0], $0xffff  }
0x2a9: {  	s2 =	sand.u32 $0x70, s26;
	s30 =	sadd.s32 s29, s21;
	v1 =	vld.idx.msk [tilespmem:v3+s15+$0x0], $0xffff;
	v2 =	vor.u32 $0x8, v5  }
0x2aa: {  	s4 =	sadd.s32 s2, s30;
	v3 =	vor.u32 $0x7, v4  }
0x2ab: {  	s31 =	simm.s32 $0x100;
	s0 =	sor.u32 s0, s22;
	v6 =	vld [tilespmem:s4+$0x0]  }
0x2ac: {  	s0 =	sor.u32 $0x310, s0;
	s7 =	sand.u32 $0x400, s31  }
0x2ad: {  	s9 =	simm.s32 $0x20;
	s6 =	sor.u32 $0x800, s7;
	[tilespmem:s0+$0x17200] =	vst v0  }
0x2ae: {  	s8 =	simm.s32 $0x30;
	s10 =	sand.u32 $0x60, s9;
	s11 =	sadd.s32 s6, s21;
	[tilespmem:s25+$0x17D00] =	vst v1;
	v0 =	vld.idx.msk [tilespmem:v2+s15+$0x0], $0xffff  }
0x2af: {  	v1 =	vmov s8;
	s0 =	sadd.s32 s10, s11;
	v2 =	vld.idx.msk [tilespmem:v3+s15+$0x0], $0xffff;
	v3 =	vor.u32 $0x9, v5  }
0x2b0: {  	v7 =	vor.u32 $0x8, v4;
	v6 =	vshll.u32 v6, $0x5;
	v1 =	vshll.u32 v1, $0x7;
	v8 =	vld [tilespmem:s0+$0x0]  }
0x2b1: {  	v6 =	vand.u32 $0x60, v6;
	v1 =	vor.u32 v62, v1  }
0x2b2: {  	v1 =	vor.u32 v1, v6  }
0x2b3: {  	[tilespmem:s19+$0x18200] =	vst v0  }
0x2b4: {  	v0 =	vmov s9;
	[tilespmem:s25+$0x17D80] =	vst v2;
	v2 =	vld.idx.msk [tilespmem:v3+s15+$0x0], $0xffff  }
0x2b5: {  	v6 =	vshll.u32 v8, $0x5;
	v0 =	vshll.u32 v0, $0x7;
	v3 =	vld.idx.msk [tilespmem:v7+s15+$0x0], $0xffff;
	v7 =	vor.u32 $0xA, v5  }
0x2b6: {  	v9 =	vor.u32 $0x9, v4;
	v6 =	vand.u32 $0x60, v6;
	v0 =	vor.u32 v62, v0  }
0x2b7: {  	v8 =	vor.u32 v0, v6;
	v0 =	vld.idx.msk [tilespmem:v1+s15+$0x0], $0xffff  }
0x2b8: {  	v6 =	vor.u32 $0x1, v1  }
0x2b9: {  	[tilespmem:s19+$0x18280] =	vst v2  }
0x2ba: {  	[tilespmem:s25+$0x18A00] =	vst v3;
	v2 =	vld.idx.msk [tilespmem:v7+s15+$0x0], $0xffff  }
0x2bb: {  	s0 =	sor.u32 s2, s29;
	v3 =	vld.idx.msk [tilespmem:v9+s15+$0x0], $0xffff;
	v7 =	vor.u32 $0xB, v5  }
0x2bc: {  	v9 =	vor.u32 $0xA, v4;
	v10 =	vld.idx.msk [tilespmem:v8+s15+$0x0], $0xffff;
	[tilespmem:s0+$0x17200] =	vst v0  }
0x2bd: {  	v0 =	vor.u32 $0x1, v8;
	v6 =	vld.idx.msk [tilespmem:v6+s15+$0x0], $0xffff  }
0x2be: {  	v11 =	vor.u32 $0x2, v1  }
0x2bf: {  	[tilespmem:s19+$0x18300] =	vst v2  }
0x2c0: {  	s12 =	sor.u32 s10, s6;
	[tilespmem:s25+$0x18A80] =	vst v3;
	v2 =	vld.idx.msk [tilespmem:v7+s15+$0x0], $0xffff  }
0x2c1: {  	v3 =	vld.idx.msk [tilespmem:v9+s15+$0x0], $0xffff;
	[tilespmem:s12+$0x17200] =	vst v10;
	v7 =	vor.u32 $0xC, v5  }
0x2c2: {  	v9 =	vor.u32 $0xB, v4;
	v0 =	vld.idx.msk [tilespmem:v0+s15+$0x0], $0xffff;
	[tilespmem:s0+$0x17280] =	vst v6  }
0x2c3: {  	v6 =	vor.u32 $0x2, v8;
	v10 =	vld.idx.msk [tilespmem:v11+s15+$0x0], $0xffff  }
0x2c4: {  	v11 =	vor.u32 $0x3, v1  }
0x2c5: {  	[tilespmem:s19+$0x18380] =	vst v2  }
0x2c6: {  	s2 =	sor.u32 s10, s7;
	[tilespmem:s25+$0x18B00] =	vst v3;
	v2 =	vld.idx.msk [tilespmem:v7+s15+$0x0], $0xffff  }
0x2c7: {  	v3 =	vld.idx.msk [tilespmem:v9+s15+$0x0], $0xffff;
	[tilespmem:s2+$0x17A80] =	vst v0;
	v0 =	vor.u32 $0xD, v5  }
0x2c8: {  	v7 =	vor.u32 $0xC, v4;
	v6 =	vld.idx.msk [tilespmem:v6+s15+$0x0], $0xffff;
	[tilespmem:s0+$0x17300] =	vst v10  }
0x2c9: {  	v9 =	vor.u32 $0x3, v8;
	v10 =	vld.idx.msk [tilespmem:v11+s15+$0x0], $0xffff  }
0x2ca: {  	v11 =	vor.u32 $0x4, v1  }
0x2cb: {  	[tilespmem:s19+$0x18400] =	vst v2  }
0x2cc: {  	[tilespmem:s25+$0x18B80] =	vst v3;
	v0 =	vld.idx.msk [tilespmem:v0+s15+$0x0], $0xffff  }
0x2cd: {  	v3 =	vor.u32 $0xE, v5;
	v2 =	vld.idx.msk [tilespmem:v7+s15+$0x0], $0xffff;
	[tilespmem:s2+$0x17B00] =	vst v6  }
0x2ce: {  	v6 =	vor.u32 $0xD, v4;
	v7 =	vld.idx.msk [tilespmem:v9+s15+$0x0], $0xffff;
	[tilespmem:s0+$0x17380] =	vst v10  }
0x2cf: {  	v9 =	vor.u32 $0x4, v8;
	v10 =	vld.idx.msk [tilespmem:v11+s15+$0x0], $0xffff  }
0x2d0: {  	v11 =	vor.u32 $0x5, v1  }
0x2d1: {  	[tilespmem:s19+$0x18480] =	vst v0  }
0x2d2: {  	[tilespmem:s25+$0x18C00] =	vst v2;
	v0 =	vld.idx.msk [tilespmem:v3+s15+$0x0], $0xffff  }
0x2d3: {  	v2 =	vld.idx.msk [tilespmem:v6+s15+$0x0], $0xffff;
	[tilespmem:s2+$0x17B80] =	vst v7;
	v3 =	vor.u32 $0xF, v5  }
0x2d4: {  	v6 =	vor.u32 $0xE, v4;
	v7 =	vld.idx.msk [tilespmem:v9+s15+$0x0], $0xffff;
	[tilespmem:s0+$0x17400] =	vst v10  }
0x2d5: {  	v9 =	vor.u32 $0x5, v8;
	v10 =	vld.idx.msk [tilespmem:v11+s15+$0x0], $0xffff  }
0x2d6: {  	v11 =	vor.u32 $0x6, v1  }
0x2d7: {  	[tilespmem:s19+$0x18500] =	vst v0  }
0x2d8: {  	[tilespmem:s25+$0x18C80] =	vst v2;
	v0 =	vld.idx.msk [tilespmem:v3+s15+$0x0], $0xffff  }
0x2d9: {  	v2 =	vld.idx.msk [tilespmem:v6+s15+$0x0], $0xffff;
	[tilespmem:s2+$0x17C00] =	vst v7;
	v3 =	vor.u32 $0x10, v5  }
0x2da: {  	v6 =	vor.u32 $0xF, v4;
	v7 =	vld.idx.msk [tilespmem:v9+s15+$0x0], $0xffff;
	[tilespmem:s0+$0x17480] =	vst v10  }
0x2db: {  	v9 =	vor.u32 $0x6, v8;
	v10 =	vld.idx.msk [tilespmem:v11+s15+$0x0], $0xffff  }
0x2dc: {  	v11 =	vor.u32 $0x7, v1  }
0x2dd: {  	[tilespmem:s19+$0x18580] =	vst v0  }
0x2de: {  	[tilespmem:s25+$0x18D00] =	vst v2;
	v0 =	vld.idx.msk [tilespmem:v3+s15+$0x0], $0xffff  }
0x2df: {  	s1 =	simm.s32 $0xA80;
	v2 =	vld.idx.msk [tilespmem:v6+s15+$0x0], $0xffff;
	[tilespmem:s2+$0x17C80] =	vst v7;
	v3 =	vor.u32 $0x11, v5  }
0x2e0: {  	s14 =	simm.s32 $0x150;
	s16 =	sand.u32 $0xC00, s1;
	v6 =	vor.u32 $0x10, v4;
	v7 =	vld.idx.msk [tilespmem:v9+s15+$0x0], $0xffff;
	[tilespmem:s0+$0x17500] =	vst v10  }
0x2e1: {  	s17 =	sand.u32 $0x70, s14;
	s20 =	sadd.s32 s16, s21;
	v9 =	vor.u32 $0x7, v8;
	v10 =	vld.idx.msk [tilespmem:v11+s15+$0x0], $0xffff  }
0x2e2: {  	s5 =	sadd.s32 s17, s20;
	v11 =	vor.u32 $0x8, v1  }
0x2e3: {  	s22 =	simm.s32 $0x200;
	[tilespmem:s19+$0x19200] =	vst v0;
	v0 =	vld [tilespmem:s5+$0x0]  }
0x2e4: {  	s3 =	sor.u32 s3, s9;
	s23 =	sand.u32 $0x400, s22;
	[tilespmem:s25+$0x18D80] =	vst v2;
	v2 =	vld.idx.msk [tilespmem:v3+s15+$0x0], $0xffff  }
0x2e5: {  	s29 =	simm.s32 $0x40;
	s7 =	sor.u32 $0x800, s23;
	s9 =	sor.u32 $0x310, s3;
	v3 =	vld.idx.msk [tilespmem:v6+s15+$0x0], $0xffff;
	[tilespmem:s2+$0x17D00] =	vst v7;
	v6 =	vor.u32 $0x12, v5  }
0x2e6: {  	s31 =	simm.s32 $0x50;
	s30 =	sand.u32 $0x60, s29;
	s10 =	sadd.s32 s7, s21;
	v7 =	vor.u32 $0x11, v4;
	v9 =	vld.idx.msk [tilespmem:v9+s15+$0x0], $0xffff;
	[tilespmem:s9+$0x17200] =	vst v10  }
0x2e7: {  	v12 =	vmov s31;
	s10 =	sadd.s32 s30, s10;
	v10 =	vor.u32 $0x8, v8;
	v11 =	vld.idx.msk [tilespmem:v11+s15+$0x0], $0xffff  }
0x2e8: {  	v12 =	vshll.u32 v12, $0x7;
	v14 =	vor.u32 $0x9, v1;
	v13 =	vld [tilespmem:s10+$0x0];
	v0 =	vshll.u32 v0, $0x5  }
0x2e9: {  	[tilespmem:s19+$0x19280] =	vst v2;
	v0 =	vand.u32 $0x60, v0;
	v2 =	vor.u32 v62, v12  }
0x2ea: {  	[tilespmem:s25+$0x19A00] =	vst v3;
	v3 =	vld.idx.msk [tilespmem:v6+s15+$0x0], $0xffff;
	v2 =	vor.u32 v2, v0  }
0x2eb: {  	v0 =	vld.idx.msk [tilespmem:v7+s15+$0x0], $0xffff;
	[tilespmem:s2+$0x17D80] =	vst v9;
	v6 =	vor.u32 $0x13, v5  }
0x2ec: {  	v7 =	vor.u32 $0x12, v4;
	v9 =	vmov s29;
	v10 =	vld.idx.msk [tilespmem:v10+s15+$0x0], $0xffff;
	[tilespmem:s0+$0x18200] =	vst v11  }
0x2ed: {  	v12 =	vshll.u32 v13, $0x5;
	v11 =	vor.u32 $0x9, v8;
	v9 =	vshll.u32 v9, $0x7;
	v13 =	vld.idx.msk [tilespmem:v14+s15+$0x0], $0xffff  }
0x2ee: {  	v12 =	vand.u32 $0x60, v12;
	v9 =	vor.u32 v62, v9;
	v14 =	vor.u32 $0xA, v1  }
0x2ef: {  	v17 =	vor.u32 v9, v12;
	v9 =	vld.idx.msk [tilespmem:v2+s15+$0x0], $0xffff;
	[tilespmem:s19+$0x19300] =	vst v3  }
0x2f0: {  	[tilespmem:s25+$0x19A80] =	vst v0;
	v0 =	vld.idx.msk [tilespmem:v6+s15+$0x0], $0xffff  }
0x2f1: {  	v3 =	vor.u32 $0x1, v2;
	[tilespmem:s2+$0x18A00] =	vst v10;
	v6 =	vld.idx.msk [tilespmem:v7+s15+$0x0], $0xffff  }
0x2f2: {  	v7 =	vor.u32 $0x14, v5;
	v11 =	vld.idx.msk [tilespmem:v11+s15+$0x0], $0xffff;
	[tilespmem:s0+$0x18280] =	vst v13  }
0x2f3: {  	v10 =	vor.u32 $0x13, v4;
	v13 =	vld.idx.msk [tilespmem:v14+s15+$0x0], $0xffff  }
0x2f4: {  	s26 =	sor.u32 s17, s16;
	v12 =	vor.u32 $0xA, v8;
	v14 =	vld.idx.msk [tilespmem:v17+s15+$0x0], $0xffff  }
0x2f5: {  	v15 =	vor.u32 $0x1, v17;
	[tilespmem:s26+$0x17200] =	vst v9  }
0x2f6: {  	v9 =	vor.u32 $0xB, v1;
	v3 =	vld.idx.msk [tilespmem:v3+s15+$0x0], $0xffff;
	[tilespmem:s19+$0x19380] =	vst v0  }
0x2f7: {  	[tilespmem:s25+$0x19B00] =	vst v6;
	v6 =	vor.u32 $0x2, v2;
	v0 =	vld.idx.msk [tilespmem:v7+s15+$0x0], $0xffff  }
0x2f8: {  	s11 =	sor.u32 s30, s7;
	[tilespmem:s2+$0x18A80] =	vst v11;
	v7 =	vld.idx.msk [tilespmem:v10+s15+$0x0], $0xffff;
	v10 =	vor.u32 $0x15, v5  }
0x2f9: {  	v11 =	vor.u32 $0x14, v4;
	v12 =	vld.idx.msk [tilespmem:v12+s15+$0x0], $0xffff;
	[tilespmem:s11+$0x17200] =	vst v14  }
0x2fa: {  	[tilespmem:s0+$0x18300] =	vst v13;
	v13 =	vor.u32 $0xB, v8;
	v14 =	vld.idx.msk [tilespmem:v15+s15+$0x0], $0xffff  }
0x2fb: {  	v15 =	vor.u32 $0x2, v17;
	v9 =	vld.idx.msk [tilespmem:v9+s15+$0x0], $0xffff;
	[tilespmem:s26+$0x17280] =	vst v3  }
0x2fc: {  	v3 =	vor.u32 $0xC, v1;
	v6 =	vld.idx.msk [tilespmem:v6+s15+$0x0], $0xffff;
	[tilespmem:s19+$0x19400] =	vst v0  }
0x2fd: {  	[tilespmem:s25+$0x19B80] =	vst v7;
	v7 =	vor.u32 $0x3, v2;
	v0 =	vld.idx.msk [tilespmem:v10+s15+$0x0], $0xffff  }
0x2fe: {  	s28 =	sor.u32 s30, s23;
	[tilespmem:s2+$0x18B00] =	vst v12;
	v10 =	vld.idx.msk [tilespmem:v11+s15+$0x0], $0xffff;
	v11 =	vor.u32 $0x16, v5  }
0x2ff: {  	v12 =	vor.u32 $0x15, v4;
	v13 =	vld.idx.msk [tilespmem:v13+s15+$0x0], $0xffff;
	[tilespmem:s28+$0x17A80] =	vst v14  }
0x300: {  	[tilespmem:s0+$0x18380] =	vst v9;
	v9 =	vor.u32 $0xC, v8;
	v14 =	vld.idx.msk [tilespmem:v15+s15+$0x0], $0xffff  }
0x301: {  	v15 =	vor.u32 $0x3, v17;
	v3 =	vld.idx.msk [tilespmem:v3+s15+$0x0], $0xffff;
	[tilespmem:s26+$0x17300] =	vst v6  }
0x302: {  	v6 =	vor.u32 $0xD, v1;
	v7 =	vld.idx.msk [tilespmem:v7+s15+$0x0], $0xffff;
	[tilespmem:s19+$0x19480] =	vst v0  }
0x303: {  	[tilespmem:s25+$0x19C00] =	vst v10;
	v10 =	vor.u32 $0x4, v2;
	v0 =	vld.idx.msk [tilespmem:v11+s15+$0x0], $0xffff  }
0x304: {  	[tilespmem:s2+$0x18B80] =	vst v13;
	v11 =	vld.idx.msk [tilespmem:v12+s15+$0x0], $0xffff;
	v12 =	vor.u32 $0x17, v5  }
0x305: {  	v13 =	vor.u32 $0x16, v4;
	v9 =	vld.idx.msk [tilespmem:v9+s15+$0x0], $0xffff;
	[tilespmem:s28+$0x17B00] =	vst v14  }
0x306: {  	[tilespmem:s0+$0x18400] =	vst v3;
	v3 =	vor.u32 $0xD, v8;
	v14 =	vld.idx.msk [tilespmem:v15+s15+$0x0], $0xffff  }
0x307: {  	v15 =	vor.u32 $0x4, v17;
	v6 =	vld.idx.msk [tilespmem:v6+s15+$0x0], $0xffff;
	[tilespmem:s26+$0x17380] =	vst v7  }
0x308: {  	v7 =	vor.u32 $0xE, v1;
	v10 =	vld.idx.msk [tilespmem:v10+s15+$0x0], $0xffff;
	[tilespmem:s19+$0x19500] =	vst v0  }
0x309: {  	[tilespmem:s25+$0x19C80] =	vst v11;
	v11 =	vor.u32 $0x5, v2;
	v0 =	vld.idx.msk [tilespmem:v12+s15+$0x0], $0xffff  }
0x30a: {  	[tilespmem:s2+$0x18C00] =	vst v9;
	v9 =	vld.idx.msk [tilespmem:v13+s15+$0x0], $0xffff;
	v12 =	vor.u32 $0x18, v5  }
0x30b: {  	v13 =	vor.u32 $0x17, v4;
	v3 =	vld.idx.msk [tilespmem:v3+s15+$0x0], $0xffff;
	[tilespmem:s28+$0x17B80] =	vst v14  }
0x30c: {  	[tilespmem:s0+$0x18480] =	vst v6;
	v6 =	vor.u32 $0xE, v8;
	v14 =	vld.idx.msk [tilespmem:v15+s15+$0x0], $0xffff  }
0x30d: {  	v15 =	vor.u32 $0x5, v17;
	v7 =	vld.idx.msk [tilespmem:v7+s15+$0x0], $0xffff;
	[tilespmem:s26+$0x17400] =	vst v10  }
0x30e: {  	v10 =	vor.u32 $0xF, v1;
	v11 =	vld.idx.msk [tilespmem:v11+s15+$0x0], $0xffff;
	[tilespmem:s19+$0x19580] =	vst v0  }
0x30f: {  	[tilespmem:s25+$0x19D00] =	vst v9;
	v9 =	vor.u32 $0x6, v2;
	v0 =	vld.idx.msk [tilespmem:v12+s15+$0x0], $0xffff  }
0x310: {  	[tilespmem:s2+$0x18C80] =	vst v3;
	v3 =	vld.idx.msk [tilespmem:v13+s15+$0x0], $0xffff;
	v12 =	vor.u32 $0x19, v5  }
0x311: {  	v13 =	vor.u32 $0x18, v4;
	v6 =	vld.idx.msk [tilespmem:v6+s15+$0x0], $0xffff;
	[tilespmem:s28+$0x17C00] =	vst v14  }
0x312: {  	[tilespmem:s0+$0x18500] =	vst v7;
	v7 =	vor.u32 $0xF, v8;
	v14 =	vld.idx.msk [tilespmem:v15+s15+$0x0], $0xffff  }
0x313: {  	v15 =	vor.u32 $0x6, v17;
	v10 =	vld.idx.msk [tilespmem:v10+s15+$0x0], $0xffff;
	[tilespmem:s26+$0x17480] =	vst v11  }
0x314: {  	v11 =	vor.u32 $0x10, v1;
	v9 =	vld.idx.msk [tilespmem:v9+s15+$0x0], $0xffff;
	[tilespmem:s19+$0x1A200] =	vst v0  }
0x315: {  	[tilespmem:s25+$0x19D80] =	vst v3;
	v3 =	vor.u32 $0x7, v2;
	v0 =	vld.idx.msk [tilespmem:v12+s15+$0x0], $0xffff  }
0x316: {  	[tilespmem:s2+$0x18D00] =	vst v6;
	v6 =	vld.idx.msk [tilespmem:v13+s15+$0x0], $0xffff;
	v12 =	vor.u32 $0x1A, v5  }
0x317: {  	v13 =	vor.u32 $0x19, v4;
	v7 =	vld.idx.msk [tilespmem:v7+s15+$0x0], $0xffff;
	[tilespmem:s28+$0x17C80] =	vst v14  }
0x318: {  	[tilespmem:s0+$0x18580] =	vst v10;
	v10 =	vor.u32 $0x10, v8;
	v14 =	vld.idx.msk [tilespmem:v15+s15+$0x0], $0xffff  }
0x319: {  	v11 =	vld.idx.msk [tilespmem:v11+s15+$0x0], $0xffff;
	[tilespmem:s26+$0x17500] =	vst v9  }
0x31a: {  	s3 =	simm.s32 $0xB80;
	v9 =	vor.u32 $0x11, v1;
	v3 =	vld.idx.msk [tilespmem:v3+s15+$0x0], $0xffff;
	[tilespmem:s19+$0x1A280] =	vst v0  }
0x31b: {  	s17 =	simm.s32 $0x300;
	s14 =	sand.u32 $0xC00, s3;
	s12 =	simm.s32 $0x170;
	[tilespmem:s25+$0x1AA00] =	vst v6;
	v6 =	vld.idx.msk [tilespmem:v12+s15+$0x0], $0xffff  }
0x31c: {  	s20 =	sand.u32 $0x400, s17;
	s16 =	sadd.s32 s14, s21;
	s6 =	sand.u32 $0x70, s12;
	v0 =	vor.u32 $0x7, v17;
	[tilespmem:s2+$0x18D80] =	vst v7;
	v7 =	vld.idx.msk [tilespmem:v13+s15+$0x0], $0xffff  }
0x31d: {  	s22 =	sor.u32 $0x800, s20;
	s10 =	simm.s32 $0x60;
	s7 =	sadd.s32 s6, s16;
	v12 =	vor.u32 $0x8, v2;
	v10 =	vld.idx.msk [tilespmem:v10+s15+$0x0], $0xffff  }
0x31e: {  	s4 =	sor.u32 s1, s29;
	s23 =	sand.u32 $0x60, s10;
	s29 =	sadd.s32 s22, s21;
	v13 =	vor.u32 $0x1B, v5;
	[tilespmem:s0+$0x19200] =	vst v11;
	v11 =	vld [tilespmem:s7+$0x0]  }
0x31f: {  	s4 =	sor.u32 $0x310, s4;
	s8 =	sadd.s32 s23, s29;
	v15 =	vor.u32 $0x11, v8;
	[tilespmem:s28+$0x17D00] =	vst v14;
	v9 =	vld.idx.msk [tilespmem:v9+s15+$0x0], $0xffff  }
0x320: {  	v18 =	vld [tilespmem:s8+$0x0];
	[tilespmem:s4+$0x17200] =	vst v3;
	v3 =	vor.u32 $0x12, v1  }
0x321: {  	s30 =	simm.s32 $0x70;
	v14 =	vor.u32 $0x1A, v4;
	v0 =	vld.idx.msk [tilespmem:v0+s15+$0x0], $0xffff  }
0x322: {  	v16 =	vmov s30;
	v12 =	vld.idx.msk [tilespmem:v12+s15+$0x0], $0xffff;
	[tilespmem:s19+$0x1A300] =	vst v6;
	v6 =	vor.u32 $0x8, v17  }
0x323: {  	v19 =	vor.u32 $0x9, v2;
	v13 =	vld.idx.msk [tilespmem:v13+s15+$0x0], $0xffff;
	[tilespmem:s2+$0x19A00] =	vst v10;
	v10 =	vshll.u32 v11, $0x5;
	v11 =	vshll.u32 v16, $0x7  }
0x324: {  	v15 =	vld.idx.msk [tilespmem:v15+s15+$0x0], $0xffff;
	[tilespmem:s0+$0x19280] =	vst v9;
	v9 =	vor.u32 $0x1C, v5;
	v10 =	vand.u32 $0x60, v10;
	v11 =	vor.u32 v62, v11  }
0x325: {  	[tilespmem:s25+$0x1AA80] =	vst v7;
	v7 =	vld.idx.msk [tilespmem:v3+s15+$0x0], $0xffff;
	v3 =	vor.u32 v11, v10  }
0x326: {  	[tilespmem:s28+$0x17D80] =	vst v0;
	v0 =	vld.idx.msk [tilespmem:v14+s15+$0x0], $0xffff;
	v10 =	vor.u32 $0x13, v1  }
0x327: {  	v11 =	vor.u32 $0x12, v8;
	v6 =	vld.idx.msk [tilespmem:v6+s15+$0x0], $0xffff;
	[tilespmem:s26+$0x18200] =	vst v12  }
0x328: {  	v14 =	vmov s10;
	v12 =	vor.u32 $0x9, v17;
	v16 =	vld.idx.msk [tilespmem:v19+s15+$0x0], $0xffff;
	[tilespmem:s19+$0x1A380] =	vst v13  }
0x329: {  	v13 =	vshll.u32 v14, $0x7;
	v14 =	vshll.u32 v18, $0x5;
	v18 =	vor.u32 $0xA, v2;
	[tilespmem:s2+$0x19A80] =	vst v15;
	v9 =	vld.idx.msk [tilespmem:v9+s15+$0x0], $0xffff  }
0x32a: {  	v13 =	vor.u32 v62, v13;
	v14 =	vand.u32 $0x60, v14;
	v19 =	vld.idx.msk [tilespmem:v3+s15+$0x0], $0xffff;
	[tilespmem:s0+$0x19300] =	vst v7;
	v7 =	vor.u32 $0x1D, v5  }
0x32b: {  	v28 =	vor.u32 v13, v14;
	[tilespmem:s25+$0x1AB00] =	vst v0;
	v10 =	vld.idx.msk [tilespmem:v10+s15+$0x0], $0xffff  }
0x32c: {  	v13 =	vor.u32 $0x1, v3;
	[tilespmem:s28+$0x18A00] =	vst v6;
	v6 =	vld.idx.msk [tilespmem:v11+s15+$0x0], $0xffff  }
0x32d: {  	v11 =	vld.idx.msk [tilespmem:v12+s15+$0x0], $0xffff;
	[tilespmem:s26+$0x18280] =	vst v16;
	v12 =	vor.u32 $0x14, v1  }
0x32e: {  	s6 =	sor.u32 s6, s14;
	v14 =	vor.u32 $0x13, v8;
	v15 =	vld.idx.msk [tilespmem:v18+s15+$0x0], $0xffff;
	[tilespmem:s19+$0x1A400] =	vst v9  }
0x32f: {  	v9 =	vor.u32 $0xA, v17;
	v0 =	vld.idx.msk [tilespmem:v7+s15+$0x0], $0xffff;
	[tilespmem:s6+$0x17200] =	vst v19  }
0x330: {  	v16 =	vor.u32 $0xB, v2;
	v7 =	vld.idx.msk [tilespmem:v28+s15+$0x0], $0xffff;
	[tilespmem:s0+$0x19380] =	vst v10  }
0x331: {  	v13 =	vld.idx.msk [tilespmem:v13+s15+$0x0], $0xffff;
	v10 =	vor.u32 $0x1E, v5;
	[tilespmem:s2+$0x19B00] =	vst v6  }
0x332: {  	v18 =	vor.u32 $0x1, v28;
	v6 =	vld.idx.msk [tilespmem:v12+s15+$0x0], $0xffff;
	[tilespmem:s28+$0x18A80] =	vst v11  }
0x333: {  	v12 =	vor.u32 $0x2, v3;
	v11 =	vld.idx.msk [tilespmem:v14+s15+$0x0], $0xffff;
	[tilespmem:s26+$0x18300] =	vst v15  }
0x334: {  	s31 =	sor.u32 s23, s22;
	v14 =	vor.u32 $0x15, v1;
	v9 =	vld.idx.msk [tilespmem:v9+s15+$0x0], $0xffff;
	[tilespmem:s19+$0x1A480] =	vst v0  }
0x335: {  	v15 =	vor.u32 $0x14, v8;
	v16 =	vld.idx.msk [tilespmem:v16+s15+$0x0], $0xffff;
	[tilespmem:s31+$0x17200] =	vst v7  }
0x336: {  	v0 =	vor.u32 $0xB, v17;
	v7 =	vld.idx.msk [tilespmem:v10+s15+$0x0], $0xffff;
	[tilespmem:s6+$0x17280] =	vst v13  }
0x337: {  	v10 =	vld.idx.msk [tilespmem:v18+s15+$0x0], $0xffff;
	v13 =	vor.u32 $0xC, v2;
	[tilespmem:s0+$0x19400] =	vst v6  }
0x338: {  	v5 =	vor.u32 $0x1F, v5;
	v12 =	vld.idx.msk [tilespmem:v12+s15+$0x0], $0xffff;
	[tilespmem:s2+$0x19B80] =	vst v11  }
0x339: {  	v6 =	vor.u32 $0x2, v28;
	v11 =	vld.idx.msk [tilespmem:v14+s15+$0x0], $0xffff;
	[tilespmem:s28+$0x18B00] =	vst v9  }
0x33a: {  	v14 =	vor.u32 $0x3, v3;
	v9 =	vld.idx.msk [tilespmem:v15+s15+$0x0], $0xffff;
	[tilespmem:s26+$0x18380] =	vst v16  }
0x33b: {  	s7 =	sor.u32 s23, s20;
	v15 =	vor.u32 $0x16, v1;
	v0 =	vld.idx.msk [tilespmem:v0+s15+$0x0], $0xffff;
	[tilespmem:s19+$0x1A500] =	vst v7  }
0x33c: {  	v16 =	vor.u32 $0x15, v8;
	v13 =	vld.idx.msk [tilespmem:v13+s15+$0x0], $0xffff;
	[tilespmem:s7+$0x17A80] =	vst v10  }
0x33d: {  	v7 =	vor.u32 $0xC, v17;
	v5 =	vld.idx.msk [tilespmem:v5+s15+$0x0], $0xffff;
	[tilespmem:s6+$0x17300] =	vst v12  }
0x33e: {  	v10 =	vor.u32 $0xD, v2;
	v6 =	vld.idx.msk [tilespmem:v6+s15+$0x0], $0xffff;
	[tilespmem:s0+$0x19480] =	vst v11  }
0x33f: {  	v12 =	vor.u32 $0x1B, v4;
	v14 =	vld.idx.msk [tilespmem:v14+s15+$0x0], $0xffff;
	[tilespmem:s2+$0x19C00] =	vst v9  }
0x340: {  	v11 =	vor.u32 $0x3, v28;
	v9 =	vld.idx.msk [tilespmem:v15+s15+$0x0], $0xffff;
	[tilespmem:s28+$0x18B80] =	vst v0  }
0x341: {  	v15 =	vor.u32 $0x4, v3;
	v0 =	vld.idx.msk [tilespmem:v16+s15+$0x0], $0xffff;
	[tilespmem:s26+$0x18400] =	vst v13  }
0x342: {  	v16 =	vld.idx.msk [tilespmem:v7+s15+$0x0], $0xffff;
	v13 =	vor.u32 $0x17, v1;
	[tilespmem:s19+$0x1A580] =	vst v5  }
0x343: {  	v10 =	vld.idx.msk [tilespmem:v10+s15+$0x0], $0xffff;
	[tilespmem:s7+$0x17B00] =	vst v6  }
0x344: {  	v21 =	vor.u32 $0x1D, v4;
	v18 =	vor.u32 $0x16, v8;
	v12 =	vld.idx.msk [tilespmem:v12+s15+$0x0], $0xffff;
	[tilespmem:s6+$0x17380] =	vst v14  }
0x345: {  	v53 =	vor.u32 $0x1E, v4;
	v25 =	vor.u32 $0x1F, v4;
	v5 =	vor.u32 $0xD, v17;
	v20 =	vld.idx.msk [tilespmem:v11+s15+$0x0], $0xffff;
	[tilespmem:s0+$0x19500] =	vst v9  }
0x346: {  	v19 =	vor.u32 $0x1C, v4;
	v4 =	vor.u32 $0x1B, v8;
	v14 =	vor.u32 $0xE, v2;
	v22 =	vld.idx.msk [tilespmem:v15+s15+$0x0], $0xffff;
	[tilespmem:s2+$0x19C80] =	vst v0  }
0x347: {  	v0 =	vld.idx.msk [tilespmem:v13+s15+$0x0], $0xffff;
	[tilespmem:$0x1FE00] =	vst v4  }
0x348: {  	[tilespmem:s28+$0x18C00] =	vst v16  }
0x349: {  	v24 =	vor.u32 $0x4, v28;
	v16 =	vld.idx.msk [tilespmem:v18+s15+$0x0], $0xffff;
	[tilespmem:s26+$0x18480] =	vst v10  }
0x34a: {  	[tilespmem:s25+$0x1AB80] =	vst v12;
	v34 =	vld.idx.msk [tilespmem:v5+s15+$0x0], $0xffff  }
0x34b: {  	v4 =	vor.u32 $0x13, v17;
	v36 =	vld.idx.msk [tilespmem:v14+s15+$0x0], $0xffff;
	[tilespmem:s7+$0x17B80] =	vst v20  }
0x34c: {  	v19 =	vld.idx.msk [tilespmem:v19+s15+$0x0], $0xffff;
	[tilespmem:$0x1FE10] =	vst v4  }
0x34d: {  	v32 =	vor.u32 $0x5, v3;
	v4 =	vor.u32 $0x14, v17;
	[tilespmem:s6+$0x17400] =	vst v22  }
0x34e: {  	v23 =	vor.u32 $0x17, v8;
	v10 =	vor.u32 $0x18, v1;
	v37 =	vld.idx.msk [tilespmem:v24+s15+$0x0], $0xffff;
	[tilespmem:$0x1FE20] =	vst v4;
	v4 =	vor.u32 $0x15, v17  }
0x34f: {  	v30 =	vor.u32 $0x18, v8;
	v26 =	vor.u32 $0x1A, v8;
	[tilespmem:$0x1FE30] =	vst v4;
	v4 =	vor.u32 $0x16, v17  }
0x350: {  	v63 =	vor.u32 $0x1C, v8;
	v11 =	vor.u32 $0x19, v8;
	v15 =	vor.u32 $0x1E, v8;
	[tilespmem:$0x1FE40] =	vst v4  }
0x351: {  	v13 =	vor.u32 $0x1F, v8;
	v18 =	vor.u32 $0x1D, v8;
	v8 =	vor.u32 $0xE, v17;
	[tilespmem:s0+$0x19580] =	vst v0  }
0x352: {  	v61 =	vor.u32 $0x19, v1;
	v38 =	vor.u32 $0xF, v2;
	v32 =	vld.idx.msk [tilespmem:v32+s15+$0x0], $0xffff;
	[tilespmem:s2+$0x19D00] =	vst v16  }
0x353: {  	v39 =	vor.u32 $0xF, v17;
	v29 =	vor.u32 $0x11, v17;
	v4 =	vor.u32 $0x1B, v17;
	[tilespmem:s28+$0x18C80] =	vst v34;
	v40 =	vld.idx.msk [tilespmem:v10+s15+$0x0], $0xffff  }
0x354: {  	v31 =	vor.u32 $0x17, v17;
	v27 =	vor.u32 $0x18, v17;
	v0 =	vor.u32 $0x5, v28;
	v23 =	vld.idx.msk [tilespmem:v23+s15+$0x0], $0xffff;
	[tilespmem:$0x1FE50] =	vst v4  }
0x355: {  	v41 =	vor.u32 $0x6, v3;
	v7 =	vor.u32 $0x10, v17;
	v9 =	vor.u32 $0x12, v17;
	[tilespmem:s26+$0x18500] =	vst v36  }
0x356: {  	v12 =	vor.u32 $0x1F, v17;
	v20 =	vor.u32 $0x1C, v17;
	v14 =	vor.u32 $0x1E, v17;
	v34 =	vld.idx.msk [tilespmem:v8+s15+$0x0], $0xffff;
	[tilespmem:s25+$0x1AC00] =	vst v19  }
0x357: {  	v24 =	vor.u32 $0x19, v17;
	v22 =	vor.u32 $0x1A, v17;
	v16 =	vor.u32 $0x1D, v17;
	[tilespmem:s7+$0x17C00] =	vst v37;
	v17 =	vld.idx.msk [tilespmem:v38+s15+$0x0], $0xffff  }
0x358: {  	v4 =	vor.u32 $0xD, v28;
	v19 =	vld.idx.msk [tilespmem:v21+s15+$0x0], $0xffff;
	[tilespmem:s6+$0x17480] =	vst v32  }
0x359: {  	v21 =	vld.idx.msk [tilespmem:v0+s15+$0x0], $0xffff;
	[tilespmem:$0x1FE60] =	vst v4  }
0x35a: {  	[tilespmem:s0+$0x1A200] =	vst v40  }
0x35b: {  	v55 =	vor.u32 $0x6, v28;
	v51 =	vor.u32 $0x7, v28;
	v57 =	vld.idx.msk [tilespmem:v41+s15+$0x0], $0xffff;
	[tilespmem:s2+$0x19D80] =	vst v23  }
0x35c: {  	v48 =	vor.u32 $0x8, v28;
	v0 =	vor.u32 $0x10, v2;
	v4 =	vor.u32 $0x14, v28;
	[tilespmem:s28+$0x18D00] =	vst v34;
	v60 =	vld.idx.msk [tilespmem:v61+s15+$0x0], $0xffff  }
0x35d: {  	v47 =	vor.u32 $0x9, v28;
	v46 =	vor.u32 $0xA, v28;
	v56 =	vld.idx.msk [tilespmem:v30+s15+$0x0], $0xffff;
	[tilespmem:$0x1FE70] =	vst v4;
	v4 =	vor.u32 $0x15, v28  }
0x35e: {  	v45 =	vor.u32 $0xB, v28;
	v44 =	vor.u32 $0xC, v28;
	v42 =	vor.u32 $0xE, v28;
	[tilespmem:$0x1FE80] =	vst v4  }
0x35f: {  	v52 =	vor.u32 $0x10, v28;
	v61 =	vor.u32 $0x7, v3;
	v4 =	vor.u32 $0x16, v28;
	[tilespmem:s26+$0x18580] =	vst v17  }
0x360: {  	v49 =	vor.u32 $0x11, v28;
	v43 =	vor.u32 $0x12, v28;
	v50 =	vor.u32 $0x19, v28;
	v59 =	vld.idx.msk [tilespmem:v39+s15+$0x0], $0xffff;
	[tilespmem:$0x1FE90] =	vst v4  }
0x361: {  	v33 =	vor.u32 $0x1E, v28;
	v36 =	vor.u32 $0x13, v28;
	v32 =	vor.u32 $0x18, v28;
	v0 =	vld.idx.msk [tilespmem:v0+s15+$0x0], $0xffff;
	[tilespmem:s25+$0x1AC80] =	vst v19  }
0x362: {  	v41 =	vor.u32 $0xF, v28;
	v34 =	vor.u32 $0x17, v28;
	v23 =	vor.u32 $0x1B, v28;
	[tilespmem:s7+$0x17C80] =	vst v21;
	v54 =	vld.idx.msk [tilespmem:v53+s15+$0x0], $0xffff  }
0x363: {  	v30 =	vor.u32 $0x1A, v28;
	v21 =	vor.u32 $0x1C, v28;
	v19 =	vor.u32 $0x1D, v28;
	[tilespmem:s6+$0x17500] =	vst v57;
	v58 =	vld.idx.msk [tilespmem:v55+s15+$0x0], $0xffff  }
0x364: {  	s1 =	simm.s32 $0x6;
	s12 =	simm.s32 $0x60;
	s8 =	simm.s32 $0x400;
	v28 =	vor.u32 $0x1F, v28;
	v57 =	vor.u32 $0x1A, v1;
	[tilespmem:s0+$0x1A280] =	vst v60;
	v53 =	vor.u32 $0x11, v2;
	v55 =	vld.idx.msk [tilespmem:v61+s15+$0x0], $0xffff  }
.LBB2_13:
0x365: {  	_ = 	snop  }
0x366: {  	[tilespmem:$0x1FD70] =	vst v34  }
0x367: {  	[tilespmem:$0x1FDB0] =	vst v27  }
0x368: {  	[tilespmem:s2+$0x1AA00] =	vst v56  }
0x369: {  	s14 =	sadd.s32 $0x880, s8;
	s10 =	sadd.s32 $0x20, s10;
	v35 =	vld.idx.msk [tilespmem:v57+s15+$0x0], $0xffff;
	v5 =	vmov v49;
	[tilespmem:s28+$0x18D80] =	vst v59  }
0x36a: {  	s4 =	sadd.s32 $0x110, s10;
	s5 =	sand.u32 $0xC00, s14;
	[tilespmem:$0x1FDC0] =	vst v5;
	v59 =	vld.idx.msk [tilespmem:v11+s15+$0x0], $0xffff  }
0x36b: {  	s3 =	sor.u32 s3, s12;
	s9 =	sand.u32 $0x70, s4;
	s23 =	sadd.s32 s5, s21;
	[tilespmem:s26+$0x19200] =	vst v0;
	v39 =	vld.idx.msk [tilespmem:v7+s15+$0x0], $0xffff  }
0x36c: {  	v60 =	vor.u32 $0x8, v3;
	s3 =	sor.u32 $0x310, s3;
	s4 =	sadd.s32 s9, s23;
	v40 =	vld.idx.msk [tilespmem:v53+s15+$0x0], $0xffff;
	[tilespmem:s25+$0x1AD00] =	vst v54  }
0x36d: {  	v5 =	vmov v13;
	v61 =	vld [tilespmem:s4+$0x0];
	[tilespmem:s3+$0x17200] =	vst v55  }
0x36e: {  	v4 =	vmov v24;
	[tilespmem:$0x1FDD0] =	vst v5  }
0x36f: {  	v0 =	vor.u32 $0x1B, v1;
	[tilespmem:$0x1FD90] =	vst v4  }
0x370: {  	[tilespmem:s7+$0x17D00] =	vst v58  }
0x371: {  	s11 =	sand.u32 $0x400, s8;
	v34 =	vor.u32 $0x12, v2;
	v7 =	vmov v28;
	v55 =	vld.idx.msk [tilespmem:v60+s15+$0x0], $0xffff;
	[tilespmem:s0+$0x1A300] =	vst v35  }
0x372: {  	s16 =	sor.u32 $0x800, s11;
	[tilespmem:$0x1FDA0] =	vst v7;
	v4 =	vmov v50  }
0x373: {  	s29 =	sand.u32 $0x60, s10;
	s31 =	sadd.s32 $0x10, s10;
	s17 =	sadd.s32 s16, s21;
	v51 =	vld.idx.msk [tilespmem:v51+s15+$0x0], $0xffff;
	[tilespmem:$0x1FD60] =	vst v4  }
0x374: {  	v37 =	vmov s10;
	s17 =	sadd.s32 s29, s17;
	v35 =	vmov s31;
	v0 =	vld.idx.msk [tilespmem:v0+s15+$0x0], $0xffff;
	[tilespmem:s2+$0x1AA80] =	vst v59  }
0x375: {  	v38 =	vshll.u32 v37, $0x7;
	v37 =	vshll.u32 v35, $0x7;
	[tilespmem:s26+$0x19280] =	vst v40;
	v56 =	vld [tilespmem:s17+$0x0]  }
0x376: {  	v50 =	vor.u32 v62, v38;
	v59 =	vor.u32 $0x9, v3;
	v53 =	vshll.u32 v61, $0x5;
	v4 =	vmovc v52;
	[tilespmem:s28+$0x19A00] =	vst v39;
	v54 =	vld.idx.msk [tilespmem:v34+s15+$0x0], $0xffff  }
0x377: {  	v52 =	vor.u32 $0x1C, v1;
	v38 =	vand.u32 $0x60, v53;
	v39 =	vor.u32 v62, v37;
	[tilespmem:s6+$0x18200] =	vst v55;
	v58 =	vld.idx.msk [tilespmem:v29+s15+$0x0], $0xffff  }
0x378: {  	v27 =	vmov v63;
	v63 =	vor.u32 v39, v38;
	[tilespmem:s7+$0x17D80] =	vst v51  }
0x379: {  	[tilespmem:$0x1FDF0] =	vst v4;
	v49 =	vld.idx.msk [tilespmem:v26+s15+$0x0], $0xffff;
	v4 =	vmov v22  }
0x37a: {  	v40 =	vor.u32 $0x13, v2;
	v39 =	vld.idx.msk [tilespmem:v48+s15+$0x0], $0xffff;
	[tilespmem:$0x1FD80] =	vst v4  }
0x37b: {  	v55 =	vld.idx.msk [tilespmem:v59+s15+$0x0], $0xffff;
	[tilespmem:s0+$0x1A380] =	vst v0;
	v62 =	vshll.u32 v56, $0x5  }
0x37c: {  	v52 =	vld.idx.msk [tilespmem:v52+s15+$0x0], $0xffff;
	v0 =	vand.u32 $0x60, v62;
	[tilespmem:s28+$0x19A80] =	vst v58  }
0x37d: {  	v58 =	vld.idx.msk [tilespmem:v63+s15+$0x0], $0xffff;
	[tilespmem:s26+$0x19300] =	vst v54;
	v4 =	vor.u32 v50, v0;
	v0 =	vor.u32 $0xA, v3  }
0x37e: {  	v50 =	vld.idx.msk [tilespmem:v25+s15+$0x0], $0xffff;
	[tilespmem:s2+$0x1AB00] =	vst v49  }
0x37f: {  	v61 =	vor.u32 $0x1D, v1;
	v28 =	vld.idx.msk [tilespmem:v40+s15+$0x0], $0xffff;
	v7 =	vor.u32 $0x6, v4;
	[tilespmem:s7+$0x18A00] =	vst v39  }
0x380: {  	[tilespmem:$0x1FDE0] =	vst v7;
	v39 =	vld.idx.msk [tilespmem:v9+s15+$0x0], $0xffff  }
0x381: {  	v8 =	vor.u32 $0x14, v2;
	v24 =	vmovc v12;
	v29 =	vmov v32;
	v35 =	vor.u32 $0x1, v63;
	v7 =	vld.idx.msk [tilespmem:v47+s15+$0x0], $0xffff;
	[tilespmem:s6+$0x18280] =	vst v55  }
0x382: {  	v32 =	vmovc v20;
	v20 =	vor.u32 $0x2, v63;
	v38 =	vmovc v16;
	v16 =	vor.u32 $0x1E, v1;
	v5 =	vor.u32 $0x1, v4;
	v12 =	vld.idx.msk [tilespmem:v0+s15+$0x0], $0xffff;
	[tilespmem:s0+$0x1A400] =	vst v52  }
0x383: {  	s5 =	sor.u32 s9, s5;
	v6 =	vor.u32 $0x2, v4;
	v59 =	vor.u32 $0x3, v4;
	v56 =	vor.u32 $0x4, v4;
	[tilespmem:s25+$0x1AD80] =	vst v50  }
0x384: {  	v54 =	vor.u32 $0x5, v4;
	v51 =	vor.u32 $0x7, v4;
	v48 =	vor.u32 $0x8, v4;
	s25 =	smov.u32 s2;
	s2 =	smov.u32 s28;
	v13 =	vld.idx.msk [tilespmem:v61+s15+$0x0], $0xffff;
	[tilespmem:s5+$0x17200] =	vst v58  }
0x385: {  	v40 =	vmovc v14;
	v10 =	vor.u32 $0xB, v4;
	v11 =	vor.u32 $0xC, v4;
	v60 =	vor.u32 $0xD, v4;
	s28 =	smov.u32 s7;
	v14 =	vld.idx.msk [tilespmem:v4+s15+$0x0], $0xffff;
	[tilespmem:s2+$0x19B00] =	vst v39  }
0x386: {  	v57 =	vor.u32 $0xE, v4;
	v49 =	vor.u32 $0x11, v4;
	v58 =	vor.u32 $0xB, v3;
	[tilespmem:s28+$0x18A80] =	vst v7;
	v7 =	vld [tilespmem:$0x1FE10]  }
0x387: {  	v53 =	vmovc v43;
	v26 =	vmovc v18;
	v43 =	vor.u32 $0x12, v4;
	v17 =	vor.u32 $0x14, v4;
	v18 =	vor.u32 $0x15, v4  }
0x388: {  	v34 =	vmovc v30;
	v25 =	vmovc v15;
	v30 =	vor.u32 $0x1A, v4;
	v62 =	vor.u32 $0x1D, v4;
	v47 =	vor.u32 $0x9, v4;
	v15 =	vld.idx.msk [tilespmem:v35+s15+$0x0], $0xffff;
	[tilespmem:s26+$0x19380] =	vst v28  }
0x389: {  	v37 =	vmovc v31;
	v31 =	vmovc v23;
	v9 =	vor.u32 $0xA, v4;
	v55 =	vor.u32 $0xF, v4;
	v52 =	vor.u32 $0x10, v4;
	v8 =	vld.idx.msk [tilespmem:v8+s15+$0x0], $0xffff  }
0x38a: {  	v22 =	vmovc v36;
	v36 =	vmovc v21;
	v50 =	vor.u32 $0x13, v4;
	v0 =	vor.u32 $0x18, v4;
	v61 =	vor.u32 $0x17, v4;
	v21 =	vld.idx.msk [tilespmem:v46+s15+$0x0], $0xffff;
	[tilespmem:s6+$0x18300] =	vst v12  }
0x38b: {  	v35 =	vmovc v19;
	v19 =	vor.u32 $0x16, v4;
	v39 =	vmovc v50;
	v50 =	vor.u32 $0x19, v4;
	v28 =	vor.u32 $0x1F, v4;
	v23 =	vld.idx.msk [tilespmem:v58+s15+$0x0], $0xffff;
	[tilespmem:s0+$0x1A480] =	vst v13  }
0x38c: {  	[tilespmem:$0x1FE10] =	vst v22;
	v22 =	vor.u32 $0x1C, v4;
	v46 =	vmovc v9;
	v9 =	vor.u32 $0x1B, v4;
	v58 =	vor.u32 $0x1E, v4;
	v4 =	vld.idx.msk [tilespmem:v16+s15+$0x0], $0xffff  }
0x38d: {  	[tilespmem:s5+$0x17280] =	vst v15;
	v15 =	vld [tilespmem:$0x1FE20]  }
0x38e: {  	v7 =	vld.idx.msk [tilespmem:v7+s15+$0x0], $0xffff  }
0x38f: {  	v12 =	vor.u32 $0x15, v2  }
0x390: {  	s30 =	sor.u32 s29, s16  }
0x391: {  	[tilespmem:s30+$0x17200] =	vst v14;
	v14 =	vld.idx.msk [tilespmem:v20+s15+$0x0], $0xffff  }
0x392: {  	v13 =	vor.u32 $0xC, v3;
	[tilespmem:s26+$0x19400] =	vst v8;
	v20 =	vld [tilespmem:$0x1FE70]  }
0x393: {  	v5 =	vld.idx.msk [tilespmem:v5+s15+$0x0], $0xffff;
	[tilespmem:s2+$0x19B80] =	vst v7  }
0x394: {  	v16 =	vmov v17;
	v7 =	vld.idx.msk [tilespmem:v12+s15+$0x0], $0xffff;
	[tilespmem:s28+$0x18B00] =	vst v21  }
0x395: {  	v8 =	vor.u32 $0x1F, v1;
	v1 =	vmovc v2;
	v2 =	vmov v3;
	v3 =	vmov v63;
	[tilespmem:$0x1FE70] =	vst v16;
	v15 =	vld.idx.msk [tilespmem:v15+s15+$0x0], $0xffff  }
0x396: {  	s11 =	sor.u32 s29, s11;
	v12 =	vor.u32 $0x3, v3;
	[tilespmem:s6+$0x18380] =	vst v23;
	v16 =	vld.idx.msk [tilespmem:v45+s15+$0x0], $0xffff  }
0x397: {  	s7 =	smov.u32 s11;
	v17 =	vor.u32 $0x16, v1;
	v45 =	vmov v10;
	v10 =	vld.idx.msk [tilespmem:v13+s15+$0x0], $0xffff  }
0x398: {  	[tilespmem:s7+$0x17A80] =	vst v5;
	v13 =	vld [tilespmem:$0x1FE30]  }
0x399: {  	[tilespmem:s0+$0x1A500] =	vst v4;
	v5 =	vld.idx.msk [tilespmem:v6+s15+$0x0], $0xffff;
	v6 =	vor.u32 $0xD, v2  }
0x39a: {  	v4 =	vld.idx.msk [tilespmem:v8+s15+$0x0], $0xffff;
	[tilespmem:s5+$0x17300] =	vst v14  }
0x39b: {  	v8 =	vld.idx.msk [tilespmem:v12+s15+$0x0], $0xffff;
	[tilespmem:s26+$0x19480] =	vst v7  }
0x39c: {  	v7 =	vld.idx.msk [tilespmem:v17+s15+$0x0], $0xffff;
	[tilespmem:s2+$0x19C00] =	vst v15  }
0x39d: {  	v15 =	vld [tilespmem:$0x1FE80];
	[tilespmem:s6+$0x18400] =	vst v10  }
0x39e: {  	[tilespmem:s28+$0x18B80] =	vst v16;
	v6 =	vld.idx.msk [tilespmem:v6+s15+$0x0], $0xffff  }
0x39f: {  	v14 =	vmov v18;
	[tilespmem:s0+$0x1A580] =	vst v4;
	v4 =	vld [tilespmem:$0x1FE00]  }
0x3a0: {  	[tilespmem:$0x1FE80] =	vst v14;
	v14 =	vld.idx.msk [tilespmem:v44+s15+$0x0], $0xffff  }
0x3a1: {  	v12 =	vor.u32 $0x4, v3;
	v44 =	vmov v11;
	v11 =	vld [tilespmem:$0x1FE50];
	_ =	sdelay $0x1  }
0x3a2: {  	s0 =	smov.u32 s26;
	s26 =	smov.u32 s6;
	s6 =	smov.u32 s5;
	v13 =	vld.idx.msk [tilespmem:v13+s15+$0x0], $0xffff;
	[tilespmem:s7+$0x17B00] =	vst v5  }
0x3a3: {  	v5 =	vmov v31;
	[tilespmem:s6+$0x17380] =	vst v8  }
0x3a4: {  	[tilespmem:$0x1FE50] =	vst v5;
	v5 =	vld.idx.msk [tilespmem:v59+s15+$0x0], $0xffff  }
0x3a5: {  	v23 =	vmov v9;
	v10 =	vor.u32 $0x17, v1;
	v9 =	vld.idx.msk [tilespmem:v12+s15+$0x0], $0xffff;
	[tilespmem:s0+$0x19500] =	vst v7;
	v11 =	vmov v11  }
0x3a6: {  	[tilespmem:$0x1FE00] =	vst v11;
	v11 =	vld [tilespmem:$0x1FE40]  }
0x3a7: {  	v4 =	vld.idx.msk [tilespmem:v4+s15+$0x0], $0xffff;
	[tilespmem:s2+$0x19C80] =	vst v13  }
0x3a8: {  	v12 =	vmov v19;
	[tilespmem:s28+$0x18C00] =	vst v14;
	v14 =	vld [tilespmem:$0x1FE90]  }
0x3a9: {  	v8 =	vor.u32 $0xE, v2;
	[tilespmem:$0x1FE90] =	vst v12;
	v12 =	vld [tilespmem:$0x1FE60]  }
0x3aa: {  	v7 =	vld.idx.msk [tilespmem:v10+s15+$0x0], $0xffff;
	v10 =	vor.u32 $0x5, v3;
	_ =	sdelay $0x2  }
0x3ab: {  	v19 =	vmov v62;
	v62 =	vld [tilespmem:$0x1FFF0];
	[tilespmem:s26+$0x18480] =	vst v6  }
0x3ac: {  	v6 =	vor.u32 $0x18, v1;
	v8 =	vld.idx.msk [tilespmem:v8+s15+$0x0], $0xffff;
	[tilespmem:s6+$0x17400] =	vst v9  }
0x3ad: {  	v10 =	vld.idx.msk [tilespmem:v10+s15+$0x0], $0xffff  }
0x3ae: {  	v11 =	vld.idx.msk [tilespmem:v11+s15+$0x0], $0xffff  }
0x3af: {  	[tilespmem:s0+$0x19580] =	vst v7;
	v12 =	vld.idx.msk [tilespmem:v12+s15+$0x0], $0xffff  }
0x3b0: {  	v13 =	vmov v24;
	v24 =	vld [tilespmem:$0x1FD60];
	v9 =	vor.u32 $0xF, v2;
	[tilespmem:s25+$0x1AB80] =	vst v4  }
0x3b1: {  	v7 =	vor.u32 $0x6, v3;
	v6 =	vld.idx.msk [tilespmem:v6+s15+$0x0], $0xffff;
	[tilespmem:s7+$0x17B80] =	vst v5  }
0x3b2: {  	[tilespmem:s26+$0x18500] =	vst v8;
	v4 =	vld.idx.msk [tilespmem:v27+s15+$0x0], $0xffff  }
0x3b3: {  	v15 =	vmov v15;
	v5 =	vld.idx.msk [tilespmem:v56+s15+$0x0], $0xffff;
	[tilespmem:s2+$0x19D00] =	vst v11  }
0x3b4: {  	[tilespmem:s28+$0x18C80] =	vst v12;
	v12 =	vld [tilespmem:$0x1FD70]  }
0x3b5: {  	v8 =	vor.u32 $0x19, v1;
	v9 =	vld.idx.msk [tilespmem:v9+s15+$0x0], $0xffff;
	[tilespmem:s6+$0x17480] =	vst v10  }
0x3b6: {  	[tilespmem:$0x1FE30] =	vst v15;
	v15 =	vmov v14;
	v14 =	vmov v60;
	v7 =	vld.idx.msk [tilespmem:v7+s15+$0x0], $0xffff  }
0x3b7: {  	[tilespmem:$0x1FE60] =	vst v14;
	v14 =	vld [tilespmem:$0x1FDB0]  }
0x3b8: {  	v11 =	vld.idx.msk [tilespmem:v37+s15+$0x0], $0xffff  }
0x3b9: {  	v10 =	vor.u32 $0x10, v2;
	[tilespmem:s0+$0x1A200] =	vst v6;
	v31 =	vmov v12;
	v12 =	vld.idx.msk [tilespmem:v42+s15+$0x0], $0xffff  }
0x3ba: {  	v6 =	vld.idx.msk [tilespmem:v8+s15+$0x0], $0xffff;
	[tilespmem:s25+$0x1AC00] =	vst v4  }
0x3bb: {  	v27 =	vmov v29;
	v29 =	vld [tilespmem:$0x1FDC0];
	[tilespmem:s7+$0x17C00] =	vst v5  }
0x3bc: {  	[tilespmem:s26+$0x18580] =	vst v9;
	v4 =	vld.idx.msk [tilespmem:v26+s15+$0x0], $0xffff  }
0x3bd: {  	v5 =	vld.idx.msk [tilespmem:v54+s15+$0x0], $0xffff;
	[tilespmem:s2+$0x19D80] =	vst v11  }
0x3be: {  	v63 =	vmov v32;
	v32 =	vmov v0;
	v0 =	vld.idx.msk [tilespmem:v10+s15+$0x0], $0xffff;
	[tilespmem:s28+$0x18D00] =	vst v12  }
0x3bf: {  	v56 =	vld.idx.msk [tilespmem:v14+s15+$0x0], $0xffff  }
0x3c0: {  	v59 =	vld.idx.msk [tilespmem:v41+s15+$0x0], $0xffff  }
0x3c1: {  	v8 =	vor.u32 $0x7, v3;
	[tilespmem:s25+$0x1AC80] =	vst v4;
	v4 =	vld [tilespmem:$0x1FDE0]  }
0x3c2: {  	[tilespmem:s6+$0x17500] =	vst v7;
	v7 =	vld [tilespmem:$0x1FDF0]  }
0x3c3: {  	s1 =	sadd.s32 $0x2, s1;
	v26 =	vld [tilespmem:$0x1FD80]  }
0x3c4: {  	p1 =	slt.u32 s1, $0xE;
	v20 =	vmov v20;
	v11 =	vld [tilespmem:$0x1FD90]  }
.Ltmp9:
0x3c5: {  	v12 =	vld [tilespmem:$0x1FDA0];
	(pc) =	sbr.rel @p1 .LBB2_13-.Ltmp9, $4  }
0x3c6: {  	v41 =	vmov v55;
	v55 =	vld.idx.msk [tilespmem:v8+s15+$0x0], $0xffff;
	[tilespmem:s7+$0x17C80] =	vst v5  }
0x3c7: {  	[tilespmem:$0x1FE20] =	vst v20;
	v21 =	vmovc v22;
	v22 =	vmov v34;
	v34 =	vmov v61;
	v20 =	vmov v36;
	v54 =	vld.idx.msk [tilespmem:v25+s15+$0x0], $0xffff  }
0x3c8: {  	v36 =	vmovc v39;
	v18 =	vmovc v38;
	v16 =	vmov v35;
	[tilespmem:$0x1FE40] =	vst v15;
	v15 =	vmov v40;
	v9 =	vmov v53;
	v25 =	vld [tilespmem:$0x1FDD0]  }
0x3c9: {  	s8 =	sadd.s32 $0x100, s8;
	s12 =	smov.u32 s10;
	s3 =	smov.u32 s14;
	v53 =	vor.u32 $0x11, v2;
	v42 =	vmovc v57;
	v57 =	vor.u32 $0x1A, v1;
	v14 =	vmovc v33;
	v33 =	vmov v58;
	[tilespmem:s0+$0x1A280] =	vst v6;
	v58 =	vld.idx.msk [tilespmem:v4+s15+$0x0], $0xffff  }
0x3ca: {  	_ =	sdelay $0x3  }
0x3cb: {  	[tilespmem:s7+$0x17D00] =	vst v58  }
0x3cc: {  	v4 =	vor.u32 $0x8, v3;
	v5 =	vld.idx.msk [tilespmem:v51+s15+$0x0], $0xffff;
	_ =	sdelay $0x1  }
0x3cd: {  	s1 =	sor.u32 s3, s12  }
0x3ce: {  	s1 =	sor.u32 $0x310, s1  }
0x3cf: {  	[tilespmem:s1+$0x17200] =	vst v55  }
0x3d0: {  	v4 =	vld.idx.msk [tilespmem:v4+s15+$0x0], $0xffff;
	[tilespmem:s7+$0x17D80] =	vst v5  }
0x3d1: {  	v10 =	vor.u32 $0x9, v3;
	v6 =	vld.idx.msk [tilespmem:v48+s15+$0x0], $0xffff;
	_ =	sdelay $0x3  }
0x3d2: {  	[tilespmem:s6+$0x18200] =	vst v4  }
0x3d3: {  	v4 =	vld.idx.msk [tilespmem:v10+s15+$0x0], $0xffff;
	[tilespmem:s7+$0x18A00] =	vst v6  }
0x3d4: {  	v17 =	vor.u32 $0xA, v3;
	v6 =	vld.idx.msk [tilespmem:v47+s15+$0x0], $0xffff;
	_ =	sdelay $0x3  }
0x3d5: {  	[tilespmem:s6+$0x18280] =	vst v4  }
0x3d6: {  	v4 =	vld.idx.msk [tilespmem:v17+s15+$0x0], $0xffff;
	[tilespmem:s7+$0x18A80] =	vst v6  }
0x3d7: {  	v35 =	vor.u32 $0xB, v3;
	v6 =	vld.idx.msk [tilespmem:v46+s15+$0x0], $0xffff;
	_ =	sdelay $0x3  }
0x3d8: {  	[tilespmem:s6+$0x18300] =	vst v4  }
0x3d9: {  	v4 =	vld.idx.msk [tilespmem:v35+s15+$0x0], $0xffff;
	[tilespmem:s7+$0x18B00] =	vst v6  }
0x3da: {  	v37 =	vor.u32 $0xC, v3;
	v6 =	vld.idx.msk [tilespmem:v45+s15+$0x0], $0xffff;
	_ =	sdelay $0x3  }
0x3db: {  	[tilespmem:s6+$0x18380] =	vst v4  }
0x3dc: {  	v4 =	vld.idx.msk [tilespmem:v37+s15+$0x0], $0xffff;
	[tilespmem:s7+$0x18B80] =	vst v6  }
0x3dd: {  	v6 =	vld.idx.msk [tilespmem:v44+s15+$0x0], $0xffff;
	_ =	sdelay $0x3  }
0x3de: {  	[tilespmem:s6+$0x18400] =	vst v4  }
0x3df: {  	[tilespmem:s7+$0x18C00] =	vst v6  }
0x3e0: {  	v6 =	vld [tilespmem:$0x1FE60];
	_ =	sdelay $0x1  }
0x3e1: {  	v38 =	vor.u32 $0xD, v3;
	_ =	sdelay $0x4  }
0x3e2: {  	v4 =	vld.idx.msk [tilespmem:v38+s15+$0x0], $0xffff  }
0x3e3: {  	v39 =	vor.u32 $0xE, v3;
	v6 =	vld.idx.msk [tilespmem:v6+s15+$0x0], $0xffff;
	_ =	sdelay $0x3  }
0x3e4: {  	[tilespmem:s6+$0x18480] =	vst v4  }
0x3e5: {  	v4 =	vld.idx.msk [tilespmem:v39+s15+$0x0], $0xffff;
	[tilespmem:s7+$0x18C80] =	vst v6  }
0x3e6: {  	v40 =	vor.u32 $0xF, v3;
	v6 =	vld.idx.msk [tilespmem:v42+s15+$0x0], $0xffff;
	_ =	sdelay $0x2  }
0x3e7: {  	[tilespmem:s28+$0x18D80] =	vst v59  }
0x3e8: {  	v7 =	vld.idx.msk [tilespmem:v7+s15+$0x0], $0xffff;
	[tilespmem:s6+$0x18500] =	vst v4  }
0x3e9: {  	v4 =	vld.idx.msk [tilespmem:v40+s15+$0x0], $0xffff;
	[tilespmem:s7+$0x18D00] =	vst v6  }
0x3ea: {  	v44 =	vor.u32 $0x10, v3;
	v6 =	vld.idx.msk [tilespmem:v41+s15+$0x0], $0xffff;
	_ =	sdelay $0x1  }
0x3eb: {  	[tilespmem:s26+$0x19200] =	vst v0  }
0x3ec: {  	v0 =	vld.idx.msk [tilespmem:v53+s15+$0x0], $0xffff;
	[tilespmem:s28+$0x19A00] =	vst v7  }
0x3ed: {  	v46 =	vor.u32 $0x12, v2;
	v8 =	vld.idx.msk [tilespmem:v29+s15+$0x0], $0xffff;
	[tilespmem:s6+$0x18580] =	vst v4  }
0x3ee: {  	v4 =	vld.idx.msk [tilespmem:v44+s15+$0x0], $0xffff;
	[tilespmem:s7+$0x18D80] =	vst v6  }
0x3ef: {  	v45 =	vor.u32 $0x11, v3;
	v6 =	vld.idx.msk [tilespmem:v52+s15+$0x0], $0xffff;
	_ =	sdelay $0x1  }
0x3f0: {  	[tilespmem:s26+$0x19280] =	vst v0  }
0x3f1: {  	v0 =	vld.idx.msk [tilespmem:v46+s15+$0x0], $0xffff;
	[tilespmem:s28+$0x19A80] =	vst v8  }
0x3f2: {  	v8 =	vld.idx.msk [tilespmem:v9+s15+$0x0], $0xffff;
	[tilespmem:s6+$0x19200] =	vst v4  }
0x3f3: {  	v4 =	vld.idx.msk [tilespmem:v45+s15+$0x0], $0xffff;
	[tilespmem:s7+$0x19A00] =	vst v6  }
0x3f4: {  	v6 =	vld.idx.msk [tilespmem:v49+s15+$0x0], $0xffff;
	_ =	sdelay $0x1  }
0x3f5: {  	[tilespmem:s26+$0x19300] =	vst v0  }
0x3f6: {  	[tilespmem:s28+$0x19B00] =	vst v8  }
0x3f7: {  	[tilespmem:s6+$0x19280] =	vst v4  }
0x3f8: {  	[tilespmem:s7+$0x19A80] =	vst v6  }
0x3f9: {  	v47 =	vor.u32 $0x12, v3;
	v8 =	vld [tilespmem:$0x1FE10];
	_ =	sdelay $0x1  }
0x3fa: {  	v48 =	vor.u32 $0x13, v2;
	_ =	sdelay $0x2  }
0x3fb: {  	v4 =	vld.idx.msk [tilespmem:v47+s15+$0x0], $0xffff  }
0x3fc: {  	v49 =	vor.u32 $0x13, v3;
	v6 =	vld.idx.msk [tilespmem:v43+s15+$0x0], $0xffff  }
0x3fd: {  	v0 =	vld.idx.msk [tilespmem:v48+s15+$0x0], $0xffff  }
0x3fe: {  	v8 =	vld.idx.msk [tilespmem:v8+s15+$0x0], $0xffff;
	_ =	sdelay $0x1  }
0x3ff: {  	[tilespmem:s6+$0x19300] =	vst v4  }
0x400: {  	v4 =	vld.idx.msk [tilespmem:v49+s15+$0x0], $0xffff;
	[tilespmem:s7+$0x19B00] =	vst v6  }
0x401: {  	[tilespmem:s26+$0x19380] =	vst v0;
	v6 =	vld.idx.msk [tilespmem:v36+s15+$0x0], $0xffff  }
0x402: {  	[tilespmem:s28+$0x19B80] =	vst v8  }
0x403: {  	v8 =	vld [tilespmem:$0x1FE20];
	_ =	sdelay $0x1  }
0x404: {  	v51 =	vor.u32 $0x14, v2;
	[tilespmem:s6+$0x19380] =	vst v4  }
0x405: {  	[tilespmem:s7+$0x19B80] =	vst v6  }
0x406: {  	v6 =	vld [tilespmem:$0x1FE70];
	_ =	sdelay $0x1  }
0x407: {  	v52 =	vor.u32 $0x14, v3  }
0x408: {  	v0 =	vld.idx.msk [tilespmem:v51+s15+$0x0], $0xffff  }
0x409: {  	v8 =	vld.idx.msk [tilespmem:v8+s15+$0x0], $0xffff;
	_ =	sdelay $0x2  }
0x40a: {  	v4 =	vld.idx.msk [tilespmem:v52+s15+$0x0], $0xffff  }
0x40b: {  	[tilespmem:s26+$0x19400] =	vst v0;
	v6 =	vld.idx.msk [tilespmem:v6+s15+$0x0], $0xffff  }
0x40c: {  	[tilespmem:s28+$0x19C00] =	vst v8  }
0x40d: {  	v8 =	vld [tilespmem:$0x1FE30];
	_ =	sdelay $0x1  }
0x40e: {  	v53 =	vor.u32 $0x15, v2;
	[tilespmem:s6+$0x19400] =	vst v4  }
0x40f: {  	[tilespmem:s7+$0x19C00] =	vst v6  }
0x410: {  	v6 =	vld [tilespmem:$0x1FE80];
	_ =	sdelay $0x1  }
0x411: {  	v55 =	vor.u32 $0x15, v3  }
0x412: {  	v0 =	vld.idx.msk [tilespmem:v53+s15+$0x0], $0xffff  }
0x413: {  	v8 =	vld.idx.msk [tilespmem:v8+s15+$0x0], $0xffff;
	_ =	sdelay $0x2  }
0x414: {  	v4 =	vld.idx.msk [tilespmem:v55+s15+$0x0], $0xffff  }
0x415: {  	[tilespmem:s26+$0x19480] =	vst v0;
	v6 =	vld.idx.msk [tilespmem:v6+s15+$0x0], $0xffff  }
0x416: {  	[tilespmem:s28+$0x19C80] =	vst v8  }
0x417: {  	v8 =	vld [tilespmem:$0x1FE40];
	_ =	sdelay $0x1  }
0x418: {  	v58 =	vor.u32 $0x16, v2;
	[tilespmem:s6+$0x19480] =	vst v4  }
0x419: {  	[tilespmem:s7+$0x19C80] =	vst v6  }
0x41a: {  	v6 =	vld [tilespmem:$0x1FE90];
	_ =	sdelay $0x1  }
0x41b: {  	v59 =	vor.u32 $0x16, v3  }
0x41c: {  	v0 =	vld.idx.msk [tilespmem:v58+s15+$0x0], $0xffff  }
0x41d: {  	v60 =	vor.u32 $0x17, v2;
	v8 =	vld.idx.msk [tilespmem:v8+s15+$0x0], $0xffff;
	_ =	sdelay $0x2  }
0x41e: {  	v4 =	vld.idx.msk [tilespmem:v59+s15+$0x0], $0xffff  }
0x41f: {  	v61 =	vor.u32 $0x17, v3;
	[tilespmem:s26+$0x19500] =	vst v0;
	v6 =	vld.idx.msk [tilespmem:v6+s15+$0x0], $0xffff  }
0x420: {  	v0 =	vld.idx.msk [tilespmem:v60+s15+$0x0], $0xffff;
	[tilespmem:s28+$0x19D00] =	vst v8  }
0x421: {  	v17 =	vor.u32 $0x18, v2;
	v8 =	vld.idx.msk [tilespmem:v31+s15+$0x0], $0xffff;
	_ =	sdelay $0x1  }
0x422: {  	[tilespmem:s6+$0x19500] =	vst v4  }
0x423: {  	v4 =	vld.idx.msk [tilespmem:v61+s15+$0x0], $0xffff;
	[tilespmem:s7+$0x19D00] =	vst v6  }
0x424: {  	v29 =	vor.u32 $0x18, v3;
	[tilespmem:s26+$0x19580] =	vst v0;
	v6 =	vld.idx.msk [tilespmem:v34+s15+$0x0], $0xffff  }
0x425: {  	v0 =	vld.idx.msk [tilespmem:v17+s15+$0x0], $0xffff;
	[tilespmem:s28+$0x19D80] =	vst v8  }
0x426: {  	[tilespmem:s2+$0x1AA00] =	vst v56;
	v31 =	vor.u32 $0x19, v2;
	v8 =	vld.idx.msk [tilespmem:v27+s15+$0x0], $0xffff  }
0x427: {  	v35 =	vld.idx.msk [tilespmem:v57+s15+$0x0], $0xffff;
	[tilespmem:s25+$0x1AD00] =	vst v54  }
0x428: {  	v36 =	vor.u32 $0x1B, v1;
	v10 =	vld.idx.msk [tilespmem:v11+s15+$0x0], $0xffff;
	[tilespmem:s6+$0x19580] =	vst v4  }
0x429: {  	v4 =	vld.idx.msk [tilespmem:v29+s15+$0x0], $0xffff;
	[tilespmem:s7+$0x19D80] =	vst v6  }
0x42a: {  	[tilespmem:s26+$0x1A200] =	vst v0;
	v34 =	vor.u32 $0x19, v3;
	v6 =	vld.idx.msk [tilespmem:v32+s15+$0x0], $0xffff  }
0x42b: {  	v0 =	vld.idx.msk [tilespmem:v31+s15+$0x0], $0xffff;
	[tilespmem:s28+$0x1AA00] =	vst v8  }
0x42c: {  	v37 =	vor.u32 $0x1A, v2;
	[tilespmem:s0+$0x1A300] =	vst v35;
	v8 =	vld.idx.msk [tilespmem:v24+s15+$0x0], $0xffff  }
0x42d: {  	v9 =	vld.idx.msk [tilespmem:v36+s15+$0x0], $0xffff;
	[tilespmem:s2+$0x1AA80] =	vst v10  }
0x42e: {  	v40 =	vld.idx.msk [tilespmem:v26+s15+$0x0], $0xffff;
	[tilespmem:s6+$0x1A200] =	vst v4  }
0x42f: {  	v4 =	vld.idx.msk [tilespmem:v34+s15+$0x0], $0xffff;
	[tilespmem:s7+$0x1AA00] =	vst v6  }
0x430: {  	v38 =	vor.u32 $0x1A, v3;
	[tilespmem:s26+$0x1A280] =	vst v0;
	v6 =	vld.idx.msk [tilespmem:v50+s15+$0x0], $0xffff  }
0x431: {  	v0 =	vld.idx.msk [tilespmem:v37+s15+$0x0], $0xffff;
	[tilespmem:s28+$0x1AA80] =	vst v8  }
0x432: {  	[tilespmem:s0+$0x1A380] =	vst v9;
	v8 =	vld.idx.msk [tilespmem:v22+s15+$0x0], $0xffff  }
0x433: {  	[tilespmem:s2+$0x1AB00] =	vst v40  }
0x434: {  	[tilespmem:s6+$0x1A280] =	vst v4  }
0x435: {  	v4 =	vld.idx.msk [tilespmem:v38+s15+$0x0], $0xffff;
	[tilespmem:s7+$0x1AA80] =	vst v6  }
0x436: {  	v39 =	vor.u32 $0x1C, v1;
	v43 =	vld [tilespmem:$0x1FE00];
	[tilespmem:s26+$0x1A300] =	vst v0  }
0x437: {  	v41 =	vor.u32 $0x1B, v2;
	v6 =	vld.idx.msk [tilespmem:v30+s15+$0x0], $0xffff;
	[tilespmem:s28+$0x1AB00] =	vst v8  }
0x438: {  	v42 =	vor.u32 $0x1B, v3;
	v8 =	vld [tilespmem:$0x1FE50];
	_ =	sdelay $0x2  }
0x439: {  	v9 =	vld.idx.msk [tilespmem:v39+s15+$0x0], $0xffff  }
0x43a: {  	v0 =	vld.idx.msk [tilespmem:v41+s15+$0x0], $0xffff;
	[tilespmem:s6+$0x1A300] =	vst v4  }
0x43b: {  	v44 =	vor.u32 $0x1C, v2;
	[tilespmem:s7+$0x1AB00] =	vst v6;
	v4 =	vld.idx.msk [tilespmem:v42+s15+$0x0], $0xffff  }
0x43c: {  	v45 =	vor.u32 $0x1C, v3;
	v6 =	vld.idx.msk [tilespmem:v23+s15+$0x0], $0xffff  }
0x43d: {  	v10 =	vld.idx.msk [tilespmem:v43+s15+$0x0], $0xffff  }
0x43e: {  	[tilespmem:s0+$0x1A400] =	vst v9;
	v8 =	vld.idx.msk [tilespmem:v8+s15+$0x0], $0xffff  }
0x43f: {  	v46 =	vld.idx.msk [tilespmem:v25+s15+$0x0], $0xffff;
	[tilespmem:s26+$0x1A380] =	vst v0  }
0x440: {  	v47 =	vor.u32 $0x1D, v1;
	v0 =	vld.idx.msk [tilespmem:v44+s15+$0x0], $0xffff;
	[tilespmem:s6+$0x1A380] =	vst v4  }
0x441: {  	v48 =	vor.u32 $0x1D, v2;
	[tilespmem:s7+$0x1AB80] =	vst v6;
	v4 =	vld.idx.msk [tilespmem:v45+s15+$0x0], $0xffff  }
0x442: {  	v49 =	vor.u32 $0x1D, v3;
	v6 =	vld.idx.msk [tilespmem:v21+s15+$0x0], $0xffff;
	[tilespmem:s2+$0x1AB80] =	vst v10  }
0x443: {  	v11 =	vld.idx.msk [tilespmem:v63+s15+$0x0], $0xffff;
	[tilespmem:s28+$0x1AB80] =	vst v8  }
0x444: {  	[tilespmem:s25+$0x1AD80] =	vst v46;
	v8 =	vld.idx.msk [tilespmem:v20+s15+$0x0], $0xffff  }
0x445: {  	v50 =	vld.idx.msk [tilespmem:v47+s15+$0x0], $0xffff;
	[tilespmem:s26+$0x1A400] =	vst v0  }
0x446: {  	v51 =	vor.u32 $0x1E, v1;
	v0 =	vld.idx.msk [tilespmem:v48+s15+$0x0], $0xffff;
	[tilespmem:s6+$0x1A400] =	vst v4  }
0x447: {  	v52 =	vor.u32 $0x1E, v2;
	[tilespmem:s7+$0x1AC00] =	vst v6;
	v4 =	vld.idx.msk [tilespmem:v49+s15+$0x0], $0xffff  }
0x448: {  	v53 =	vor.u32 $0x1E, v3;
	v6 =	vld.idx.msk [tilespmem:v19+s15+$0x0], $0xffff;
	[tilespmem:s2+$0x1AC00] =	vst v11  }
0x449: {  	v11 =	vld.idx.msk [tilespmem:v18+s15+$0x0], $0xffff;
	[tilespmem:s28+$0x1AC00] =	vst v8  }
0x44a: {  	[tilespmem:s0+$0x1A480] =	vst v50;
	v8 =	vld.idx.msk [tilespmem:v16+s15+$0x0], $0xffff  }
0x44b: {  	v9 =	vld.idx.msk [tilespmem:v51+s15+$0x0], $0xffff;
	[tilespmem:s26+$0x1A480] =	vst v0  }
0x44c: {  	v54 =	vor.u32 $0x1F, v1;
	v0 =	vld.idx.msk [tilespmem:v52+s15+$0x0], $0xffff;
	[tilespmem:s6+$0x1A480] =	vst v4  }
0x44d: {  	v56 =	vor.u32 $0x1F, v2;
	[tilespmem:s7+$0x1AC80] =	vst v6;
	v4 =	vld.idx.msk [tilespmem:v53+s15+$0x0], $0xffff  }
0x44e: {  	v58 =	vor.u32 $0x1F, v3;
	v59 =	vld.idx.msk [tilespmem:v33+s15+$0x0], $0xffff;
	[tilespmem:s2+$0x1AC80] =	vst v11  }
0x44f: {  	v55 =	vld.idx.msk [tilespmem:v15+s15+$0x0], $0xffff;
	[tilespmem:s28+$0x1AC80] =	vst v8  }
0x450: {  	[tilespmem:s0+$0x1A500] =	vst v9;
	v57 =	vld.idx.msk [tilespmem:v14+s15+$0x0], $0xffff  }
0x451: {  	v1 =	vld.idx.msk [tilespmem:v54+s15+$0x0], $0xffff;
	[tilespmem:s26+$0x1A500] =	vst v0  }
0x452: {  	v0 =	vld.idx.msk [tilespmem:v56+s15+$0x0], $0xffff;
	[tilespmem:s6+$0x1A500] =	vst v4  }
0x453: {  	[tilespmem:s7+$0x1AD00] =	vst v59;
	v3 =	vld.idx.msk [tilespmem:v58+s15+$0x0], $0xffff  }
0x454: {  	v63 =	vld.idx.msk [tilespmem:v28+s15+$0x0], $0xffff;
	[tilespmem:s2+$0x1AD00] =	vst v55  }
0x455: {  	v60 =	vld.idx.msk [tilespmem:v13+s15+$0x0], $0xffff;
	[tilespmem:s28+$0x1AD00] =	vst v57  }
0x456: {  	[tilespmem:s0+$0x1A580] =	vst v1;
	v61 =	vld.idx.msk [tilespmem:v12+s15+$0x0], $0xffff  }
.Ltmp10:
0x457: {  	[tilespmem:s26+$0x1A580] =	vst v0;
	(pc) =	sbr.rel @p0 .LBB2_18-.Ltmp10, $4  }
0x458: {  	[tilespmem:s6+$0x1A580] =	vst v3  }
0x459: {  	[tilespmem:s7+$0x1AD80] =	vst v63  }
0x45a: {  	[tilespmem:s2+$0x1AD80] =	vst v60  }
0x45b: {  	[tilespmem:s28+$0x1AD80] =	vst v61  }
0x45c: {  	s0 =	sshll.u32 s24, $0x9  }
0x45d: {  	s1 =	sshll.u32 s24, $0x7;
	s3 =	simm.s32 $0x0;
	s4 =	simm.s32 $0x130  }
0x45e: {  	s5 =	simm.s32 $0x980;
	s6 =	simm.s32 $0x880;
	s11 =	simm.s32 $0x900  }
0x45f: {  	s12 =	simm.s32 $0x110;
	s7 =	simm.s32 $0x0;
	s2 =	sand.u32 $0x380, s1  }
0x460: {  	s17 =	simm.s32 $0x200;
	s19 =	simm.s32 $0xB80;
	s21 =	simm.s32 $0xA80;
	v0 =	vmov s2  }
0x461: {  	s23 =	simm.s32 $0xB00;
	s0 =	sand.u32 $0xF000, s0;
	s5 =	sand.u32 $0xC00, s5  }
0x462: {  	s8 =	sand.u32 $0x70, s4;
	s10 =	sand.u32 $0xC00, s6;
	s3 =	sand.u32 $0x400, s3  }
0x463: {  	s6 =	sand.u32 $0xC00, s11;
	s7 =	sand.u32 $0x40, s7;
	s9 =	sadd.s32 s5, s0  }
0x464: {  	s4 =	sand.u32 $0x50, s12;
	s3 =	sadd.s32 s3, s0;
	s2 =	sadd.s32 s8, s9  }
0x465: {  	s5 =	sadd.s32 s10, s0;
	s8 =	simm.s32 $0x120;
	s14 =	sadd.s32 s7, s3;
	v1 =	vld.idx.msk [tilespmem:v0+s2+$0x0 ss:$0x1], $0xffff  }
0x466: {  	s6 =	sadd.s32 s6, s0;
	s4 =	sadd.s32 s4, s5;
	s16 =	sand.u32 $0x60, s8;
	v2 =	vld.idx.msk [tilespmem:v0+s14+$0x800 ss:$0x1], $0xffff  }
0x467: {  	s26 =	simm.s32 $0x150;
	s28 =	simm.s32 $0x40;
	s3 =	sadd.s32 s16, s6;
	v3 =	vld.idx.msk [tilespmem:v0+s4+$0x0 ss:$0x1], $0xffff  }
0x468: {  	s29 =	simm.s32 $0x160;
	s20 =	sand.u32 $0xC00, s19;
	s2 =	simm.s32 $0x170;
	v4 =	vld.idx.msk [tilespmem:v0+s3+$0x0 ss:$0x1], $0xffff  }
0x469: {  	s1 =	simm.s32 $0x7120;
	s4 =	sadd.s32 s20, s0;
	s22 =	sand.u32 $0x70, s2  }
0x46a: {  	s25 =	sand.u32 $0x400, s17;
	s7 =	sand.u32 $0xC00, s23;
	s3 =	sadd.s32 s22, s4;
	v1 =	vshrl.u32 v1, $0x2  }
0x46b: {  	s8 =	sand.u32 $0x40, s28;
	s6 =	sand.u32 $0xC00, s21;
	s4 =	sadd.s32 s25, s0;
	v2 =	vshrl.u32 v2, $0x2;
	[tilespmem:s1+$0x10] =	vst v1;
	v1 =	vld.idx.msk [tilespmem:v0+s3+$0x0 ss:$0x1], $0xffff  }
0x46c: {  	s5 =	sand.u32 $0x50, s26;
	s6 =	sadd.s32 s6, s0;
	s4 =	sadd.s32 s8, s4;
	[tilespmem:s1+$0xFFFFFFE0] =	vst v2;
	v2 =	vshrl.u32 v3, $0x2  }
0x46d: {  	s30 =	sand.u32 $0x60, s29;
	s7 =	sadd.s32 s7, s0;
	s31 =	sadd.s32 s5, s6;
	v3 =	vshrl.u32 v4, $0x2;
	[tilespmem:s1+$0xFFFFFFF0] =	vst v2;
	v2 =	vld.idx.msk [tilespmem:v0+s4+$0x800 ss:$0x1], $0xffff  }
0x46e: {  	s5 =	sadd.s32 s30, s7;
	s3 =	simm.s32 $0x4;
	[tilespmem:s1+$0x0] =	vst v3;
	v3 =	vld.idx.msk [tilespmem:v0+s31+$0x0 ss:$0x1], $0xffff;
	s4 =	simm.s32 $0x400  }
.LBB2_16:
0x46f: {  	s6 =	sadd.s32 $0x980, s4  }
0x470: {  	s3 =	sadd.s32 $0x4, s3;
	v4 =	vld.idx.msk [tilespmem:v0+s5+$0x0 ss:$0x1], $0xffff;
	v1 =	vshrl.u32 v1, $0x2;
	s1 =	sadd.s32 $0x40, s1;
	s2 =	sadd.s32 $0x40, s2  }
0x471: {  	s8 =	sadd.s32 $0x900, s4;
	s5 =	sand.u32 $0xC00, s6;
	p0 =	slt.u32 s3, $0xC;
	[tilespmem:s1+$0x10] =	vst v1  }
0x472: {  	s6 =	sadd.s32 $0x880, s4;
	s7 =	sand.u32 $0x70, s2;
	s5 =	sadd.s32 s5, s0  }
0x473: {  	s9 =	sadd.s32 $0xFFFFFFE0, s2;
	s6 =	sand.u32 $0xC00, s6;
	s5 =	sadd.s32 s7, s5  }
0x474: {  	s8 =	sand.u32 $0xC00, s8;
	s10 =	sadd.s32 $0xFFFFFFF0, s2;
	s7 =	sand.u32 $0x400, s4;
	v2 =	vshrl.u32 v2, $0x2;
	v1 =	vld.idx.msk [tilespmem:v0+s5+$0x0 ss:$0x1], $0xffff  }
.Ltmp11:
0x475: {  	s6 =	sadd.s32 s6, s0;
	s5 =	sadd.s32 $0xFFFFFED0, s2;
	[tilespmem:s1+$0xFFFFFFE0] =	vst v2;
	v2 =	vshrl.u32 v3, $0x2;
	(pc) =	sbr.rel @p0 .LBB2_16-.Ltmp11, $4  }
0x476: {  	s8 =	sadd.s32 s8, s0;
	s7 =	sadd.s32 s7, s0;
	s5 =	sand.u32 $0x40, s5;
	[tilespmem:s1+$0xFFFFFFF0] =	vst v2;
	v2 =	vshrl.u32 v4, $0x2  }
0x477: {  	s5 =	sadd.s32 s5, s7;
	s7 =	sand.u32 $0x50, s9;
	s9 =	sand.u32 $0x60, s10;
	[tilespmem:s1+$0x0] =	vst v2  }
0x478: {  	s6 =	sadd.s32 s7, s6;
	v2 =	vld.idx.msk [tilespmem:v0+s5+$0x800 ss:$0x1], $0xffff;
	s5 =	sadd.s32 s9, s8  }
0x479: {  	s4 =	sadd.s32 $0x200, s4;
	v3 =	vld.idx.msk [tilespmem:v0+s6+$0x0 ss:$0x1], $0xffff  }
0x47a: {  	_ =	sdelay $0x3  }
0x47b: {  	v0 =	vld.idx.msk [tilespmem:v0+s5+$0x0 ss:$0x1], $0xffff;
	_ =	sdelay $0x1  }
0x47c: {  	v1 =	vshrl.u32 v1, $0x2;
	s0 =	sadd.s32 $0x40, s1  }
0x47d: {  	[tilespmem:s0+$0x10] =	vst v1;
	v61 =	vshrl.u32 v2, $0x2  }
.Ltmp12:
0x47e: {  	[tilespmem:s0+$0xFFFFFFE0] =	vst v61;
	v63 =	vshrl.u32 v3, $0x2;
	(pc) =	sbr.rel .LBB2_18-.Ltmp12, $4  }
0x47f: {  	[tilespmem:s0+$0xFFFFFFF0] =	vst v63;
	v0 =	vshrl.u32 v0, $0x2  }
0x480: {  	[tilespmem:s0+$0x0] =	vst v0  }
0x481: {  	s31 =	simm.s32 $0x100;
	s2 =	simm.s32 $0x7100;
	s0 =	rddreg [dreg:$0x8]  }
0x482: {  	[tilespmem:s15], [sflag:$0x2] =	stream.indirect.gather [hbm4b:s0+s31], $0x80, s2, s31, $0xb8;
	[tilespmem:$0x1B200] =	vst v63  }
.LBB2_20:
0x483: {  	_ =	sfence.sel $0x180000  }
0x484: {  	[bflag:$0x0] =	sbarrier.arrive $0xFFFF  }
0x485: {  	_ =	strace $0x90000047  }
0x486: {  	s0 =	stileid.u32;
	[bflag:$0x2] =	sbarrier.arrive $0xFFFF  }
0x487: {  	p0 =	sne.s32 s0, $0x0;
	s0 =	rddreg [dreg:$0x3]  }
0x488: {  	s0 =	sadd.s32 @!p0 $0x100000, s0  }
0x489: {  	[sflag:s0] =	ssyncadd.tile.s32 @!p0 $0x1;
	_ =	shalt  }
.Lfunc_end2:
_tile_overlayer_lowered:
.L_overlay_start_2:
0x48a: {  	(tag) =	ssettag $0x2  }
0x48b: {  	s0 =	rddreg [dreg:$0x0];
	s2 =	stileid.u32  }
0x48c: {  	s1 =	rddreg [dreg:$0x1];
	p0 =	sne.s32 s2, $0x0  }
0x48d: {  	s3 =	rddreg [dreg:$0x2];
	[bflag:$0x3] =	sbarrier.arrive $0xFFFF;
	s2 =	simm.s32 @!p0 $0x1C04  }
0x48e: {  	[timem:s3], [sflag:s2] =	dma.local @!p0 [hbm:s0], s1  }
0x48f: {  	s0 =	simm.s32 @!p0 $0x4  }
0x490: {  	_ =	swait.ge @!p0 [sflag:s0], s1  }
0x491: {  	s1 =	ssub.s32 @!p0 $0x0, s1;
	[sflag:s0] =	ssyncset.done @!p0 $0x0  }
0x492: {  	[sflag:s0] =	ssyncadd.s32 @!p0 s1  }
0x493: {  	[bflag:$0x3] =	sbarrier.arrive $0xFFFF  }
0x494: {  	_ =	shalt  }

</sc_bundles>
